<compile_context>
chip_gen: v7x
topology: tpu7x:2x2x1
jax: 0.10.2.dev20260603
libtpu: 0.0.44.dev20260713+nightly
codegen_flags: <defaults>
</compile_context>

<pallas_src>
import jax
import jax.numpy as jnp
from jax import lax
from jax.experimental import pallas as pl
from jax.experimental.pallas import tpu as pltpu
from jax.experimental.pallas import tpu_sc as plsc

_L = 16
_N_RES = 256
_C_S = 384
_N_ATOM = 1024
_C_OUT = 2
_NC = 2
_NS = 16
_ATOMS_PER_W = _N_ATOM // (_NC * _NS)


def _allsum(v, lane):
    for sh in (1, 2, 4, 8):
        v = v + v.at[lane ^ sh].get(mode="promise_in_bounds")
    return v


def _sc_body(s_hbm, t_hbm, w_hbm, b_hbm, out_hbm,
             s_vmem, w_vmem, b_vmem, t_vmem, sw_tile, sw_full, out_tile,
             sw_shared, sem, sem2, sem3, sem4):
    cid = lax.axis_index("c")
    sid = lax.axis_index("s")
    wid = sid * _NC + cid

    lane = lax.iota(jnp.int32, _L)

    s_copy = pltpu.async_copy(
        s_hbm.at[0, pl.ds(sid * _L, _L), :], s_vmem, sem2)
    w_copy = pltpu.async_copy(w_hbm, w_vmem, sem3)
    b_copy = pltpu.async_copy(b_hbm, b_vmem.at[pl.ds(0, _C_OUT)], sem4)
    t_copy = pltpu.async_copy(
        t_hbm.at[0, pl.ds(wid * _ATOMS_PER_W, _ATOMS_PER_W), :], t_vmem, sem)
    s_copy.wait()
    w_copy.wait()
    b_copy.wait()

    nk = _C_S // _L

    def p1_kblock(k, accs):
        w0 = w_vmem[0, pl.ds(k * _L, _L)]
        w1 = w_vmem[1, pl.ds(k * _L, _L)]
        new = []
        for j in range(_L):
            sv = s_vmem[j, pl.ds(k * _L, _L)]
            new.append(accs[2 * j] + sv * w0)
            new.append(accs[2 * j + 1] + sv * w1)
        return tuple(new)

    z = jnp.zeros((_L,), jnp.float32)
    accs = lax.fori_loop(0, nk, p1_kblock, (z,) * (2 * _L))
    packed = [z, z]
    for j in range(_L):
        sel = lane == j
        for c in range(_C_OUT):
            tot = _allsum(accs[2 * j + c], lane)
            packed[c] = jnp.where(sel, tot, packed[c])
    for c in range(_C_OUT):
        sw_tile[pl.ds(c * _L, _L)] = packed[c]
    pltpu.sync_copy(sw_tile, sw_shared.at[pl.ds(sid * 2 * _L, 2 * _L)])
    plsc.subcore_barrier()
    pltpu.sync_copy(sw_shared, sw_full)

    bvec = b_vmem[pl.ds(0, _L)]
    bias_pair = bvec.at[lane & 1].get(mode="promise_in_bounds")

    t_copy.wait()
    nr = _N_RES // _L

    z = jnp.zeros((_L,), jnp.float32)

    def p2_group(g, _):
        def p2_kblock(k, accs):
            sw0 = sw_full[pl.ds(k * 2 * _L, _L)]
            sw1 = sw_full[pl.ds(k * 2 * _L + _L, _L)]
            new = []
            for a_loc in range(8):
                tv = t_vmem[g * 8 + a_loc, pl.ds(k * _L, _L)]
                new.append(accs[2 * a_loc] + tv * sw0)
                new.append(accs[2 * a_loc + 1] + tv * sw1)
            return tuple(new)

        accs = lax.fori_loop(0, nr, p2_kblock, (z,) * 16)
        packed = z
        for a_loc in range(8):
            for c in range(_C_OUT):
                tot = _allsum(accs[2 * a_loc + c], lane)
                packed = jnp.where(lane == (a_loc * _C_OUT + c), tot, packed)
        out_tile[pl.ds(g * _L, _L)] = packed + bias_pair
        return 0

    lax.fori_loop(0, _ATOMS_PER_W // 8, p2_group, 0)
    pltpu.sync_copy(
        out_tile,
        out_hbm.at[pl.ds(wid * _ATOMS_PER_W * _C_OUT, _ATOMS_PER_W * _C_OUT)])


def kernel(s, token_to_atom_idx, W, b):
    B, n_res, c_s = s.shape
    _, n_atom, _ = token_to_atom_idx.shape
    c_out = W.shape[0]
    f = pl.kernel(
        _sc_body,
        out_type=jax.ShapeDtypeStruct((n_atom * c_out,), jnp.float32),
        mesh=plsc.VectorSubcoreMesh(core_axis_name="c", subcore_axis_name="s"),
        scratch_types=[
            pltpu.VMEM((_L, _C_S), jnp.float32),
            pltpu.VMEM((_C_OUT, _C_S), jnp.float32),
            pltpu.VMEM((_L,), jnp.float32),
            pltpu.VMEM((_ATOMS_PER_W, _N_RES), jnp.float32),
            pltpu.VMEM((_C_OUT * _L,), jnp.float32),
            pltpu.VMEM((_C_OUT * _N_RES,), jnp.float32),
            pltpu.VMEM((_ATOMS_PER_W * _C_OUT,), jnp.float32),
            pltpu.VMEM_SHARED((_C_OUT * _N_RES,), jnp.float32),
            pltpu.SemaphoreType.DMA,
            pltpu.SemaphoreType.DMA,
            pltpu.SemaphoreType.DMA,
            pltpu.SemaphoreType.DMA,
        ],
    )
    out = f(s, token_to_atom_idx, W, b)
    return out.reshape(B, n_atom, c_out)

# --- scband reference (transcript-rebuilt; emitter-appended) ---
"""Pipeline reference for scband-experimentally-resolved-head-all-atom-90228672954832 (READ-ONLY COPY).

The authoritative reference and input builder live on the scoring server;
editing this copy changes nothing except your own understanding.
"""

import jax, jax.numpy as jnp
import numpy as np


def setup_inputs(seed: int = 0) -> dict:
    key = jax.random.key(seed)
    k1, k2, k3, k4 = jax.random.split(key, 4)
    B, n_res, n_atom, c_s, c_out = 1, 256, 1024, 384, 2
    # [*, n_res, c_s] single embedding
    s = jax.random.normal(k1, (B, n_res, c_s), dtype=jnp.float32)
    # token -> atom mapping weights (one-hot-like), laid out [*, n_atom, n_res]
    # so that the broadcast-multiply-sum reduces over n_res.
    token_to_atom_idx = jax.random.uniform(k2, (B, n_atom, n_res), dtype=jnp.float32)
    # Linear(c_s -> c_out) parameters
    W = jax.random.normal(k3, (c_out, c_s), dtype=jnp.float32) * 0.02
    b = jnp.zeros((c_out,), dtype=jnp.float32)
    return {"s": s, "token_to_atom_idx": token_to_atom_idx, "W": W, "b": b}


def reference(s, token_to_atom_idx, W, b):
    # Faithful translation of:
    # logits = self.linear(torch.sum(s[..., None, :, :] * token_to_atom_idx.unsqueeze(-1), dim=-2))
    # s[..., None, :, :]          : [*, 1, n_res, c_s]
    # token_to_atom_idx[..., None]: [*, n_atom, n_res, 1]
    # product                     : [*, n_atom, n_res, c_s], summed over n_res
    pooled = jnp.sum(s[..., None, :, :] * token_to_atom_idx[..., None], axis=-2)
    logits = pooled @ W.T + b
    return logits

if __name__ == "__main__":
    import jax
    _d = setup_inputs()
    print(jax.jit(kernel)(*tuple(_d.values())))

</pallas_src>

<mosaic_0001>
#map = affine_map<(d0, d1) -> (0, 0, 0)>
#map1 = affine_map<(d0, d1) -> (0, 0)>
#map2 = affine_map<(d0, d1) -> (0)>
module attributes {stable_mosaic.version = 14 : i64} {
  func.func @_sc_body(%arg0: i32, %arg1: i32, %arg2: memref<1x256x384xf32, #tpu.memory_space<hbm>>, %arg3: memref<1x1024x256xf32, #tpu.memory_space<hbm>>, %arg4: memref<2x384xf32, #tpu.memory_space<hbm>>, %arg5: memref<2xf32, #tpu.memory_space<hbm>>, %arg6: memref<2048xf32, #tpu.memory_space<hbm>>, %arg7: memref<16x384xf32, #tpu.memory_space<vmem>>, %arg8: memref<2x384xf32, #tpu.memory_space<vmem>>, %arg9: memref<16xf32, #tpu.memory_space<vmem>>, %arg10: memref<32x256xf32, #tpu.memory_space<vmem>>, %arg11: memref<32xf32, #tpu.memory_space<vmem>>, %arg12: memref<512xf32, #tpu.memory_space<vmem>>, %arg13: memref<64xf32, #tpu.memory_space<vmem>>, %arg14: memref<512xf32, #tpu.memory_space<vmem_shared>>, %arg15: memref<!tpu.dma_semaphore, #tpu.memory_space<semaphore_mem>>, %arg16: memref<!tpu.dma_semaphore, #tpu.memory_space<semaphore_mem>>, %arg17: memref<!tpu.dma_semaphore, #tpu.memory_space<semaphore_mem>>, %arg18: memref<!tpu.dma_semaphore, #tpu.memory_space<semaphore_mem>>) attributes {dimension_semantics = [#tpu.dimension_semantics<core_parallel>, #tpu.dimension_semantics<subcore_parallel>], iteration_bounds = array<i64: 2, 16>, scalar_prefetch = 0 : i64, scratch_operands = 12 : i64, tpu.core_type = #tpu.core_type<sc_vector_subcore>, window_params = [{transform_indices = #map}, {transform_indices = #map}, {transform_indices = #map1}, {transform_indices = #map2}, {transform_indices = #map2}]} {
    %mul3A = arith.constant 2 : i32
    %mul3A_0 = arith.muli %arg1, %mul3A : i32
    %add3A = arith.addi %mul3A_0, %arg0 : i32
    %iota3A = tpu.iota {dimensions = array<i32: 0>} : vector<16xi32>
    %mul3A_1 = arith.constant 16 : i32
    %mul3A_2 = arith.muli %arg1, %mul3A_1 : i32
    %dma_start3A = arith.constant 0 : i32
    %dma_start3A_3 = arith.constant 0 : i32
    %dma_start3A_4 = tpu.memref_slice %arg2[%dma_start3A, %mul3A_2, %dma_start3A_3] : memref<1x256x384xf32, #tpu.memory_space<hbm>> -> memref<1x16x384xf32, #tpu.memory_space<hbm>>
    %dma_start3A_5 = tpu.memref_squeeze %dma_start3A_4 : memref<1x16x384xf32, #tpu.memory_space<hbm>> -> memref<16x384xf32, #tpu.memory_space<hbm>>
    %dma_start3A_6 = arith.constant 0 : i32
    %dma_start3A_7 = tpu.memref_slice %arg2[%dma_start3A, %mul3A_2, %dma_start3A_6] : memref<1x256x384xf32, #tpu.memory_space<hbm>> -> memref<1x16x384xf32, #tpu.memory_space<hbm>>
    %dma_start3A_8 = tpu.memref_squeeze %dma_start3A_7 : memref<1x16x384xf32, #tpu.memory_space<hbm>> -> memref<16x384xf32, #tpu.memory_space<hbm>>
    tpu.enqueue_dma source(%dma_start3A_8 : memref<16x384xf32, #tpu.memory_space<hbm>>) target(%arg7 : memref<16x384xf32, #tpu.memory_space<vmem>>) target_semaphore(%arg16 : memref<!tpu.dma_semaphore, #tpu.memory_space<semaphore_mem>>)
    tpu.enqueue_dma source(%arg4 : memref<2x384xf32, #tpu.memory_space<hbm>>) target(%arg8 : memref<2x384xf32, #tpu.memory_space<vmem>>) target_semaphore(%arg17 : memref<!tpu.dma_semaphore, #tpu.memory_space<semaphore_mem>>)
    %dma_start3A_9 = arith.constant 0 : i32
    %dma_start3A_10 = tpu.memref_slice %arg9[%dma_start3A_9] : memref<16xf32, #tpu.memory_space<vmem>> -> memref<2xf32, #tpu.memory_space<vmem>>
    %dma_start3A_11 = arith.constant 0 : i32
    %dma_start3A_12 = tpu.memref_slice %arg9[%dma_start3A_11] : memref<16xf32, #tpu.memory_space<vmem>> -> memref<2xf32, #tpu.memory_space<vmem>>
    tpu.enqueue_dma source(%arg5 : memref<2xf32, #tpu.memory_space<hbm>>) target(%dma_start3A_12 : memref<2xf32, #tpu.memory_space<vmem>>) target_semaphore(%arg18 : memref<!tpu.dma_semaphore, #tpu.memory_space<semaphore_mem>>)
    %mul3A_13 = arith.constant 32 : i32
    %mul3A_14 = arith.muli %add3A, %mul3A_13 : i32
    %dma_start3A_15 = arith.constant 0 : i32
    %dma_start3A_16 = arith.constant 0 : i32
    %dma_start3A_17 = tpu.memref_slice %arg3[%dma_start3A_15, %mul3A_14, %dma_start3A_16] : memref<1x1024x256xf32, #tpu.memory_space<hbm>> -> memref<1x32x256xf32, #tpu.memory_space<hbm>>
    %dma_start3A_18 = tpu.memref_squeeze %dma_start3A_17 : memref<1x32x256xf32, #tpu.memory_space<hbm>> -> memref<32x256xf32, #tpu.memory_space<hbm>>
    %dma_start3A_19 = arith.constant 0 : i32
    %dma_start3A_20 = tpu.memref_slice %arg3[%dma_start3A_15, %mul3A_14, %dma_start3A_19] : memref<1x1024x256xf32, #tpu.memory_space<hbm>> -> memref<1x32x256xf32, #tpu.memory_space<hbm>>
    %dma_start3A_21 = tpu.memref_squeeze %dma_start3A_20 : memref<1x32x256xf32, #tpu.memory_space<hbm>> -> memref<32x256xf32, #tpu.memory_space<hbm>>
    tpu.enqueue_dma source(%dma_start3A_21 : memref<32x256xf32, #tpu.memory_space<hbm>>) target(%arg10 : memref<32x256xf32, #tpu.memory_space<vmem>>) target_semaphore(%arg15 : memref<!tpu.dma_semaphore, #tpu.memory_space<semaphore_mem>>)
    %dma_wait3A = arith.constant 0 : i32
    %dma_wait3A_22 = arith.constant 0 : i32
    %dma_wait3A_23 = tpu.memref_slice %arg2[%dma_wait3A, %mul3A_2, %dma_wait3A_22] : memref<1x256x384xf32, #tpu.memory_space<hbm>> -> memref<1x16x384xf32, #tpu.memory_space<hbm>>
    %dma_wait3A_24 = tpu.memref_squeeze %dma_wait3A_23 : memref<1x16x384xf32, #tpu.memory_space<hbm>> -> memref<16x384xf32, #tpu.memory_space<hbm>>
    %dma_wait3A_25 = arith.constant 0 : i32
    %dma_wait3A_26 = tpu.memref_slice %arg2[%dma_wait3A, %mul3A_2, %dma_wait3A_25] : memref<1x256x384xf32, #tpu.memory_space<hbm>> -> memref<1x16x384xf32, #tpu.memory_space<hbm>>
    %dma_wait3A_27 = tpu.memref_squeeze %dma_wait3A_26 : memref<1x16x384xf32, #tpu.memory_space<hbm>> -> memref<16x384xf32, #tpu.memory_space<hbm>>
    tpu.wait_dma2 semaphore(%arg16 : memref<!tpu.dma_semaphore, #tpu.memory_space<semaphore_mem>>) src(%dma_wait3A_27 : memref<16x384xf32, #tpu.memory_space<hbm>>) dst(%arg7 : memref<16x384xf32, #tpu.memory_space<vmem>>)
    tpu.wait_dma2 semaphore(%arg17 : memref<!tpu.dma_semaphore, #tpu.memory_space<semaphore_mem>>) src(%arg4 : memref<2x384xf32, #tpu.memory_space<hbm>>) dst(%arg8 : memref<2x384xf32, #tpu.memory_space<vmem>>)
    %dma_wait3A_28 = arith.constant 0 : i32
    %dma_wait3A_29 = tpu.memref_slice %arg9[%dma_wait3A_28] : memref<16xf32, #tpu.memory_space<vmem>> -> memref<2xf32, #tpu.memory_space<vmem>>
    %dma_wait3A_30 = arith.constant 0 : i32
    %dma_wait3A_31 = tpu.memref_slice %arg9[%dma_wait3A_30] : memref<16xf32, #tpu.memory_space<vmem>> -> memref<2xf32, #tpu.memory_space<vmem>>
    tpu.wait_dma2 semaphore(%arg18 : memref<!tpu.dma_semaphore, #tpu.memory_space<semaphore_mem>>) src(%arg5 : memref<2xf32, #tpu.memory_space<hbm>>) dst(%dma_wait3A_31 : memref<2xf32, #tpu.memory_space<vmem>>)
    %broadcast_in_dim3A = arith.constant 0.000000e+00 : f32
    %broadcast_in_dim3A_32 = vector.broadcast %broadcast_in_dim3A : f32 to vector<16xf32>
    %scan3A = arith.constant 0 : i32
    %scan3A_33 = arith.constant 24 : i32
    %scan3A_34 = arith.addi %scan3A, %scan3A_33 : i32
    %scan3A_35 = arith.constant 1 : i32
    %scan3A_36:32 = scf.for %scan3A_1950 = %scan3A to %scan3A_34 step %scan3A_35 iter_args(%scan3A_1951 = %broadcast_in_dim3A_32, %scan3A_1952 = %broadcast_in_dim3A_32, %scan3A_1953 = %broadcast_in_dim3A_32, %scan3A_1954 = %broadcast_in_dim3A_32, %scan3A_1955 = %broadcast_in_dim3A_32, %scan3A_1956 = %broadcast_in_dim3A_32, %scan3A_1957 = %broadcast_in_dim3A_32, %scan3A_1958 = %broadcast_in_dim3A_32, %scan3A_1959 = %broadcast_in_dim3A_32, %scan3A_1960 = %broadcast_in_dim3A_32, %scan3A_1961 = %broadcast_in_dim3A_32, %scan3A_1962 = %broadcast_in_dim3A_32, %scan3A_1963 = %broadcast_in_dim3A_32, %scan3A_1964 = %broadcast_in_dim3A_32, %scan3A_1965 = %broadcast_in_dim3A_32, %scan3A_1966 = %broadcast_in_dim3A_32, %scan3A_1967 = %broadcast_in_dim3A_32, %scan3A_1968 = %broadcast_in_dim3A_32, %scan3A_1969 = %broadcast_in_dim3A_32, %scan3A_1970 = %broadcast_in_dim3A_32, %scan3A_1971 = %broadcast_in_dim3A_32, %scan3A_1972 = %broadcast_in_dim3A_32, %scan3A_1973 = %broadcast_in_dim3A_32, %scan3A_1974 = %broadcast_in_dim3A_32, %scan3A_1975 = %broadcast_in_dim3A_32, %scan3A_1976 = %broadcast_in_dim3A_32, %scan3A_1977 = %broadcast_in_dim3A_32, %scan3A_1978 = %broadcast_in_dim3A_32, %scan3A_1979 = %broadcast_in_dim3A_32, %scan3A_1980 = %broadcast_in_dim3A_32, %scan3A_1981 = %broadcast_in_dim3A_32, %scan3A_1982 = %broadcast_in_dim3A_32) -> (vector<16xf32>, vector<16xf32>, vector<16xf32>, vector<16xf32>, vector<16xf32>, vector<16xf32>, vector<16xf32>, vector<16xf32>, vector<16xf32>, vector<16xf32>, vector<16xf32>, vector<16xf32>, vector<16xf32>, vector<16xf32>, vector<16xf32>, vector<16xf32>, vector<16xf32>, vector<16xf32>, vector<16xf32>, vector<16xf32>, vector<16xf32>, vector<16xf32>, vector<16xf32>, vector<16xf32>, vector<16xf32>, vector<16xf32>, vector<16xf32>, vector<16xf32>, vector<16xf32>, vector<16xf32>, vector<16xf32>, vector<16xf32>)  : i32 {
      %mul3A_1983 = arith.constant 16 : i32
      %mul3A_1984 = arith.muli %scan3A_1950, %mul3A_1983 : i32
      %get3A_1985 = arith.constant 0 : i32
      %get3A_1986 = arith.index_cast %get3A_1985 : i32 to index
      %get3A_1987 = arith.index_cast %mul3A_1984 : i32 to index
      %get3A_1988 = tpu.vector_load %arg8[%get3A_1986, %get3A_1987] {strides = array<i32>} : memref<2x384xf32, #tpu.memory_space<vmem>>, vector<1x16xf32>,
      %get3A_1989 = vector.shape_cast %get3A_1988 : vector<1x16xf32> to vector<16xf32>
      %mul3A_1990 = arith.constant 16 : i32
      %mul3A_1991 = arith.muli %scan3A_1950, %mul3A_1990 : i32
      %get3A_1992 = arith.constant 1 : i32
      %get3A_1993 = arith.index_cast %get3A_1992 : i32 to index
      %get3A_1994 = arith.index_cast %mul3A_1991 : i32 to index
      %get3A_1995 = tpu.vector_load %arg8[%get3A_1993, %get3A_1994] {strides = array<i32>} : memref<2x384xf32, #tpu.memory_space<vmem>>, vector<1x16xf32>,
      %get3A_1996 = vector.shape_cast %get3A_1995 : vector<1x16xf32> to vector<16xf32>
      %mul3A_1997 = arith.constant 16 : i32
      %mul3A_1998 = arith.muli %scan3A_1950, %mul3A_1997 : i32
      %get3A_1999 = arith.constant 0 : i32
      %get3A_2000 = arith.index_cast %get3A_1999 : i32 to index
      %get3A_2001 = arith.index_cast %mul3A_1998 : i32 to index
      %get3A_2002 = tpu.vector_load %arg7[%get3A_2000, %get3A_2001] {strides = array<i32>} : memref<16x384xf32, #tpu.memory_space<vmem>>, vector<1x16xf32>,
      %get3A_2003 = vector.shape_cast %get3A_2002 : vector<1x16xf32> to vector<16xf32>
      %mul3A_2004 = arith.mulf %get3A_2003, %get3A_1989 : vector<16xf32>
      %add3A_2005 = arith.addf %scan3A_1951, %mul3A_2004 : vector<16xf32>
      %mul3A_2006 = arith.mulf %get3A_2003, %get3A_1996 : vector<16xf32>
      %add3A_2007 = arith.addf %scan3A_1952, %mul3A_2006 : vector<16xf32>
      %mul3A_2008 = arith.constant 16 : i32
      %mul3A_2009 = arith.muli %scan3A_1950, %mul3A_2008 : i32
      %get3A_2010 = arith.constant 1 : i32
      %get3A_2011 = arith.index_cast %get3A_2010 : i32 to index
      %get3A_2012 = arith.index_cast %mul3A_2009 : i32 to index
      %get3A_2013 = tpu.vector_load %arg7[%get3A_2011, %get3A_2012] {strides = array<i32>} : memref<16x384xf32, #tpu.memory_space<vmem>>, vector<1x16xf32>,
      %get3A_2014 = vector.shape_cast %get3A_2013 : vector<1x16xf32> to vector<16xf32>
      %mul3A_2015 = arith.mulf %get3A_2014, %get3A_1989 : vector<16xf32>
      %add3A_2016 = arith.addf %scan3A_1953, %mul3A_2015 : vector<16xf32>
      %mul3A_2017 = arith.mulf %get3A_2014, %get3A_1996 : vector<16xf32>
      %add3A_2018 = arith.addf %scan3A_1954, %mul3A_2017 : vector<16xf32>
      %mul3A_2019 = arith.constant 16 : i32
      %mul3A_2020 = arith.muli %scan3A_1950, %mul3A_2019 : i32
      %get3A_2021 = arith.constant 2 : i32
      %get3A_2022 = arith.index_cast %get3A_2021 : i32 to index
      %get3A_2023 = arith.index_cast %mul3A_2020 : i32 to index
      %get3A_2024 = tpu.vector_load %arg7[%get3A_2022, %get3A_2023] {strides = array<i32>} : memref<16x384xf32, #tpu.memory_space<vmem>>, vector<1x16xf32>,
      %get3A_2025 = vector.shape_cast %get3A_2024 : vector<1x16xf32> to vector<16xf32>
      %mul3A_2026 = arith.mulf %get3A_2025, %get3A_1989 : vector<16xf32>
      %add3A_2027 = arith.addf %scan3A_1955, %mul3A_2026 : vector<16xf32>
      %mul3A_2028 = arith.mulf %get3A_2025, %get3A_1996 : vector<16xf32>
      %add3A_2029 = arith.addf %scan3A_1956, %mul3A_2028 : vector<16xf32>
      %mul3A_2030 = arith.constant 16 : i32
      %mul3A_2031 = arith.muli %scan3A_1950, %mul3A_2030 : i32
      %get3A_2032 = arith.constant 3 : i32
      %get3A_2033 = arith.index_cast %get3A_2032 : i32 to index
      %get3A_2034 = arith.index_cast %mul3A_2031 : i32 to index
      %get3A_2035 = tpu.vector_load %arg7[%get3A_2033, %get3A_2034] {strides = array<i32>} : memref<16x384xf32, #tpu.memory_space<vmem>>, vector<1x16xf32>,
      %get3A_2036 = vector.shape_cast %get3A_2035 : vector<1x16xf32> to vector<16xf32>
      %mul3A_2037 = arith.mulf %get3A_2036, %get3A_1989 : vector<16xf32>
      %add3A_2038 = arith.addf %scan3A_1957, %mul3A_2037 : vector<16xf32>
      %mul3A_2039 = arith.mulf %get3A_2036, %get3A_1996 : vector<16xf32>
      %add3A_2040 = arith.addf %scan3A_1958, %mul3A_2039 : vector<16xf32>
      %mul3A_2041 = arith.constant 16 : i32
      %mul3A_2042 = arith.muli %scan3A_1950, %mul3A_2041 : i32
      %get3A_2043 = arith.constant 4 : i32
      %get3A_2044 = arith.index_cast %get3A_2043 : i32 to index
      %get3A_2045 = arith.index_cast %mul3A_2042 : i32 to index
      %get3A_2046 = tpu.vector_load %arg7[%get3A_2044, %get3A_2045] {strides = array<i32>} : memref<16x384xf32, #tpu.memory_space<vmem>>, vector<1x16xf32>,
      %get3A_2047 = vector.shape_cast %get3A_2046 : vector<1x16xf32> to vector<16xf32>
      %mul3A_2048 = arith.mulf %get3A_2047, %get3A_1989 : vector<16xf32>
      %add3A_2049 = arith.addf %scan3A_1959, %mul3A_2048 : vector<16xf32>
      %mul3A_2050 = arith.mulf %get3A_2047, %get3A_1996 : vector<16xf32>
      %add3A_2051 = arith.addf %scan3A_1960, %mul3A_2050 : vector<16xf32>
      %mul3A_2052 = arith.constant 16 : i32
      %mul3A_2053 = arith.muli %scan3A_1950, %mul3A_2052 : i32
      %get3A_2054 = arith.constant 5 : i32
      %get3A_2055 = arith.index_cast %get3A_2054 : i32 to index
      %get3A_2056 = arith.index_cast %mul3A_2053 : i32 to index
      %get3A_2057 = tpu.vector_load %arg7[%get3A_2055, %get3A_2056] {strides = array<i32>} : memref<16x384xf32, #tpu.memory_space<vmem>>, vector<1x16xf32>,
      %get3A_2058 = vector.shape_cast %get3A_2057 : vector<1x16xf32> to vector<16xf32>
      %mul3A_2059 = arith.mulf %get3A_2058, %get3A_1989 : vector<16xf32>
      %add3A_2060 = arith.addf %scan3A_1961, %mul3A_2059 : vector<16xf32>
      %mul3A_2061 = arith.mulf %get3A_2058, %get3A_1996 : vector<16xf32>
      %add3A_2062 = arith.addf %scan3A_1962, %mul3A_2061 : vector<16xf32>
      %mul3A_2063 = arith.constant 16 : i32
      %mul3A_2064 = arith.muli %scan3A_1950, %mul3A_2063 : i32
      %get3A_2065 = arith.constant 6 : i32
      %get3A_2066 = arith.index_cast %get3A_2065 : i32 to index
      %get3A_2067 = arith.index_cast %mul3A_2064 : i32 to index
      %get3A_2068 = tpu.vector_load %arg7[%get3A_2066, %get3A_2067] {strides = array<i32>} : memref<16x384xf32, #tpu.memory_space<vmem>>, vector<1x16xf32>,
      %get3A_2069 = vector.shape_cast %get3A_2068 : vector<1x16xf32> to vector<16xf32>
      %mul3A_2070 = arith.mulf %get3A_2069, %get3A_1989 : vector<16xf32>
      %add3A_2071 = arith.addf %scan3A_1963, %mul3A_2070 : vector<16xf32>
      %mul3A_2072 = arith.mulf %get3A_2069, %get3A_1996 : vector<16xf32>
      %add3A_2073 = arith.addf %scan3A_1964, %mul3A_2072 : vector<16xf32>
      %mul3A_2074 = arith.constant 16 : i32
      %mul3A_2075 = arith.muli %scan3A_1950, %mul3A_2074 : i32
      %get3A_2076 = arith.constant 7 : i32
      %get3A_2077 = arith.index_cast %get3A_2076 : i32 to index
      %get3A_2078 = arith.index_cast %mul3A_2075 : i32 to index
      %get3A_2079 = tpu.vector_load %arg7[%get3A_2077, %get3A_2078] {strides = array<i32>} : memref<16x384xf32, #tpu.memory_space<vmem>>, vector<1x16xf32>,
      %get3A_2080 = vector.shape_cast %get3A_2079 : vector<1x16xf32> to vector<16xf32>
      %mul3A_2081 = arith.mulf %get3A_2080, %get3A_1989 : vector<16xf32>
      %add3A_2082 = arith.addf %scan3A_1965, %mul3A_2081 : vector<16xf32>
      %mul3A_2083 = arith.mulf %get3A_2080, %get3A_1996 : vector<16xf32>
      %add3A_2084 = arith.addf %scan3A_1966, %mul3A_2083 : vector<16xf32>
      %mul3A_2085 = arith.constant 16 : i32
      %mul3A_2086 = arith.muli %scan3A_1950, %mul3A_2085 : i32
      %get3A_2087 = arith.constant 8 : i32
      %get3A_2088 = arith.index_cast %get3A_2087 : i32 to index
      %get3A_2089 = arith.index_cast %mul3A_2086 : i32 to index
      %get3A_2090 = tpu.vector_load %arg7[%get3A_2088, %get3A_2089] {strides = array<i32>} : memref<16x384xf32, #tpu.memory_space<vmem>>, vector<1x16xf32>,
      %get3A_2091 = vector.shape_cast %get3A_2090 : vector<1x16xf32> to vector<16xf32>
      %mul3A_2092 = arith.mulf %get3A_2091, %get3A_1989 : vector<16xf32>
      %add3A_2093 = arith.addf %scan3A_1967, %mul3A_2092 : vector<16xf32>
      %mul3A_2094 = arith.mulf %get3A_2091, %get3A_1996 : vector<16xf32>
      %add3A_2095 = arith.addf %scan3A_1968, %mul3A_2094 : vector<16xf32>
      %mul3A_2096 = arith.constant 16 : i32
      %mul3A_2097 = arith.muli %scan3A_1950, %mul3A_2096 : i32
      %get3A_2098 = arith.constant 9 : i32
      %get3A_2099 = arith.index_cast %get3A_2098 : i32 to index
      %get3A_2100 = arith.index_cast %mul3A_2097 : i32 to index
      %get3A_2101 = tpu.vector_load %arg7[%get3A_2099, %get3A_2100] {strides = array<i32>} : memref<16x384xf32, #tpu.memory_space<vmem>>, vector<1x16xf32>,
      %get3A_2102 = vector.shape_cast %get3A_2101 : vector<1x16xf32> to vector<16xf32>
      %mul3A_2103 = arith.mulf %get3A_2102, %get3A_1989 : vector<16xf32>
      %add3A_2104 = arith.addf %scan3A_1969, %mul3A_2103 : vector<16xf32>
      %mul3A_2105 = arith.mulf %get3A_2102, %get3A_1996 : vector<16xf32>
      %add3A_2106 = arith.addf %scan3A_1970, %mul3A_2105 : vector<16xf32>
      %mul3A_2107 = arith.constant 16 : i32
      %mul3A_2108 = arith.muli %scan3A_1950, %mul3A_2107 : i32
      %get3A_2109 = arith.constant 10 : i32
      %get3A_2110 = arith.index_cast %get3A_2109 : i32 to index
      %get3A_2111 = arith.index_cast %mul3A_2108 : i32 to index
      %get3A_2112 = tpu.vector_load %arg7[%get3A_2110, %get3A_2111] {strides = array<i32>} : memref<16x384xf32, #tpu.memory_space<vmem>>, vector<1x16xf32>,
      %get3A_2113 = vector.shape_cast %get3A_2112 : vector<1x16xf32> to vector<16xf32>
      %mul3A_2114 = arith.mulf %get3A_2113, %get3A_1989 : vector<16xf32>
      %add3A_2115 = arith.addf %scan3A_1971, %mul3A_2114 : vector<16xf32>
      %mul3A_2116 = arith.mulf %get3A_2113, %get3A_1996 : vector<16xf32>
      %add3A_2117 = arith.addf %scan3A_1972, %mul3A_2116 : vector<16xf32>
      %mul3A_2118 = arith.constant 16 : i32
      %mul3A_2119 = arith.muli %scan3A_1950, %mul3A_2118 : i32
      %get3A_2120 = arith.constant 11 : i32
      %get3A_2121 = arith.index_cast %get3A_2120 : i32 to index
      %get3A_2122 = arith.index_cast %mul3A_2119 : i32 to index
      %get3A_2123 = tpu.vector_load %arg7[%get3A_2121, %get3A_2122] {strides = array<i32>} : memref<16x384xf32, #tpu.memory_space<vmem>>, vector<1x16xf32>,
      %get3A_2124 = vector.shape_cast %get3A_2123 : vector<1x16xf32> to vector<16xf32>
      %mul3A_2125 = arith.mulf %get3A_2124, %get3A_1989 : vector<16xf32>
      %add3A_2126 = arith.addf %scan3A_1973, %mul3A_2125 : vector<16xf32>
      %mul3A_2127 = arith.mulf %get3A_2124, %get3A_1996 : vector<16xf32>
      %add3A_2128 = arith.addf %scan3A_1974, %mul3A_2127 : vector<16xf32>
      %mul3A_2129 = arith.constant 16 : i32
      %mul3A_2130 = arith.muli %scan3A_1950, %mul3A_2129 : i32
      %get3A_2131 = arith.constant 12 : i32
      %get3A_2132 = arith.index_cast %get3A_2131 : i32 to index
      %get3A_2133 = arith.index_cast %mul3A_2130 : i32 to index
      %get3A_2134 = tpu.vector_load %arg7[%get3A_2132, %get3A_2133] {strides = array<i32>} : memref<16x384xf32, #tpu.memory_space<vmem>>, vector<1x16xf32>,
      %get3A_2135 = vector.shape_cast %get3A_2134 : vector<1x16xf32> to vector<16xf32>
      %mul3A_2136 = arith.mulf %get3A_2135, %get3A_1989 : vector<16xf32>
      %add3A_2137 = arith.addf %scan3A_1975, %mul3A_2136 : vector<16xf32>
      %mul3A_2138 = arith.mulf %get3A_2135, %get3A_1996 : vector<16xf32>
      %add3A_2139 = arith.addf %scan3A_1976, %mul3A_2138 : vector<16xf32>
      %mul3A_2140 = arith.constant 16 : i32
      %mul3A_2141 = arith.muli %scan3A_1950, %mul3A_2140 : i32
      %get3A_2142 = arith.constant 13 : i32
      %get3A_2143 = arith.index_cast %get3A_2142 : i32 to index
      %get3A_2144 = arith.index_cast %mul3A_2141 : i32 to index
      %get3A_2145 = tpu.vector_load %arg7[%get3A_2143, %get3A_2144] {strides = array<i32>} : memref<16x384xf32, #tpu.memory_space<vmem>>, vector<1x16xf32>,
      %get3A_2146 = vector.shape_cast %get3A_2145 : vector<1x16xf32> to vector<16xf32>
      %mul3A_2147 = arith.mulf %get3A_2146, %get3A_1989 : vector<16xf32>
      %add3A_2148 = arith.addf %scan3A_1977, %mul3A_2147 : vector<16xf32>
      %mul3A_2149 = arith.mulf %get3A_2146, %get3A_1996 : vector<16xf32>
      %add3A_2150 = arith.addf %scan3A_1978, %mul3A_2149 : vector<16xf32>
      %mul3A_2151 = arith.constant 16 : i32
      %mul3A_2152 = arith.muli %scan3A_1950, %mul3A_2151 : i32
      %get3A_2153 = arith.constant 14 : i32
      %get3A_2154 = arith.index_cast %get3A_2153 : i32 to index
      %get3A_2155 = arith.index_cast %mul3A_2152 : i32 to index
      %get3A_2156 = tpu.vector_load %arg7[%get3A_2154, %get3A_2155] {strides = array<i32>} : memref<16x384xf32, #tpu.memory_space<vmem>>, vector<1x16xf32>,
      %get3A_2157 = vector.shape_cast %get3A_2156 : vector<1x16xf32> to vector<16xf32>
      %mul3A_2158 = arith.mulf %get3A_2157, %get3A_1989 : vector<16xf32>
      %add3A_2159 = arith.addf %scan3A_1979, %mul3A_2158 : vector<16xf32>
      %mul3A_2160 = arith.mulf %get3A_2157, %get3A_1996 : vector<16xf32>
      %add3A_2161 = arith.addf %scan3A_1980, %mul3A_2160 : vector<16xf32>
      %mul3A_2162 = arith.constant 16 : i32
      %mul3A_2163 = arith.muli %scan3A_1950, %mul3A_2162 : i32
      %get3A_2164 = arith.constant 15 : i32
      %get3A_2165 = arith.index_cast %get3A_2164 : i32 to index
      %get3A_2166 = arith.index_cast %mul3A_2163 : i32 to index
      %get3A_2167 = tpu.vector_load %arg7[%get3A_2165, %get3A_2166] {strides = array<i32>} : memref<16x384xf32, #tpu.memory_space<vmem>>, vector<1x16xf32>,
      %get3A_2168 = vector.shape_cast %get3A_2167 : vector<1x16xf32> to vector<16xf32>
      %mul3A_2169 = arith.mulf %get3A_2168, %get3A_1989 : vector<16xf32>
      %add3A_2170 = arith.addf %scan3A_1981, %mul3A_2169 : vector<16xf32>
      %mul3A_2171 = arith.mulf %get3A_2168, %get3A_1996 : vector<16xf32>
      %add3A_2172 = arith.addf %scan3A_1982, %mul3A_2171 : vector<16xf32>
      scf.yield %add3A_2005, %add3A_2007, %add3A_2016, %add3A_2018, %add3A_2027, %add3A_2029, %add3A_2038, %add3A_2040, %add3A_2049, %add3A_2051, %add3A_2060, %add3A_2062, %add3A_2071, %add3A_2073, %add3A_2082, %add3A_2084, %add3A_2093, %add3A_2095, %add3A_2104, %add3A_2106, %add3A_2115, %add3A_2117, %add3A_2126, %add3A_2128, %add3A_2137, %add3A_2139, %add3A_2148, %add3A_2150, %add3A_2159, %add3A_2161, %add3A_2170, %add3A_2172 : vector<16xf32>, vector<16xf32>, vector<16xf32>, vector<16xf32>, vector<16xf32>, vector<16xf32>, vector<16xf32>, vector<16xf32>, vector<16xf32>, vector<16xf32>, vector<16xf32>, vector<16xf32>, vector<16xf32>, vector<16xf32>, vector<16xf32>, vector<16xf32>, vector<16xf32>, vector<16xf32>, vector<16xf32>, vector<16xf32>, vector<16xf32>, vector<16xf32>, vector<16xf32>, vector<16xf32>, vector<16xf32>, vector<16xf32>, vector<16xf32>, vector<16xf32>, vector<16xf32>, vector<16xf32>, vector<16xf32>, vector<16xf32>
    }
    %scan3A_37 = arith.constant 24 : i32
    %eq3A = arith.constant 0 : i32
    %eq3A_38 = vector.broadcast %eq3A : i32 to vector<16xi32>
    %eq3A_39 = arith.cmpi eq, %iota3A, %eq3A_38 : vector<16xi32>
    %xor3A = arith.constant 1 : i32
    %xor3A_40 = vector.broadcast %xor3A : i32 to vector<16xi32>
    %xor3A_41 = arith.xori %iota3A, %xor3A_40 : vector<16xi32>
    %lt3A = arith.constant 0 : i32
    %lt3A_42 = vector.broadcast %lt3A : i32 to vector<16xi32>
    %lt3A_43 = arith.cmpi slt, %xor3A_41, %lt3A_42 : vector<16xi32>
    %add3A_44 = arith.constant 16 : i32
    %add3A_45 = vector.broadcast %add3A_44 : i32 to vector<16xi32>
    %add3A_46 = arith.addi %xor3A_41, %add3A_45 : vector<16xi32>
    %select_n3A = arith.select %lt3A_43, %add3A_46, %xor3A_41 : vector<16xi1>, vector<16xi32>
    %broadcast_in_dim3A_47 = vector.shape_cast %select_n3A : vector<16xi32> to vector<16x1xi32>
    %gather3A = vector.shape_cast %broadcast_in_dim3A_47 : vector<16x1xi32> to vector<16xi32>
    %gather3A_48 = tpu.dynamic_gather %scan3A_36#0[%gather3A] in [0] : vector<16xf32>, vector<16xi32> -> vector<16xf32>
    %add3A_49 = arith.addf %scan3A_36#0, %gather3A_48 : vector<16xf32>
    %xor3A_50 = arith.constant 2 : i32
    %xor3A_51 = vector.broadcast %xor3A_50 : i32 to vector<16xi32>
    %xor3A_52 = arith.xori %iota3A, %xor3A_51 : vector<16xi32>
    %lt3A_53 = arith.constant 0 : i32
    %lt3A_54 = vector.broadcast %lt3A_53 : i32 to vector<16xi32>
    %lt3A_55 = arith.cmpi slt, %xor3A_52, %lt3A_54 : vector<16xi32>
    %add3A_56 = arith.constant 16 : i32
    %add3A_57 = vector.broadcast %add3A_56 : i32 to vector<16xi32>
    %add3A_58 = arith.addi %xor3A_52, %add3A_57 : vector<16xi32>
    %select_n3A_59 = arith.select %lt3A_55, %add3A_58, %xor3A_52 : vector<16xi1>, vector<16xi32>
    %broadcast_in_dim3A_60 = vector.shape_cast %select_n3A_59 : vector<16xi32> to vector<16x1xi32>
    %gather3A_61 = vector.shape_cast %broadcast_in_dim3A_60 : vector<16x1xi32> to vector<16xi32>
    %gather3A_62 = tpu.dynamic_gather %add3A_49[%gather3A_61] in [0] : vector<16xf32>, vector<16xi32> -> vector<16xf32>
    %add3A_63 = arith.addf %add3A_49, %gather3A_62 : vector<16xf32>
    %xor3A_64 = arith.constant 4 : i32
    %xor3A_65 = vector.broadcast %xor3A_64 : i32 to vector<16xi32>
    %xor3A_66 = arith.xori %iota3A, %xor3A_65 : vector<16xi32>
    %lt3A_67 = arith.constant 0 : i32
    %lt3A_68 = vector.broadcast %lt3A_67 : i32 to vector<16xi32>
    %lt3A_69 = arith.cmpi slt, %xor3A_66, %lt3A_68 : vector<16xi32>
    %add3A_70 = arith.constant 16 : i32
    %add3A_71 = vector.broadcast %add3A_70 : i32 to vector<16xi32>
    %add3A_72 = arith.addi %xor3A_66, %add3A_71 : vector<16xi32>
    %select_n3A_73 = arith.select %lt3A_69, %add3A_72, %xor3A_66 : vector<16xi1>, vector<16xi32>
    %broadcast_in_dim3A_74 = vector.shape_cast %select_n3A_73 : vector<16xi32> to vector<16x1xi32>
    %gather3A_75 = vector.shape_cast %broadcast_in_dim3A_74 : vector<16x1xi32> to vector<16xi32>
    %gather3A_76 = tpu.dynamic_gather %add3A_63[%gather3A_75] in [0] : vector<16xf32>, vector<16xi32> -> vector<16xf32>
    %add3A_77 = arith.addf %add3A_63, %gather3A_76 : vector<16xf32>
    %xor3A_78 = arith.constant 8 : i32
    %xor3A_79 = vector.broadcast %xor3A_78 : i32 to vector<16xi32>
    %xor3A_80 = arith.xori %iota3A, %xor3A_79 : vector<16xi32>
    %lt3A_81 = arith.constant 0 : i32
    %lt3A_82 = vector.broadcast %lt3A_81 : i32 to vector<16xi32>
    %lt3A_83 = arith.cmpi slt, %xor3A_80, %lt3A_82 : vector<16xi32>
    %add3A_84 = arith.constant 16 : i32
    %add3A_85 = vector.broadcast %add3A_84 : i32 to vector<16xi32>
    %add3A_86 = arith.addi %xor3A_80, %add3A_85 : vector<16xi32>
    %select_n3A_87 = arith.select %lt3A_83, %add3A_86, %xor3A_80 : vector<16xi1>, vector<16xi32>
    %broadcast_in_dim3A_88 = vector.shape_cast %select_n3A_87 : vector<16xi32> to vector<16x1xi32>
    %gather3A_89 = vector.shape_cast %broadcast_in_dim3A_88 : vector<16x1xi32> to vector<16xi32>
    %gather3A_90 = tpu.dynamic_gather %add3A_77[%gather3A_89] in [0] : vector<16xf32>, vector<16xi32> -> vector<16xf32>
    %add3A_91 = arith.addf %add3A_77, %gather3A_90 : vector<16xf32>
    %select_n3A_92 = arith.select %eq3A_39, %add3A_91, %broadcast_in_dim3A_32 : vector<16xi1>, vector<16xf32>
    %xor3A_93 = arith.constant 1 : i32
    %xor3A_94 = vector.broadcast %xor3A_93 : i32 to vector<16xi32>
    %xor3A_95 = arith.xori %iota3A, %xor3A_94 : vector<16xi32>
    %lt3A_96 = arith.constant 0 : i32
    %lt3A_97 = vector.broadcast %lt3A_96 : i32 to vector<16xi32>
    %lt3A_98 = arith.cmpi slt, %xor3A_95, %lt3A_97 : vector<16xi32>
    %add3A_99 = arith.constant 16 : i32
    %add3A_100 = vector.broadcast %add3A_99 : i32 to vector<16xi32>
    %add3A_101 = arith.addi %xor3A_95, %add3A_100 : vector<16xi32>
    %select_n3A_102 = arith.select %lt3A_98, %add3A_101, %xor3A_95 : vector<16xi1>, vector<16xi32>
    %broadcast_in_dim3A_103 = vector.shape_cast %select_n3A_102 : vector<16xi32> to vector<16x1xi32>
    %gather3A_104 = vector.shape_cast %broadcast_in_dim3A_103 : vector<16x1xi32> to vector<16xi32>
    %gather3A_105 = tpu.dynamic_gather %scan3A_36#1[%gather3A_104] in [0] : vector<16xf32>, vector<16xi32> -> vector<16xf32>
    %add3A_106 = arith.addf %scan3A_36#1, %gather3A_105 : vector<16xf32>
    %xor3A_107 = arith.constant 2 : i32
    %xor3A_108 = vector.broadcast %xor3A_107 : i32 to vector<16xi32>
    %xor3A_109 = arith.xori %iota3A, %xor3A_108 : vector<16xi32>
    %lt3A_110 = arith.constant 0 : i32
    %lt3A_111 = vector.broadcast %lt3A_110 : i32 to vector<16xi32>
    %lt3A_112 = arith.cmpi slt, %xor3A_109, %lt3A_111 : vector<16xi32>
    %add3A_113 = arith.constant 16 : i32
    %add3A_114 = vector.broadcast %add3A_113 : i32 to vector<16xi32>
    %add3A_115 = arith.addi %xor3A_109, %add3A_114 : vector<16xi32>
    %select_n3A_116 = arith.select %lt3A_112, %add3A_115, %xor3A_109 : vector<16xi1>, vector<16xi32>
    %broadcast_in_dim3A_117 = vector.shape_cast %select_n3A_116 : vector<16xi32> to vector<16x1xi32>
    %gather3A_118 = vector.shape_cast %broadcast_in_dim3A_117 : vector<16x1xi32> to vector<16xi32>
    %gather3A_119 = tpu.dynamic_gather %add3A_106[%gather3A_118] in [0] : vector<16xf32>, vector<16xi32> -> vector<16xf32>
    %add3A_120 = arith.addf %add3A_106, %gather3A_119 : vector<16xf32>
    %xor3A_121 = arith.constant 4 : i32
    %xor3A_122 = vector.broadcast %xor3A_121 : i32 to vector<16xi32>
    %xor3A_123 = arith.xori %iota3A, %xor3A_122 : vector<16xi32>
    %lt3A_124 = arith.constant 0 : i32
    %lt3A_125 = vector.broadcast %lt3A_124 : i32 to vector<16xi32>
    %lt3A_126 = arith.cmpi slt, %xor3A_123, %lt3A_125 : vector<16xi32>
    %add3A_127 = arith.constant 16 : i32
    %add3A_128 = vector.broadcast %add3A_127 : i32 to vector<16xi32>
    %add3A_129 = arith.addi %xor3A_123, %add3A_128 : vector<16xi32>
    %select_n3A_130 = arith.select %lt3A_126, %add3A_129, %xor3A_123 : vector<16xi1>, vector<16xi32>
    %broadcast_in_dim3A_131 = vector.shape_cast %select_n3A_130 : vector<16xi32> to vector<16x1xi32>
    %gather3A_132 = vector.shape_cast %broadcast_in_dim3A_131 : vector<16x1xi32> to vector<16xi32>
    %gather3A_133 = tpu.dynamic_gather %add3A_120[%gather3A_132] in [0] : vector<16xf32>, vector<16xi32> -> vector<16xf32>
    %add3A_134 = arith.addf %add3A_120, %gather3A_133 : vector<16xf32>
    %xor3A_135 = arith.constant 8 : i32
    %xor3A_136 = vector.broadcast %xor3A_135 : i32 to vector<16xi32>
    %xor3A_137 = arith.xori %iota3A, %xor3A_136 : vector<16xi32>
    %lt3A_138 = arith.constant 0 : i32
    %lt3A_139 = vector.broadcast %lt3A_138 : i32 to vector<16xi32>
    %lt3A_140 = arith.cmpi slt, %xor3A_137, %lt3A_139 : vector<16xi32>
    %add3A_141 = arith.constant 16 : i32
    %add3A_142 = vector.broadcast %add3A_141 : i32 to vector<16xi32>
    %add3A_143 = arith.addi %xor3A_137, %add3A_142 : vector<16xi32>
    %select_n3A_144 = arith.select %lt3A_140, %add3A_143, %xor3A_137 : vector<16xi1>, vector<16xi32>
    %broadcast_in_dim3A_145 = vector.shape_cast %select_n3A_144 : vector<16xi32> to vector<16x1xi32>
    %gather3A_146 = vector.shape_cast %broadcast_in_dim3A_145 : vector<16x1xi32> to vector<16xi32>
    %gather3A_147 = tpu.dynamic_gather %add3A_134[%gather3A_146] in [0] : vector<16xf32>, vector<16xi32> -> vector<16xf32>
    %add3A_148 = arith.addf %add3A_134, %gather3A_147 : vector<16xf32>
    %select_n3A_149 = arith.select %eq3A_39, %add3A_148, %broadcast_in_dim3A_32 : vector<16xi1>, vector<16xf32>
    %eq3A_150 = arith.constant 1 : i32
    %eq3A_151 = vector.broadcast %eq3A_150 : i32 to vector<16xi32>
    %eq3A_152 = arith.cmpi eq, %iota3A, %eq3A_151 : vector<16xi32>
    %xor3A_153 = arith.constant 1 : i32
    %xor3A_154 = vector.broadcast %xor3A_153 : i32 to vector<16xi32>
    %xor3A_155 = arith.xori %iota3A, %xor3A_154 : vector<16xi32>
    %lt3A_156 = arith.constant 0 : i32
    %lt3A_157 = vector.broadcast %lt3A_156 : i32 to vector<16xi32>
    %lt3A_158 = arith.cmpi slt, %xor3A_155, %lt3A_157 : vector<16xi32>
    %add3A_159 = arith.constant 16 : i32
    %add3A_160 = vector.broadcast %add3A_159 : i32 to vector<16xi32>
    %add3A_161 = arith.addi %xor3A_155, %add3A_160 : vector<16xi32>
    %select_n3A_162 = arith.select %lt3A_158, %add3A_161, %xor3A_155 : vector<16xi1>, vector<16xi32>
    %broadcast_in_dim3A_163 = vector.shape_cast %select_n3A_162 : vector<16xi32> to vector<16x1xi32>
    %gather3A_164 = vector.shape_cast %broadcast_in_dim3A_163 : vector<16x1xi32> to vector<16xi32>
    %gather3A_165 = tpu.dynamic_gather %scan3A_36#2[%gather3A_164] in [0] : vector<16xf32>, vector<16xi32> -> vector<16xf32>
    %add3A_166 = arith.addf %scan3A_36#2, %gather3A_165 : vector<16xf32>
    %xor3A_167 = arith.constant 2 : i32
    %xor3A_168 = vector.broadcast %xor3A_167 : i32 to vector<16xi32>
    %xor3A_169 = arith.xori %iota3A, %xor3A_168 : vector<16xi32>
    %lt3A_170 = arith.constant 0 : i32
    %lt3A_171 = vector.broadcast %lt3A_170 : i32 to vector<16xi32>
    %lt3A_172 = arith.cmpi slt, %xor3A_169, %lt3A_171 : vector<16xi32>
    %add3A_173 = arith.constant 16 : i32
    %add3A_174 = vector.broadcast %add3A_173 : i32 to vector<16xi32>
    %add3A_175 = arith.addi %xor3A_169, %add3A_174 : vector<16xi32>
    %select_n3A_176 = arith.select %lt3A_172, %add3A_175, %xor3A_169 : vector<16xi1>, vector<16xi32>
    %broadcast_in_dim3A_177 = vector.shape_cast %select_n3A_176 : vector<16xi32> to vector<16x1xi32>
    %gather3A_178 = vector.shape_cast %broadcast_in_dim3A_177 : vector<16x1xi32> to vector<16xi32>
    %gather3A_179 = tpu.dynamic_gather %add3A_166[%gather3A_178] in [0] : vector<16xf32>, vector<16xi32> -> vector<16xf32>
    %add3A_180 = arith.addf %add3A_166, %gather3A_179 : vector<16xf32>
    %xor3A_181 = arith.constant 4 : i32
    %xor3A_182 = vector.broadcast %xor3A_181 : i32 to vector<16xi32>
    %xor3A_183 = arith.xori %iota3A, %xor3A_182 : vector<16xi32>
    %lt3A_184 = arith.constant 0 : i32
    %lt3A_185 = vector.broadcast %lt3A_184 : i32 to vector<16xi32>
    %lt3A_186 = arith.cmpi slt, %xor3A_183, %lt3A_185 : vector<16xi32>
    %add3A_187 = arith.constant 16 : i32
    %add3A_188 = vector.broadcast %add3A_187 : i32 to vector<16xi32>
    %add3A_189 = arith.addi %xor3A_183, %add3A_188 : vector<16xi32>
    %select_n3A_190 = arith.select %lt3A_186, %add3A_189, %xor3A_183 : vector<16xi1>, vector<16xi32>
    %broadcast_in_dim3A_191 = vector.shape_cast %select_n3A_190 : vector<16xi32> to vector<16x1xi32>
    %gather3A_192 = vector.shape_cast %broadcast_in_dim3A_191 : vector<16x1xi32> to vector<16xi32>
    %gather3A_193 = tpu.dynamic_gather %add3A_180[%gather3A_192] in [0] : vector<16xf32>, vector<16xi32> -> vector<16xf32>
    %add3A_194 = arith.addf %add3A_180, %gather3A_193 : vector<16xf32>
    %xor3A_195 = arith.constant 8 : i32
    %xor3A_196 = vector.broadcast %xor3A_195 : i32 to vector<16xi32>
    %xor3A_197 = arith.xori %iota3A, %xor3A_196 : vector<16xi32>
    %lt3A_198 = arith.constant 0 : i32
    %lt3A_199 = vector.broadcast %lt3A_198 : i32 to vector<16xi32>
    %lt3A_200 = arith.cmpi slt, %xor3A_197, %lt3A_199 : vector<16xi32>
    %add3A_201 = arith.constant 16 : i32
    %add3A_202 = vector.broadcast %add3A_201 : i32 to vector<16xi32>
    %add3A_203 = arith.addi %xor3A_197, %add3A_202 : vector<16xi32>
    %select_n3A_204 = arith.select %lt3A_200, %add3A_203, %xor3A_197 : vector<16xi1>, vector<16xi32>
    %broadcast_in_dim3A_205 = vector.shape_cast %select_n3A_204 : vector<16xi32> to vector<16x1xi32>
    %gather3A_206 = vector.shape_cast %broadcast_in_dim3A_205 : vector<16x1xi32> to vector<16xi32>
    %gather3A_207 = tpu.dynamic_gather %add3A_194[%gather3A_206] in [0] : vector<16xf32>, vector<16xi32> -> vector<16xf32>
    %add3A_208 = arith.addf %add3A_194, %gather3A_207 : vector<16xf32>
    %select_n3A_209 = arith.select %eq3A_152, %add3A_208, %select_n3A_92 : vector<16xi1>, vector<16xf32>
    %xor3A_210 = arith.constant 1 : i32
    %xor3A_211 = vector.broadcast %xor3A_210 : i32 to vector<16xi32>
    %xor3A_212 = arith.xori %iota3A, %xor3A_211 : vector<16xi32>
    %lt3A_213 = arith.constant 0 : i32
    %lt3A_214 = vector.broadcast %lt3A_213 : i32 to vector<16xi32>
    %lt3A_215 = arith.cmpi slt, %xor3A_212, %lt3A_214 : vector<16xi32>
    %add3A_216 = arith.constant 16 : i32
    %add3A_217 = vector.broadcast %add3A_216 : i32 to vector<16xi32>
    %add3A_218 = arith.addi %xor3A_212, %add3A_217 : vector<16xi32>
    %select_n3A_219 = arith.select %lt3A_215, %add3A_218, %xor3A_212 : vector<16xi1>, vector<16xi32>
    %broadcast_in_dim3A_220 = vector.shape_cast %select_n3A_219 : vector<16xi32> to vector<16x1xi32>
    %gather3A_221 = vector.shape_cast %broadcast_in_dim3A_220 : vector<16x1xi32> to vector<16xi32>
    %gather3A_222 = tpu.dynamic_gather %scan3A_36#3[%gather3A_221] in [0] : vector<16xf32>, vector<16xi32> -> vector<16xf32>
    %add3A_223 = arith.addf %scan3A_36#3, %gather3A_222 : vector<16xf32>
    %xor3A_224 = arith.constant 2 : i32
    %xor3A_225 = vector.broadcast %xor3A_224 : i32 to vector<16xi32>
    %xor3A_226 = arith.xori %iota3A, %xor3A_225 : vector<16xi32>
    %lt3A_227 = arith.constant 0 : i32
    %lt3A_228 = vector.broadcast %lt3A_227 : i32 to vector<16xi32>
    %lt3A_229 = arith.cmpi slt, %xor3A_226, %lt3A_228 : vector<16xi32>
    %add3A_230 = arith.constant 16 : i32
    %add3A_231 = vector.broadcast %add3A_230 : i32 to vector<16xi32>
    %add3A_232 = arith.addi %xor3A_226, %add3A_231 : vector<16xi32>
    %select_n3A_233 = arith.select %lt3A_229, %add3A_232, %xor3A_226 : vector<16xi1>, vector<16xi32>
    %broadcast_in_dim3A_234 = vector.shape_cast %select_n3A_233 : vector<16xi32> to vector<16x1xi32>
    %gather3A_235 = vector.shape_cast %broadcast_in_dim3A_234 : vector<16x1xi32> to vector<16xi32>
    %gather3A_236 = tpu.dynamic_gather %add3A_223[%gather3A_235] in [0] : vector<16xf32>, vector<16xi32> -> vector<16xf32>
    %add3A_237 = arith.addf %add3A_223, %gather3A_236 : vector<16xf32>
    %xor3A_238 = arith.constant 4 : i32
    %xor3A_239 = vector.broadcast %xor3A_238 : i32 to vector<16xi32>
    %xor3A_240 = arith.xori %iota3A, %xor3A_239 : vector<16xi32>
    %lt3A_241 = arith.constant 0 : i32
    %lt3A_242 = vector.broadcast %lt3A_241 : i32 to vector<16xi32>
    %lt3A_243 = arith.cmpi slt, %xor3A_240, %lt3A_242 : vector<16xi32>
    %add3A_244 = arith.constant 16 : i32
    %add3A_245 = vector.broadcast %add3A_244 : i32 to vector<16xi32>
    %add3A_246 = arith.addi %xor3A_240, %add3A_245 : vector<16xi32>
    %select_n3A_247 = arith.select %lt3A_243, %add3A_246, %xor3A_240 : vector<16xi1>, vector<16xi32>
    %broadcast_in_dim3A_248 = vector.shape_cast %select_n3A_247 : vector<16xi32> to vector<16x1xi32>
    %gather3A_249 = vector.shape_cast %broadcast_in_dim3A_248 : vector<16x1xi32> to vector<16xi32>
    %gather3A_250 = tpu.dynamic_gather %add3A_237[%gather3A_249] in [0] : vector<16xf32>, vector<16xi32> -> vector<16xf32>
    %add3A_251 = arith.addf %add3A_237, %gather3A_250 : vector<16xf32>
    %xor3A_252 = arith.constant 8 : i32
    %xor3A_253 = vector.broadcast %xor3A_252 : i32 to vector<16xi32>
    %xor3A_254 = arith.xori %iota3A, %xor3A_253 : vector<16xi32>
    %lt3A_255 = arith.constant 0 : i32
    %lt3A_256 = vector.broadcast %lt3A_255 : i32 to vector<16xi32>
    %lt3A_257 = arith.cmpi slt, %xor3A_254, %lt3A_256 : vector<16xi32>
    %add3A_258 = arith.constant 16 : i32
    %add3A_259 = vector.broadcast %add3A_258 : i32 to vector<16xi32>
    %add3A_260 = arith.addi %xor3A_254, %add3A_259 : vector<16xi32>
    %select_n3A_261 = arith.select %lt3A_257, %add3A_260, %xor3A_254 : vector<16xi1>, vector<16xi32>
    %broadcast_in_dim3A_262 = vector.shape_cast %select_n3A_261 : vector<16xi32> to vector<16x1xi32>
    %gather3A_263 = vector.shape_cast %broadcast_in_dim3A_262 : vector<16x1xi32> to vector<16xi32>
    %gather3A_264 = tpu.dynamic_gather %add3A_251[%gather3A_263] in [0] : vector<16xf32>, vector<16xi32> -> vector<16xf32>
    %add3A_265 = arith.addf %add3A_251, %gather3A_264 : vector<16xf32>
    %select_n3A_266 = arith.select %eq3A_152, %add3A_265, %select_n3A_149 : vector<16xi1>, vector<16xf32>
    %eq3A_267 = arith.constant 2 : i32
    %eq3A_268 = vector.broadcast %eq3A_267 : i32 to vector<16xi32>
    %eq3A_269 = arith.cmpi eq, %iota3A, %eq3A_268 : vector<16xi32>
    %xor3A_270 = arith.constant 1 : i32
    %xor3A_271 = vector.broadcast %xor3A_270 : i32 to vector<16xi32>
    %xor3A_272 = arith.xori %iota3A, %xor3A_271 : vector<16xi32>
    %lt3A_273 = arith.constant 0 : i32
    %lt3A_274 = vector.broadcast %lt3A_273 : i32 to vector<16xi32>
    %lt3A_275 = arith.cmpi slt, %xor3A_272, %lt3A_274 : vector<16xi32>
    %add3A_276 = arith.constant 16 : i32
    %add3A_277 = vector.broadcast %add3A_276 : i32 to vector<16xi32>
    %add3A_278 = arith.addi %xor3A_272, %add3A_277 : vector<16xi32>
    %select_n3A_279 = arith.select %lt3A_275, %add3A_278, %xor3A_272 : vector<16xi1>, vector<16xi32>
    %broadcast_in_dim3A_280 = vector.shape_cast %select_n3A_279 : vector<16xi32> to vector<16x1xi32>
    %gather3A_281 = vector.shape_cast %broadcast_in_dim3A_280 : vector<16x1xi32> to vector<16xi32>
    %gather3A_282 = tpu.dynamic_gather %scan3A_36#4[%gather3A_281] in [0] : vector<16xf32>, vector<16xi32> -> vector<16xf32>
    %add3A_283 = arith.addf %scan3A_36#4, %gather3A_282 : vector<16xf32>
    %xor3A_284 = arith.constant 2 : i32
    %xor3A_285 = vector.broadcast %xor3A_284 : i32 to vector<16xi32>
    %xor3A_286 = arith.xori %iota3A, %xor3A_285 : vector<16xi32>
    %lt3A_287 = arith.constant 0 : i32
    %lt3A_288 = vector.broadcast %lt3A_287 : i32 to vector<16xi32>
    %lt3A_289 = arith.cmpi slt, %xor3A_286, %lt3A_288 : vector<16xi32>
    %add3A_290 = arith.constant 16 : i32
    %add3A_291 = vector.broadcast %add3A_290 : i32 to vector<16xi32>
    %add3A_292 = arith.addi %xor3A_286, %add3A_291 : vector<16xi32>
    %select_n3A_293 = arith.select %lt3A_289, %add3A_292, %xor3A_286 : vector<16xi1>, vector<16xi32>
    %broadcast_in_dim3A_294 = vector.shape_cast %select_n3A_293 : vector<16xi32> to vector<16x1xi32>
    %gather3A_295 = vector.shape_cast %broadcast_in_dim3A_294 : vector<16x1xi32> to vector<16xi32>
    %gather3A_296 = tpu.dynamic_gather %add3A_283[%gather3A_295] in [0] : vector<16xf32>, vector<16xi32> -> vector<16xf32>
    %add3A_297 = arith.addf %add3A_283, %gather3A_296 : vector<16xf32>
    %xor3A_298 = arith.constant 4 : i32
    %xor3A_299 = vector.broadcast %xor3A_298 : i32 to vector<16xi32>
    %xor3A_300 = arith.xori %iota3A, %xor3A_299 : vector<16xi32>
    %lt3A_301 = arith.constant 0 : i32
    %lt3A_302 = vector.broadcast %lt3A_301 : i32 to vector<16xi32>
    %lt3A_303 = arith.cmpi slt, %xor3A_300, %lt3A_302 : vector<16xi32>
    %add3A_304 = arith.constant 16 : i32
    %add3A_305 = vector.broadcast %add3A_304 : i32 to vector<16xi32>
    %add3A_306 = arith.addi %xor3A_300, %add3A_305 : vector<16xi32>
    %select_n3A_307 = arith.select %lt3A_303, %add3A_306, %xor3A_300 : vector<16xi1>, vector<16xi32>
    %broadcast_in_dim3A_308 = vector.shape_cast %select_n3A_307 : vector<16xi32> to vector<16x1xi32>
    %gather3A_309 = vector.shape_cast %broadcast_in_dim3A_308 : vector<16x1xi32> to vector<16xi32>
    %gather3A_310 = tpu.dynamic_gather %add3A_297[%gather3A_309] in [0] : vector<16xf32>, vector<16xi32> -> vector<16xf32>
    %add3A_311 = arith.addf %add3A_297, %gather3A_310 : vector<16xf32>
    %xor3A_312 = arith.constant 8 : i32
    %xor3A_313 = vector.broadcast %xor3A_312 : i32 to vector<16xi32>
    %xor3A_314 = arith.xori %iota3A, %xor3A_313 : vector<16xi32>
    %lt3A_315 = arith.constant 0 : i32
    %lt3A_316 = vector.broadcast %lt3A_315 : i32 to vector<16xi32>
    %lt3A_317 = arith.cmpi slt, %xor3A_314, %lt3A_316 : vector<16xi32>
    %add3A_318 = arith.constant 16 : i32
    %add3A_319 = vector.broadcast %add3A_318 : i32 to vector<16xi32>
    %add3A_320 = arith.addi %xor3A_314, %add3A_319 : vector<16xi32>
    %select_n3A_321 = arith.select %lt3A_317, %add3A_320, %xor3A_314 : vector<16xi1>, vector<16xi32>
    %broadcast_in_dim3A_322 = vector.shape_cast %select_n3A_321 : vector<16xi32> to vector<16x1xi32>
    %gather3A_323 = vector.shape_cast %broadcast_in_dim3A_322 : vector<16x1xi32> to vector<16xi32>
    %gather3A_324 = tpu.dynamic_gather %add3A_311[%gather3A_323] in [0] : vector<16xf32>, vector<16xi32> -> vector<16xf32>
    %add3A_325 = arith.addf %add3A_311, %gather3A_324 : vector<16xf32>
    %select_n3A_326 = arith.select %eq3A_269, %add3A_325, %select_n3A_209 : vector<16xi1>, vector<16xf32>
    %xor3A_327 = arith.constant 1 : i32
    %xor3A_328 = vector.broadcast %xor3A_327 : i32 to vector<16xi32>
    %xor3A_329 = arith.xori %iota3A, %xor3A_328 : vector<16xi32>
    %lt3A_330 = arith.constant 0 : i32
    %lt3A_331 = vector.broadcast %lt3A_330 : i32 to vector<16xi32>
    %lt3A_332 = arith.cmpi slt, %xor3A_329, %lt3A_331 : vector<16xi32>
    %add3A_333 = arith.constant 16 : i32
    %add3A_334 = vector.broadcast %add3A_333 : i32 to vector<16xi32>
    %add3A_335 = arith.addi %xor3A_329, %add3A_334 : vector<16xi32>
    %select_n3A_336 = arith.select %lt3A_332, %add3A_335, %xor3A_329 : vector<16xi1>, vector<16xi32>
    %broadcast_in_dim3A_337 = vector.shape_cast %select_n3A_336 : vector<16xi32> to vector<16x1xi32>
    %gather3A_338 = vector.shape_cast %broadcast_in_dim3A_337 : vector<16x1xi32> to vector<16xi32>
    %gather3A_339 = tpu.dynamic_gather %scan3A_36#5[%gather3A_338] in [0] : vector<16xf32>, vector<16xi32> -> vector<16xf32>
    %add3A_340 = arith.addf %scan3A_36#5, %gather3A_339 : vector<16xf32>
    %xor3A_341 = arith.constant 2 : i32
    %xor3A_342 = vector.broadcast %xor3A_341 : i32 to vector<16xi32>
    %xor3A_343 = arith.xori %iota3A, %xor3A_342 : vector<16xi32>
    %lt3A_344 = arith.constant 0 : i32
    %lt3A_345 = vector.broadcast %lt3A_344 : i32 to vector<16xi32>
    %lt3A_346 = arith.cmpi slt, %xor3A_343, %lt3A_345 : vector<16xi32>
    %add3A_347 = arith.constant 16 : i32
    %add3A_348 = vector.broadcast %add3A_347 : i32 to vector<16xi32>
    %add3A_349 = arith.addi %xor3A_343, %add3A_348 : vector<16xi32>
    %select_n3A_350 = arith.select %lt3A_346, %add3A_349, %xor3A_343 : vector<16xi1>, vector<16xi32>
    %broadcast_in_dim3A_351 = vector.shape_cast %select_n3A_350 : vector<16xi32> to vector<16x1xi32>
    %gather3A_352 = vector.shape_cast %broadcast_in_dim3A_351 : vector<16x1xi32> to vector<16xi32>
    %gather3A_353 = tpu.dynamic_gather %add3A_340[%gather3A_352] in [0] : vector<16xf32>, vector<16xi32> -> vector<16xf32>
    %add3A_354 = arith.addf %add3A_340, %gather3A_353 : vector<16xf32>
    %xor3A_355 = arith.constant 4 : i32
    %xor3A_356 = vector.broadcast %xor3A_355 : i32 to vector<16xi32>
    %xor3A_357 = arith.xori %iota3A, %xor3A_356 : vector<16xi32>
    %lt3A_358 = arith.constant 0 : i32
    %lt3A_359 = vector.broadcast %lt3A_358 : i32 to vector<16xi32>
    %lt3A_360 = arith.cmpi slt, %xor3A_357, %lt3A_359 : vector<16xi32>
    %add3A_361 = arith.constant 16 : i32
    %add3A_362 = vector.broadcast %add3A_361 : i32 to vector<16xi32>
    %add3A_363 = arith.addi %xor3A_357, %add3A_362 : vector<16xi32>
    %select_n3A_364 = arith.select %lt3A_360, %add3A_363, %xor3A_357 : vector<16xi1>, vector<16xi32>
    %broadcast_in_dim3A_365 = vector.shape_cast %select_n3A_364 : vector<16xi32> to vector<16x1xi32>
    %gather3A_366 = vector.shape_cast %broadcast_in_dim3A_365 : vector<16x1xi32> to vector<16xi32>
    %gather3A_367 = tpu.dynamic_gather %add3A_354[%gather3A_366] in [0] : vector<16xf32>, vector<16xi32> -> vector<16xf32>
    %add3A_368 = arith.addf %add3A_354, %gather3A_367 : vector<16xf32>
    %xor3A_369 = arith.constant 8 : i32
    %xor3A_370 = vector.broadcast %xor3A_369 : i32 to vector<16xi32>
    %xor3A_371 = arith.xori %iota3A, %xor3A_370 : vector<16xi32>
    %lt3A_372 = arith.constant 0 : i32
    %lt3A_373 = vector.broadcast %lt3A_372 : i32 to vector<16xi32>
    %lt3A_374 = arith.cmpi slt, %xor3A_371, %lt3A_373 : vector<16xi32>
    %add3A_375 = arith.constant 16 : i32
    %add3A_376 = vector.broadcast %add3A_375 : i32 to vector<16xi32>
    %add3A_377 = arith.addi %xor3A_371, %add3A_376 : vector<16xi32>
    %select_n3A_378 = arith.select %lt3A_374, %add3A_377, %xor3A_371 : vector<16xi1>, vector<16xi32>
    %broadcast_in_dim3A_379 = vector.shape_cast %select_n3A_378 : vector<16xi32> to vector<16x1xi32>
    %gather3A_380 = vector.shape_cast %broadcast_in_dim3A_379 : vector<16x1xi32> to vector<16xi32>
    %gather3A_381 = tpu.dynamic_gather %add3A_368[%gather3A_380] in [0] : vector<16xf32>, vector<16xi32> -> vector<16xf32>
    %add3A_382 = arith.addf %add3A_368, %gather3A_381 : vector<16xf32>
    %select_n3A_383 = arith.select %eq3A_269, %add3A_382, %select_n3A_266 : vector<16xi1>, vector<16xf32>
    %eq3A_384 = arith.constant 3 : i32
    %eq3A_385 = vector.broadcast %eq3A_384 : i32 to vector<16xi32>
    %eq3A_386 = arith.cmpi eq, %iota3A, %eq3A_385 : vector<16xi32>
    %xor3A_387 = arith.constant 1 : i32
    %xor3A_388 = vector.broadcast %xor3A_387 : i32 to vector<16xi32>
    %xor3A_389 = arith.xori %iota3A, %xor3A_388 : vector<16xi32>
    %lt3A_390 = arith.constant 0 : i32
    %lt3A_391 = vector.broadcast %lt3A_390 : i32 to vector<16xi32>
    %lt3A_392 = arith.cmpi slt, %xor3A_389, %lt3A_391 : vector<16xi32>
    %add3A_393 = arith.constant 16 : i32
    %add3A_394 = vector.broadcast %add3A_393 : i32 to vector<16xi32>
    %add3A_395 = arith.addi %xor3A_389, %add3A_394 : vector<16xi32>
    %select_n3A_396 = arith.select %lt3A_392, %add3A_395, %xor3A_389 : vector<16xi1>, vector<16xi32>
    %broadcast_in_dim3A_397 = vector.shape_cast %select_n3A_396 : vector<16xi32> to vector<16x1xi32>
    %gather3A_398 = vector.shape_cast %broadcast_in_dim3A_397 : vector<16x1xi32> to vector<16xi32>
    %gather3A_399 = tpu.dynamic_gather %scan3A_36#6[%gather3A_398] in [0] : vector<16xf32>, vector<16xi32> -> vector<16xf32>
    %add3A_400 = arith.addf %scan3A_36#6, %gather3A_399 : vector<16xf32>
    %xor3A_401 = arith.constant 2 : i32
    %xor3A_402 = vector.broadcast %xor3A_401 : i32 to vector<16xi32>
    %xor3A_403 = arith.xori %iota3A, %xor3A_402 : vector<16xi32>
    %lt3A_404 = arith.constant 0 : i32
    %lt3A_405 = vector.broadcast %lt3A_404 : i32 to vector<16xi32>
    %lt3A_406 = arith.cmpi slt, %xor3A_403, %lt3A_405 : vector<16xi32>
    %add3A_407 = arith.constant 16 : i32
    %add3A_408 = vector.broadcast %add3A_407 : i32 to vector<16xi32>
    %add3A_409 = arith.addi %xor3A_403, %add3A_408 : vector<16xi32>
    %select_n3A_410 = arith.select %lt3A_406, %add3A_409, %xor3A_403 : vector<16xi1>, vector<16xi32>
    %broadcast_in_dim3A_411 = vector.shape_cast %select_n3A_410 : vector<16xi32> to vector<16x1xi32>
    %gather3A_412 = vector.shape_cast %broadcast_in_dim3A_411 : vector<16x1xi32> to vector<16xi32>
    %gather3A_413 = tpu.dynamic_gather %add3A_400[%gather3A_412] in [0] : vector<16xf32>, vector<16xi32> -> vector<16xf32>
    %add3A_414 = arith.addf %add3A_400, %gather3A_413 : vector<16xf32>
    %xor3A_415 = arith.constant 4 : i32
    %xor3A_416 = vector.broadcast %xor3A_415 : i32 to vector<16xi32>
    %xor3A_417 = arith.xori %iota3A, %xor3A_416 : vector<16xi32>
    %lt3A_418 = arith.constant 0 : i32
    %lt3A_419 = vector.broadcast %lt3A_418 : i32 to vector<16xi32>
    %lt3A_420 = arith.cmpi slt, %xor3A_417, %lt3A_419 : vector<16xi32>
    %add3A_421 = arith.constant 16 : i32
    %add3A_422 = vector.broadcast %add3A_421 : i32 to vector<16xi32>
    %add3A_423 = arith.addi %xor3A_417, %add3A_422 : vector<16xi32>
    %select_n3A_424 = arith.select %lt3A_420, %add3A_423, %xor3A_417 : vector<16xi1>, vector<16xi32>
    %broadcast_in_dim3A_425 = vector.shape_cast %select_n3A_424 : vector<16xi32> to vector<16x1xi32>
    %gather3A_426 = vector.shape_cast %broadcast_in_dim3A_425 : vector<16x1xi32> to vector<16xi32>
    %gather3A_427 = tpu.dynamic_gather %add3A_414[%gather3A_426] in [0] : vector<16xf32>, vector<16xi32> -> vector<16xf32>
    %add3A_428 = arith.addf %add3A_414, %gather3A_427 : vector<16xf32>
    %xor3A_429 = arith.constant 8 : i32
    %xor3A_430 = vector.broadcast %xor3A_429 : i32 to vector<16xi32>
    %xor3A_431 = arith.xori %iota3A, %xor3A_430 : vector<16xi32>
    %lt3A_432 = arith.constant 0 : i32
    %lt3A_433 = vector.broadcast %lt3A_432 : i32 to vector<16xi32>
    %lt3A_434 = arith.cmpi slt, %xor3A_431, %lt3A_433 : vector<16xi32>
    %add3A_435 = arith.constant 16 : i32
    %add3A_436 = vector.broadcast %add3A_435 : i32 to vector<16xi32>
    %add3A_437 = arith.addi %xor3A_431, %add3A_436 : vector<16xi32>
    %select_n3A_438 = arith.select %lt3A_434, %add3A_437, %xor3A_431 : vector<16xi1>, vector<16xi32>
    %broadcast_in_dim3A_439 = vector.shape_cast %select_n3A_438 : vector<16xi32> to vector<16x1xi32>
    %gather3A_440 = vector.shape_cast %broadcast_in_dim3A_439 : vector<16x1xi32> to vector<16xi32>
    %gather3A_441 = tpu.dynamic_gather %add3A_428[%gather3A_440] in [0] : vector<16xf32>, vector<16xi32> -> vector<16xf32>
    %add3A_442 = arith.addf %add3A_428, %gather3A_441 : vector<16xf32>
    %select_n3A_443 = arith.select %eq3A_386, %add3A_442, %select_n3A_326 : vector<16xi1>, vector<16xf32>
    %xor3A_444 = arith.constant 1 : i32
    %xor3A_445 = vector.broadcast %xor3A_444 : i32 to vector<16xi32>
    %xor3A_446 = arith.xori %iota3A, %xor3A_445 : vector<16xi32>
    %lt3A_447 = arith.constant 0 : i32
    %lt3A_448 = vector.broadcast %lt3A_447 : i32 to vector<16xi32>
    %lt3A_449 = arith.cmpi slt, %xor3A_446, %lt3A_448 : vector<16xi32>
    %add3A_450 = arith.constant 16 : i32
    %add3A_451 = vector.broadcast %add3A_450 : i32 to vector<16xi32>
    %add3A_452 = arith.addi %xor3A_446, %add3A_451 : vector<16xi32>
    %select_n3A_453 = arith.select %lt3A_449, %add3A_452, %xor3A_446 : vector<16xi1>, vector<16xi32>
    %broadcast_in_dim3A_454 = vector.shape_cast %select_n3A_453 : vector<16xi32> to vector<16x1xi32>
    %gather3A_455 = vector.shape_cast %broadcast_in_dim3A_454 : vector<16x1xi32> to vector<16xi32>
    %gather3A_456 = tpu.dynamic_gather %scan3A_36#7[%gather3A_455] in [0] : vector<16xf32>, vector<16xi32> -> vector<16xf32>
    %add3A_457 = arith.addf %scan3A_36#7, %gather3A_456 : vector<16xf32>
    %xor3A_458 = arith.constant 2 : i32
    %xor3A_459 = vector.broadcast %xor3A_458 : i32 to vector<16xi32>
    %xor3A_460 = arith.xori %iota3A, %xor3A_459 : vector<16xi32>
    %lt3A_461 = arith.constant 0 : i32
    %lt3A_462 = vector.broadcast %lt3A_461 : i32 to vector<16xi32>
    %lt3A_463 = arith.cmpi slt, %xor3A_460, %lt3A_462 : vector<16xi32>
    %add3A_464 = arith.constant 16 : i32
    %add3A_465 = vector.broadcast %add3A_464 : i32 to vector<16xi32>
    %add3A_466 = arith.addi %xor3A_460, %add3A_465 : vector<16xi32>
    %select_n3A_467 = arith.select %lt3A_463, %add3A_466, %xor3A_460 : vector<16xi1>, vector<16xi32>
    %broadcast_in_dim3A_468 = vector.shape_cast %select_n3A_467 : vector<16xi32> to vector<16x1xi32>
    %gather3A_469 = vector.shape_cast %broadcast_in_dim3A_468 : vector<16x1xi32> to vector<16xi32>
    %gather3A_470 = tpu.dynamic_gather %add3A_457[%gather3A_469] in [0] : vector<16xf32>, vector<16xi32> -> vector<16xf32>
    %add3A_471 = arith.addf %add3A_457, %gather3A_470 : vector<16xf32>
    %xor3A_472 = arith.constant 4 : i32
    %xor3A_473 = vector.broadcast %xor3A_472 : i32 to vector<16xi32>
    %xor3A_474 = arith.xori %iota3A, %xor3A_473 : vector<16xi32>
    %lt3A_475 = arith.constant 0 : i32
    %lt3A_476 = vector.broadcast %lt3A_475 : i32 to vector<16xi32>
    %lt3A_477 = arith.cmpi slt, %xor3A_474, %lt3A_476 : vector<16xi32>
    %add3A_478 = arith.constant 16 : i32
    %add3A_479 = vector.broadcast %add3A_478 : i32 to vector<16xi32>
    %add3A_480 = arith.addi %xor3A_474, %add3A_479 : vector<16xi32>
    %select_n3A_481 = arith.select %lt3A_477, %add3A_480, %xor3A_474 : vector<16xi1>, vector<16xi32>
    %broadcast_in_dim3A_482 = vector.shape_cast %select_n3A_481 : vector<16xi32> to vector<16x1xi32>
    %gather3A_483 = vector.shape_cast %broadcast_in_dim3A_482 : vector<16x1xi32> to vector<16xi32>
    %gather3A_484 = tpu.dynamic_gather %add3A_471[%gather3A_483] in [0] : vector<16xf32>, vector<16xi32> -> vector<16xf32>
    %add3A_485 = arith.addf %add3A_471, %gather3A_484 : vector<16xf32>
    %xor3A_486 = arith.constant 8 : i32
    %xor3A_487 = vector.broadcast %xor3A_486 : i32 to vector<16xi32>
    %xor3A_488 = arith.xori %iota3A, %xor3A_487 : vector<16xi32>
    %lt3A_489 = arith.constant 0 : i32
    %lt3A_490 = vector.broadcast %lt3A_489 : i32 to vector<16xi32>
    %lt3A_491 = arith.cmpi slt, %xor3A_488, %lt3A_490 : vector<16xi32>
    %add3A_492 = arith.constant 16 : i32
    %add3A_493 = vector.broadcast %add3A_492 : i32 to vector<16xi32>
    %add3A_494 = arith.addi %xor3A_488, %add3A_493 : vector<16xi32>
    %select_n3A_495 = arith.select %lt3A_491, %add3A_494, %xor3A_488 : vector<16xi1>, vector<16xi32>
    %broadcast_in_dim3A_496 = vector.shape_cast %select_n3A_495 : vector<16xi32> to vector<16x1xi32>
    %gather3A_497 = vector.shape_cast %broadcast_in_dim3A_496 : vector<16x1xi32> to vector<16xi32>
    %gather3A_498 = tpu.dynamic_gather %add3A_485[%gather3A_497] in [0] : vector<16xf32>, vector<16xi32> -> vector<16xf32>
    %add3A_499 = arith.addf %add3A_485, %gather3A_498 : vector<16xf32>
    %select_n3A_500 = arith.select %eq3A_386, %add3A_499, %select_n3A_383 : vector<16xi1>, vector<16xf32>
    %eq3A_501 = arith.constant 4 : i32
    %eq3A_502 = vector.broadcast %eq3A_501 : i32 to vector<16xi32>
    %eq3A_503 = arith.cmpi eq, %iota3A, %eq3A_502 : vector<16xi32>
    %xor3A_504 = arith.constant 1 : i32
    %xor3A_505 = vector.broadcast %xor3A_504 : i32 to vector<16xi32>
    %xor3A_506 = arith.xori %iota3A, %xor3A_505 : vector<16xi32>
    %lt3A_507 = arith.constant 0 : i32
    %lt3A_508 = vector.broadcast %lt3A_507 : i32 to vector<16xi32>
    %lt3A_509 = arith.cmpi slt, %xor3A_506, %lt3A_508 : vector<16xi32>
    %add3A_510 = arith.constant 16 : i32
    %add3A_511 = vector.broadcast %add3A_510 : i32 to vector<16xi32>
    %add3A_512 = arith.addi %xor3A_506, %add3A_511 : vector<16xi32>
    %select_n3A_513 = arith.select %lt3A_509, %add3A_512, %xor3A_506 : vector<16xi1>, vector<16xi32>
    %broadcast_in_dim3A_514 = vector.shape_cast %select_n3A_513 : vector<16xi32> to vector<16x1xi32>
    %gather3A_515 = vector.shape_cast %broadcast_in_dim3A_514 : vector<16x1xi32> to vector<16xi32>
    %gather3A_516 = tpu.dynamic_gather %scan3A_36#8[%gather3A_515] in [0] : vector<16xf32>, vector<16xi32> -> vector<16xf32>
    %add3A_517 = arith.addf %scan3A_36#8, %gather3A_516 : vector<16xf32>
    %xor3A_518 = arith.constant 2 : i32
    %xor3A_519 = vector.broadcast %xor3A_518 : i32 to vector<16xi32>
    %xor3A_520 = arith.xori %iota3A, %xor3A_519 : vector<16xi32>
    %lt3A_521 = arith.constant 0 : i32
    %lt3A_522 = vector.broadcast %lt3A_521 : i32 to vector<16xi32>
    %lt3A_523 = arith.cmpi slt, %xor3A_520, %lt3A_522 : vector<16xi32>
    %add3A_524 = arith.constant 16 : i32
    %add3A_525 = vector.broadcast %add3A_524 : i32 to vector<16xi32>
    %add3A_526 = arith.addi %xor3A_520, %add3A_525 : vector<16xi32>
    %select_n3A_527 = arith.select %lt3A_523, %add3A_526, %xor3A_520 : vector<16xi1>, vector<16xi32>
    %broadcast_in_dim3A_528 = vector.shape_cast %select_n3A_527 : vector<16xi32> to vector<16x1xi32>
    %gather3A_529 = vector.shape_cast %broadcast_in_dim3A_528 : vector<16x1xi32> to vector<16xi32>
    %gather3A_530 = tpu.dynamic_gather %add3A_517[%gather3A_529] in [0] : vector<16xf32>, vector<16xi32> -> vector<16xf32>
    %add3A_531 = arith.addf %add3A_517, %gather3A_530 : vector<16xf32>
    %xor3A_532 = arith.constant 4 : i32
    %xor3A_533 = vector.broadcast %xor3A_532 : i32 to vector<16xi32>
    %xor3A_534 = arith.xori %iota3A, %xor3A_533 : vector<16xi32>
    %lt3A_535 = arith.constant 0 : i32
    %lt3A_536 = vector.broadcast %lt3A_535 : i32 to vector<16xi32>
    %lt3A_537 = arith.cmpi slt, %xor3A_534, %lt3A_536 : vector<16xi32>
    %add3A_538 = arith.constant 16 : i32
    %add3A_539 = vector.broadcast %add3A_538 : i32 to vector<16xi32>
    %add3A_540 = arith.addi %xor3A_534, %add3A_539 : vector<16xi32>
    %select_n3A_541 = arith.select %lt3A_537, %add3A_540, %xor3A_534 : vector<16xi1>, vector<16xi32>
    %broadcast_in_dim3A_542 = vector.shape_cast %select_n3A_541 : vector<16xi32> to vector<16x1xi32>
    %gather3A_543 = vector.shape_cast %broadcast_in_dim3A_542 : vector<16x1xi32> to vector<16xi32>
    %gather3A_544 = tpu.dynamic_gather %add3A_531[%gather3A_543] in [0] : vector<16xf32>, vector<16xi32> -> vector<16xf32>
    %add3A_545 = arith.addf %add3A_531, %gather3A_544 : vector<16xf32>
    %xor3A_546 = arith.constant 8 : i32
    %xor3A_547 = vector.broadcast %xor3A_546 : i32 to vector<16xi32>
    %xor3A_548 = arith.xori %iota3A, %xor3A_547 : vector<16xi32>
    %lt3A_549 = arith.constant 0 : i32
    %lt3A_550 = vector.broadcast %lt3A_549 : i32 to vector<16xi32>
    %lt3A_551 = arith.cmpi slt, %xor3A_548, %lt3A_550 : vector<16xi32>
    %add3A_552 = arith.constant 16 : i32
    %add3A_553 = vector.broadcast %add3A_552 : i32 to vector<16xi32>
    %add3A_554 = arith.addi %xor3A_548, %add3A_553 : vector<16xi32>
    %select_n3A_555 = arith.select %lt3A_551, %add3A_554, %xor3A_548 : vector<16xi1>, vector<16xi32>
    %broadcast_in_dim3A_556 = vector.shape_cast %select_n3A_555 : vector<16xi32> to vector<16x1xi32>
    %gather3A_557 = vector.shape_cast %broadcast_in_dim3A_556 : vector<16x1xi32> to vector<16xi32>
    %gather3A_558 = tpu.dynamic_gather %add3A_545[%gather3A_557] in [0] : vector<16xf32>, vector<16xi32> -> vector<16xf32>
    %add3A_559 = arith.addf %add3A_545, %gather3A_558 : vector<16xf32>
    %select_n3A_560 = arith.select %eq3A_503, %add3A_559, %select_n3A_443 : vector<16xi1>, vector<16xf32>
    %xor3A_561 = arith.constant 1 : i32
    %xor3A_562 = vector.broadcast %xor3A_561 : i32 to vector<16xi32>
    %xor3A_563 = arith.xori %iota3A, %xor3A_562 : vector<16xi32>
    %lt3A_564 = arith.constant 0 : i32
    %lt3A_565 = vector.broadcast %lt3A_564 : i32 to vector<16xi32>
    %lt3A_566 = arith.cmpi slt, %xor3A_563, %lt3A_565 : vector<16xi32>
    %add3A_567 = arith.constant 16 : i32
    %add3A_568 = vector.broadcast %add3A_567 : i32 to vector<16xi32>
    %add3A_569 = arith.addi %xor3A_563, %add3A_568 : vector<16xi32>
    %select_n3A_570 = arith.select %lt3A_566, %add3A_569, %xor3A_563 : vector<16xi1>, vector<16xi32>
    %broadcast_in_dim3A_571 = vector.shape_cast %select_n3A_570 : vector<16xi32> to vector<16x1xi32>
    %gather3A_572 = vector.shape_cast %broadcast_in_dim3A_571 : vector<16x1xi32> to vector<16xi32>
    %gather3A_573 = tpu.dynamic_gather %scan3A_36#9[%gather3A_572] in [0] : vector<16xf32>, vector<16xi32> -> vector<16xf32>
    %add3A_574 = arith.addf %scan3A_36#9, %gather3A_573 : vector<16xf32>
    %xor3A_575 = arith.constant 2 : i32
    %xor3A_576 = vector.broadcast %xor3A_575 : i32 to vector<16xi32>
    %xor3A_577 = arith.xori %iota3A, %xor3A_576 : vector<16xi32>
    %lt3A_578 = arith.constant 0 : i32
    %lt3A_579 = vector.broadcast %lt3A_578 : i32 to vector<16xi32>
    %lt3A_580 = arith.cmpi slt, %xor3A_577, %lt3A_579 : vector<16xi32>
    %add3A_581 = arith.constant 16 : i32
    %add3A_582 = vector.broadcast %add3A_581 : i32 to vector<16xi32>
    %add3A_583 = arith.addi %xor3A_577, %add3A_582 : vector<16xi32>
    %select_n3A_584 = arith.select %lt3A_580, %add3A_583, %xor3A_577 : vector<16xi1>, vector<16xi32>
    %broadcast_in_dim3A_585 = vector.shape_cast %select_n3A_584 : vector<16xi32> to vector<16x1xi32>
    %gather3A_586 = vector.shape_cast %broadcast_in_dim3A_585 : vector<16x1xi32> to vector<16xi32>
    %gather3A_587 = tpu.dynamic_gather %add3A_574[%gather3A_586] in [0] : vector<16xf32>, vector<16xi32> -> vector<16xf32>
    %add3A_588 = arith.addf %add3A_574, %gather3A_587 : vector<16xf32>
    %xor3A_589 = arith.constant 4 : i32
    %xor3A_590 = vector.broadcast %xor3A_589 : i32 to vector<16xi32>
    %xor3A_591 = arith.xori %iota3A, %xor3A_590 : vector<16xi32>
    %lt3A_592 = arith.constant 0 : i32
    %lt3A_593 = vector.broadcast %lt3A_592 : i32 to vector<16xi32>
    %lt3A_594 = arith.cmpi slt, %xor3A_591, %lt3A_593 : vector<16xi32>
    %add3A_595 = arith.constant 16 : i32
    %add3A_596 = vector.broadcast %add3A_595 : i32 to vector<16xi32>
    %add3A_597 = arith.addi %xor3A_591, %add3A_596 : vector<16xi32>
    %select_n3A_598 = arith.select %lt3A_594, %add3A_597, %xor3A_591 : vector<16xi1>, vector<16xi32>
    %broadcast_in_dim3A_599 = vector.shape_cast %select_n3A_598 : vector<16xi32> to vector<16x1xi32>
    %gather3A_600 = vector.shape_cast %broadcast_in_dim3A_599 : vector<16x1xi32> to vector<16xi32>
    %gather3A_601 = tpu.dynamic_gather %add3A_588[%gather3A_600] in [0] : vector<16xf32>, vector<16xi32> -> vector<16xf32>
    %add3A_602 = arith.addf %add3A_588, %gather3A_601 : vector<16xf32>
    %xor3A_603 = arith.constant 8 : i32
    %xor3A_604 = vector.broadcast %xor3A_603 : i32 to vector<16xi32>
    %xor3A_605 = arith.xori %iota3A, %xor3A_604 : vector<16xi32>
    %lt3A_606 = arith.constant 0 : i32
    %lt3A_607 = vector.broadcast %lt3A_606 : i32 to vector<16xi32>
    %lt3A_608 = arith.cmpi slt, %xor3A_605, %lt3A_607 : vector<16xi32>
    %add3A_609 = arith.constant 16 : i32
    %add3A_610 = vector.broadcast %add3A_609 : i32 to vector<16xi32>
    %add3A_611 = arith.addi %xor3A_605, %add3A_610 : vector<16xi32>
    %select_n3A_612 = arith.select %lt3A_608, %add3A_611, %xor3A_605 : vector<16xi1>, vector<16xi32>
    %broadcast_in_dim3A_613 = vector.shape_cast %select_n3A_612 : vector<16xi32> to vector<16x1xi32>
    %gather3A_614 = vector.shape_cast %broadcast_in_dim3A_613 : vector<16x1xi32> to vector<16xi32>
    %gather3A_615 = tpu.dynamic_gather %add3A_602[%gather3A_614] in [0] : vector<16xf32>, vector<16xi32> -> vector<16xf32>
    %add3A_616 = arith.addf %add3A_602, %gather3A_615 : vector<16xf32>
    %select_n3A_617 = arith.select %eq3A_503, %add3A_616, %select_n3A_500 : vector<16xi1>, vector<16xf32>
    %eq3A_618 = arith.constant 5 : i32
    %eq3A_619 = vector.broadcast %eq3A_618 : i32 to vector<16xi32>
    %eq3A_620 = arith.cmpi eq, %iota3A, %eq3A_619 : vector<16xi32>
    %xor3A_621 = arith.constant 1 : i32
    %xor3A_622 = vector.broadcast %xor3A_621 : i32 to vector<16xi32>
    %xor3A_623 = arith.xori %iota3A, %xor3A_622 : vector<16xi32>
    %lt3A_624 = arith.constant 0 : i32
    %lt3A_625 = vector.broadcast %lt3A_624 : i32 to vector<16xi32>
    %lt3A_626 = arith.cmpi slt, %xor3A_623, %lt3A_625 : vector<16xi32>
    %add3A_627 = arith.constant 16 : i32
    %add3A_628 = vector.broadcast %add3A_627 : i32 to vector<16xi32>
    %add3A_629 = arith.addi %xor3A_623, %add3A_628 : vector<16xi32>
    %select_n3A_630 = arith.select %lt3A_626, %add3A_629, %xor3A_623 : vector<16xi1>, vector<16xi32>
    %broadcast_in_dim3A_631 = vector.shape_cast %select_n3A_630 : vector<16xi32> to vector<16x1xi32>
    %gather3A_632 = vector.shape_cast %broadcast_in_dim3A_631 : vector<16x1xi32> to vector<16xi32>
    %gather3A_633 = tpu.dynamic_gather %scan3A_36#10[%gather3A_632] in [0] : vector<16xf32>, vector<16xi32> -> vector<16xf32>
    %add3A_634 = arith.addf %scan3A_36#10, %gather3A_633 : vector<16xf32>
    %xor3A_635 = arith.constant 2 : i32
    %xor3A_636 = vector.broadcast %xor3A_635 : i32 to vector<16xi32>
    %xor3A_637 = arith.xori %iota3A, %xor3A_636 : vector<16xi32>
    %lt3A_638 = arith.constant 0 : i32
    %lt3A_639 = vector.broadcast %lt3A_638 : i32 to vector<16xi32>
    %lt3A_640 = arith.cmpi slt, %xor3A_637, %lt3A_639 : vector<16xi32>
    %add3A_641 = arith.constant 16 : i32
    %add3A_642 = vector.broadcast %add3A_641 : i32 to vector<16xi32>
    %add3A_643 = arith.addi %xor3A_637, %add3A_642 : vector<16xi32>
    %select_n3A_644 = arith.select %lt3A_640, %add3A_643, %xor3A_637 : vector<16xi1>, vector<16xi32>
    %broadcast_in_dim3A_645 = vector.shape_cast %select_n3A_644 : vector<16xi32> to vector<16x1xi32>
    %gather3A_646 = vector.shape_cast %broadcast_in_dim3A_645 : vector<16x1xi32> to vector<16xi32>
    %gather3A_647 = tpu.dynamic_gather %add3A_634[%gather3A_646] in [0] : vector<16xf32>, vector<16xi32> -> vector<16xf32>
    %add3A_648 = arith.addf %add3A_634, %gather3A_647 : vector<16xf32>
    %xor3A_649 = arith.constant 4 : i32
    %xor3A_650 = vector.broadcast %xor3A_649 : i32 to vector<16xi32>
    %xor3A_651 = arith.xori %iota3A, %xor3A_650 : vector<16xi32>
    %lt3A_652 = arith.constant 0 : i32
    %lt3A_653 = vector.broadcast %lt3A_652 : i32 to vector<16xi32>
    %lt3A_654 = arith.cmpi slt, %xor3A_651, %lt3A_653 : vector<16xi32>
    %add3A_655 = arith.constant 16 : i32
    %add3A_656 = vector.broadcast %add3A_655 : i32 to vector<16xi32>
    %add3A_657 = arith.addi %xor3A_651, %add3A_656 : vector<16xi32>
    %select_n3A_658 = arith.select %lt3A_654, %add3A_657, %xor3A_651 : vector<16xi1>, vector<16xi32>
    %broadcast_in_dim3A_659 = vector.shape_cast %select_n3A_658 : vector<16xi32> to vector<16x1xi32>
    %gather3A_660 = vector.shape_cast %broadcast_in_dim3A_659 : vector<16x1xi32> to vector<16xi32>
    %gather3A_661 = tpu.dynamic_gather %add3A_648[%gather3A_660] in [0] : vector<16xf32>, vector<16xi32> -> vector<16xf32>
    %add3A_662 = arith.addf %add3A_648, %gather3A_661 : vector<16xf32>
    %xor3A_663 = arith.constant 8 : i32
    %xor3A_664 = vector.broadcast %xor3A_663 : i32 to vector<16xi32>
    %xor3A_665 = arith.xori %iota3A, %xor3A_664 : vector<16xi32>
    %lt3A_666 = arith.constant 0 : i32
    %lt3A_667 = vector.broadcast %lt3A_666 : i32 to vector<16xi32>
    %lt3A_668 = arith.cmpi slt, %xor3A_665, %lt3A_667 : vector<16xi32>
    %add3A_669 = arith.constant 16 : i32
    %add3A_670 = vector.broadcast %add3A_669 : i32 to vector<16xi32>
    %add3A_671 = arith.addi %xor3A_665, %add3A_670 : vector<16xi32>
    %select_n3A_672 = arith.select %lt3A_668, %add3A_671, %xor3A_665 : vector<16xi1>, vector<16xi32>
    %broadcast_in_dim3A_673 = vector.shape_cast %select_n3A_672 : vector<16xi32> to vector<16x1xi32>
    %gather3A_674 = vector.shape_cast %broadcast_in_dim3A_673 : vector<16x1xi32> to vector<16xi32>
    %gather3A_675 = tpu.dynamic_gather %add3A_662[%gather3A_674] in [0] : vector<16xf32>, vector<16xi32> -> vector<16xf32>
    %add3A_676 = arith.addf %add3A_662, %gather3A_675 : vector<16xf32>
    %select_n3A_677 = arith.select %eq3A_620, %add3A_676, %select_n3A_560 : vector<16xi1>, vector<16xf32>
    %xor3A_678 = arith.constant 1 : i32
    %xor3A_679 = vector.broadcast %xor3A_678 : i32 to vector<16xi32>
    %xor3A_680 = arith.xori %iota3A, %xor3A_679 : vector<16xi32>
    %lt3A_681 = arith.constant 0 : i32
    %lt3A_682 = vector.broadcast %lt3A_681 : i32 to vector<16xi32>
    %lt3A_683 = arith.cmpi slt, %xor3A_680, %lt3A_682 : vector<16xi32>
    %add3A_684 = arith.constant 16 : i32
    %add3A_685 = vector.broadcast %add3A_684 : i32 to vector<16xi32>
    %add3A_686 = arith.addi %xor3A_680, %add3A_685 : vector<16xi32>
    %select_n3A_687 = arith.select %lt3A_683, %add3A_686, %xor3A_680 : vector<16xi1>, vector<16xi32>
    %broadcast_in_dim3A_688 = vector.shape_cast %select_n3A_687 : vector<16xi32> to vector<16x1xi32>
    %gather3A_689 = vector.shape_cast %broadcast_in_dim3A_688 : vector<16x1xi32> to vector<16xi32>
    %gather3A_690 = tpu.dynamic_gather %scan3A_36#11[%gather3A_689] in [0] : vector<16xf32>, vector<16xi32> -> vector<16xf32>
    %add3A_691 = arith.addf %scan3A_36#11, %gather3A_690 : vector<16xf32>
    %xor3A_692 = arith.constant 2 : i32
    %xor3A_693 = vector.broadcast %xor3A_692 : i32 to vector<16xi32>
    %xor3A_694 = arith.xori %iota3A, %xor3A_693 : vector<16xi32>
    %lt3A_695 = arith.constant 0 : i32
    %lt3A_696 = vector.broadcast %lt3A_695 : i32 to vector<16xi32>
    %lt3A_697 = arith.cmpi slt, %xor3A_694, %lt3A_696 : vector<16xi32>
    %add3A_698 = arith.constant 16 : i32
    %add3A_699 = vector.broadcast %add3A_698 : i32 to vector<16xi32>
    %add3A_700 = arith.addi %xor3A_694, %add3A_699 : vector<16xi32>
    %select_n3A_701 = arith.select %lt3A_697, %add3A_700, %xor3A_694 : vector<16xi1>, vector<16xi32>
    %broadcast_in_dim3A_702 = vector.shape_cast %select_n3A_701 : vector<16xi32> to vector<16x1xi32>
    %gather3A_703 = vector.shape_cast %broadcast_in_dim3A_702 : vector<16x1xi32> to vector<16xi32>
    %gather3A_704 = tpu.dynamic_gather %add3A_691[%gather3A_703] in [0] : vector<16xf32>, vector<16xi32> -> vector<16xf32>
    %add3A_705 = arith.addf %add3A_691, %gather3A_704 : vector<16xf32>
    %xor3A_706 = arith.constant 4 : i32
    %xor3A_707 = vector.broadcast %xor3A_706 : i32 to vector<16xi32>
    %xor3A_708 = arith.xori %iota3A, %xor3A_707 : vector<16xi32>
    %lt3A_709 = arith.constant 0 : i32
    %lt3A_710 = vector.broadcast %lt3A_709 : i32 to vector<16xi32>
    %lt3A_711 = arith.cmpi slt, %xor3A_708, %lt3A_710 : vector<16xi32>
    %add3A_712 = arith.constant 16 : i32
    %add3A_713 = vector.broadcast %add3A_712 : i32 to vector<16xi32>
    %add3A_714 = arith.addi %xor3A_708, %add3A_713 : vector<16xi32>
    %select_n3A_715 = arith.select %lt3A_711, %add3A_714, %xor3A_708 : vector<16xi1>, vector<16xi32>
    %broadcast_in_dim3A_716 = vector.shape_cast %select_n3A_715 : vector<16xi32> to vector<16x1xi32>
    %gather3A_717 = vector.shape_cast %broadcast_in_dim3A_716 : vector<16x1xi32> to vector<16xi32>
    %gather3A_718 = tpu.dynamic_gather %add3A_705[%gather3A_717] in [0] : vector<16xf32>, vector<16xi32> -> vector<16xf32>
    %add3A_719 = arith.addf %add3A_705, %gather3A_718 : vector<16xf32>
    %xor3A_720 = arith.constant 8 : i32
    %xor3A_721 = vector.broadcast %xor3A_720 : i32 to vector<16xi32>
    %xor3A_722 = arith.xori %iota3A, %xor3A_721 : vector<16xi32>
    %lt3A_723 = arith.constant 0 : i32
    %lt3A_724 = vector.broadcast %lt3A_723 : i32 to vector<16xi32>
    %lt3A_725 = arith.cmpi slt, %xor3A_722, %lt3A_724 : vector<16xi32>
    %add3A_726 = arith.constant 16 : i32
    %add3A_727 = vector.broadcast %add3A_726 : i32 to vector<16xi32>
    %add3A_728 = arith.addi %xor3A_722, %add3A_727 : vector<16xi32>
    %select_n3A_729 = arith.select %lt3A_725, %add3A_728, %xor3A_722 : vector<16xi1>, vector<16xi32>
    %broadcast_in_dim3A_730 = vector.shape_cast %select_n3A_729 : vector<16xi32> to vector<16x1xi32>
    %gather3A_731 = vector.shape_cast %broadcast_in_dim3A_730 : vector<16x1xi32> to vector<16xi32>
    %gather3A_732 = tpu.dynamic_gather %add3A_719[%gather3A_731] in [0] : vector<16xf32>, vector<16xi32> -> vector<16xf32>
    %add3A_733 = arith.addf %add3A_719, %gather3A_732 : vector<16xf32>
    %select_n3A_734 = arith.select %eq3A_620, %add3A_733, %select_n3A_617 : vector<16xi1>, vector<16xf32>
    %eq3A_735 = arith.constant 6 : i32
    %eq3A_736 = vector.broadcast %eq3A_735 : i32 to vector<16xi32>
    %eq3A_737 = arith.cmpi eq, %iota3A, %eq3A_736 : vector<16xi32>
    %xor3A_738 = arith.constant 1 : i32
    %xor3A_739 = vector.broadcast %xor3A_738 : i32 to vector<16xi32>
    %xor3A_740 = arith.xori %iota3A, %xor3A_739 : vector<16xi32>
    %lt3A_741 = arith.constant 0 : i32
    %lt3A_742 = vector.broadcast %lt3A_741 : i32 to vector<16xi32>
    %lt3A_743 = arith.cmpi slt, %xor3A_740, %lt3A_742 : vector<16xi32>
    %add3A_744 = arith.constant 16 : i32
    %add3A_745 = vector.broadcast %add3A_744 : i32 to vector<16xi32>
    %add3A_746 = arith.addi %xor3A_740, %add3A_745 : vector<16xi32>
    %select_n3A_747 = arith.select %lt3A_743, %add3A_746, %xor3A_740 : vector<16xi1>, vector<16xi32>
    %broadcast_in_dim3A_748 = vector.shape_cast %select_n3A_747 : vector<16xi32> to vector<16x1xi32>
    %gather3A_749 = vector.shape_cast %broadcast_in_dim3A_748 : vector<16x1xi32> to vector<16xi32>
    %gather3A_750 = tpu.dynamic_gather %scan3A_36#12[%gather3A_749] in [0] : vector<16xf32>, vector<16xi32> -> vector<16xf32>
    %add3A_751 = arith.addf %scan3A_36#12, %gather3A_750 : vector<16xf32>
    %xor3A_752 = arith.constant 2 : i32
    %xor3A_753 = vector.broadcast %xor3A_752 : i32 to vector<16xi32>
    %xor3A_754 = arith.xori %iota3A, %xor3A_753 : vector<16xi32>
    %lt3A_755 = arith.constant 0 : i32
    %lt3A_756 = vector.broadcast %lt3A_755 : i32 to vector<16xi32>
    %lt3A_757 = arith.cmpi slt, %xor3A_754, %lt3A_756 : vector<16xi32>
    %add3A_758 = arith.constant 16 : i32
    %add3A_759 = vector.broadcast %add3A_758 : i32 to vector<16xi32>
    %add3A_760 = arith.addi %xor3A_754, %add3A_759 : vector<16xi32>
    %select_n3A_761 = arith.select %lt3A_757, %add3A_760, %xor3A_754 : vector<16xi1>, vector<16xi32>
    %broadcast_in_dim3A_762 = vector.shape_cast %select_n3A_761 : vector<16xi32> to vector<16x1xi32>
    %gather3A_763 = vector.shape_cast %broadcast_in_dim3A_762 : vector<16x1xi32> to vector<16xi32>
    %gather3A_764 = tpu.dynamic_gather %add3A_751[%gather3A_763] in [0] : vector<16xf32>, vector<16xi32> -> vector<16xf32>
    %add3A_765 = arith.addf %add3A_751, %gather3A_764 : vector<16xf32>
    %xor3A_766 = arith.constant 4 : i32
    %xor3A_767 = vector.broadcast %xor3A_766 : i32 to vector<16xi32>
    %xor3A_768 = arith.xori %iota3A, %xor3A_767 : vector<16xi32>
    %lt3A_769 = arith.constant 0 : i32
    %lt3A_770 = vector.broadcast %lt3A_769 : i32 to vector<16xi32>
    %lt3A_771 = arith.cmpi slt, %xor3A_768, %lt3A_770 : vector<16xi32>
    %add3A_772 = arith.constant 16 : i32
    %add3A_773 = vector.broadcast %add3A_772 : i32 to vector<16xi32>
    %add3A_774 = arith.addi %xor3A_768, %add3A_773 : vector<16xi32>
    %select_n3A_775 = arith.select %lt3A_771, %add3A_774, %xor3A_768 : vector<16xi1>, vector<16xi32>
    %broadcast_in_dim3A_776 = vector.shape_cast %select_n3A_775 : vector<16xi32> to vector<16x1xi32>
    %gather3A_777 = vector.shape_cast %broadcast_in_dim3A_776 : vector<16x1xi32> to vector<16xi32>
    %gather3A_778 = tpu.dynamic_gather %add3A_765[%gather3A_777] in [0] : vector<16xf32>, vector<16xi32> -> vector<16xf32>
    %add3A_779 = arith.addf %add3A_765, %gather3A_778 : vector<16xf32>
    %xor3A_780 = arith.constant 8 : i32
    %xor3A_781 = vector.broadcast %xor3A_780 : i32 to vector<16xi32>
    %xor3A_782 = arith.xori %iota3A, %xor3A_781 : vector<16xi32>
    %lt3A_783 = arith.constant 0 : i32
    %lt3A_784 = vector.broadcast %lt3A_783 : i32 to vector<16xi32>
    %lt3A_785 = arith.cmpi slt, %xor3A_782, %lt3A_784 : vector<16xi32>
    %add3A_786 = arith.constant 16 : i32
    %add3A_787 = vector.broadcast %add3A_786 : i32 to vector<16xi32>
    %add3A_788 = arith.addi %xor3A_782, %add3A_787 : vector<16xi32>
    %select_n3A_789 = arith.select %lt3A_785, %add3A_788, %xor3A_782 : vector<16xi1>, vector<16xi32>
    %broadcast_in_dim3A_790 = vector.shape_cast %select_n3A_789 : vector<16xi32> to vector<16x1xi32>
    %gather3A_791 = vector.shape_cast %broadcast_in_dim3A_790 : vector<16x1xi32> to vector<16xi32>
    %gather3A_792 = tpu.dynamic_gather %add3A_779[%gather3A_791] in [0] : vector<16xf32>, vector<16xi32> -> vector<16xf32>
    %add3A_793 = arith.addf %add3A_779, %gather3A_792 : vector<16xf32>
    %select_n3A_794 = arith.select %eq3A_737, %add3A_793, %select_n3A_677 : vector<16xi1>, vector<16xf32>
    %xor3A_795 = arith.constant 1 : i32
    %xor3A_796 = vector.broadcast %xor3A_795 : i32 to vector<16xi32>
    %xor3A_797 = arith.xori %iota3A, %xor3A_796 : vector<16xi32>
    %lt3A_798 = arith.constant 0 : i32
    %lt3A_799 = vector.broadcast %lt3A_798 : i32 to vector<16xi32>
    %lt3A_800 = arith.cmpi slt, %xor3A_797, %lt3A_799 : vector<16xi32>
    %add3A_801 = arith.constant 16 : i32
    %add3A_802 = vector.broadcast %add3A_801 : i32 to vector<16xi32>
    %add3A_803 = arith.addi %xor3A_797, %add3A_802 : vector<16xi32>
    %select_n3A_804 = arith.select %lt3A_800, %add3A_803, %xor3A_797 : vector<16xi1>, vector<16xi32>
    %broadcast_in_dim3A_805 = vector.shape_cast %select_n3A_804 : vector<16xi32> to vector<16x1xi32>
    %gather3A_806 = vector.shape_cast %broadcast_in_dim3A_805 : vector<16x1xi32> to vector<16xi32>
    %gather3A_807 = tpu.dynamic_gather %scan3A_36#13[%gather3A_806] in [0] : vector<16xf32>, vector<16xi32> -> vector<16xf32>
    %add3A_808 = arith.addf %scan3A_36#13, %gather3A_807 : vector<16xf32>
    %xor3A_809 = arith.constant 2 : i32
    %xor3A_810 = vector.broadcast %xor3A_809 : i32 to vector<16xi32>
    %xor3A_811 = arith.xori %iota3A, %xor3A_810 : vector<16xi32>
    %lt3A_812 = arith.constant 0 : i32
    %lt3A_813 = vector.broadcast %lt3A_812 : i32 to vector<16xi32>
    %lt3A_814 = arith.cmpi slt, %xor3A_811, %lt3A_813 : vector<16xi32>
    %add3A_815 = arith.constant 16 : i32
    %add3A_816 = vector.broadcast %add3A_815 : i32 to vector<16xi32>
    %add3A_817 = arith.addi %xor3A_811, %add3A_816 : vector<16xi32>
    %select_n3A_818 = arith.select %lt3A_814, %add3A_817, %xor3A_811 : vector<16xi1>, vector<16xi32>
    %broadcast_in_dim3A_819 = vector.shape_cast %select_n3A_818 : vector<16xi32> to vector<16x1xi32>
    %gather3A_820 = vector.shape_cast %broadcast_in_dim3A_819 : vector<16x1xi32> to vector<16xi32>
    %gather3A_821 = tpu.dynamic_gather %add3A_808[%gather3A_820] in [0] : vector<16xf32>, vector<16xi32> -> vector<16xf32>
    %add3A_822 = arith.addf %add3A_808, %gather3A_821 : vector<16xf32>
    %xor3A_823 = arith.constant 4 : i32
    %xor3A_824 = vector.broadcast %xor3A_823 : i32 to vector<16xi32>
    %xor3A_825 = arith.xori %iota3A, %xor3A_824 : vector<16xi32>
    %lt3A_826 = arith.constant 0 : i32
    %lt3A_827 = vector.broadcast %lt3A_826 : i32 to vector<16xi32>
    %lt3A_828 = arith.cmpi slt, %xor3A_825, %lt3A_827 : vector<16xi32>
    %add3A_829 = arith.constant 16 : i32
    %add3A_830 = vector.broadcast %add3A_829 : i32 to vector<16xi32>
    %add3A_831 = arith.addi %xor3A_825, %add3A_830 : vector<16xi32>
    %select_n3A_832 = arith.select %lt3A_828, %add3A_831, %xor3A_825 : vector<16xi1>, vector<16xi32>
    %broadcast_in_dim3A_833 = vector.shape_cast %select_n3A_832 : vector<16xi32> to vector<16x1xi32>
    %gather3A_834 = vector.shape_cast %broadcast_in_dim3A_833 : vector<16x1xi32> to vector<16xi32>
    %gather3A_835 = tpu.dynamic_gather %add3A_822[%gather3A_834] in [0] : vector<16xf32>, vector<16xi32> -> vector<16xf32>
    %add3A_836 = arith.addf %add3A_822, %gather3A_835 : vector<16xf32>
    %xor3A_837 = arith.constant 8 : i32
    %xor3A_838 = vector.broadcast %xor3A_837 : i32 to vector<16xi32>
    %xor3A_839 = arith.xori %iota3A, %xor3A_838 : vector<16xi32>
    %lt3A_840 = arith.constant 0 : i32
    %lt3A_841 = vector.broadcast %lt3A_840 : i32 to vector<16xi32>
    %lt3A_842 = arith.cmpi slt, %xor3A_839, %lt3A_841 : vector<16xi32>
    %add3A_843 = arith.constant 16 : i32
    %add3A_844 = vector.broadcast %add3A_843 : i32 to vector<16xi32>
    %add3A_845 = arith.addi %xor3A_839, %add3A_844 : vector<16xi32>
    %select_n3A_846 = arith.select %lt3A_842, %add3A_845, %xor3A_839 : vector<16xi1>, vector<16xi32>
    %broadcast_in_dim3A_847 = vector.shape_cast %select_n3A_846 : vector<16xi32> to vector<16x1xi32>
    %gather3A_848 = vector.shape_cast %broadcast_in_dim3A_847 : vector<16x1xi32> to vector<16xi32>
    %gather3A_849 = tpu.dynamic_gather %add3A_836[%gather3A_848] in [0] : vector<16xf32>, vector<16xi32> -> vector<16xf32>
    %add3A_850 = arith.addf %add3A_836, %gather3A_849 : vector<16xf32>
    %select_n3A_851 = arith.select %eq3A_737, %add3A_850, %select_n3A_734 : vector<16xi1>, vector<16xf32>
    %eq3A_852 = arith.constant 7 : i32
    %eq3A_853 = vector.broadcast %eq3A_852 : i32 to vector<16xi32>
    %eq3A_854 = arith.cmpi eq, %iota3A, %eq3A_853 : vector<16xi32>
    %xor3A_855 = arith.constant 1 : i32
    %xor3A_856 = vector.broadcast %xor3A_855 : i32 to vector<16xi32>
    %xor3A_857 = arith.xori %iota3A, %xor3A_856 : vector<16xi32>
    %lt3A_858 = arith.constant 0 : i32
    %lt3A_859 = vector.broadcast %lt3A_858 : i32 to vector<16xi32>
    %lt3A_860 = arith.cmpi slt, %xor3A_857, %lt3A_859 : vector<16xi32>
    %add3A_861 = arith.constant 16 : i32
    %add3A_862 = vector.broadcast %add3A_861 : i32 to vector<16xi32>
    %add3A_863 = arith.addi %xor3A_857, %add3A_862 : vector<16xi32>
    %select_n3A_864 = arith.select %lt3A_860, %add3A_863, %xor3A_857 : vector<16xi1>, vector<16xi32>
    %broadcast_in_dim3A_865 = vector.shape_cast %select_n3A_864 : vector<16xi32> to vector<16x1xi32>
    %gather3A_866 = vector.shape_cast %broadcast_in_dim3A_865 : vector<16x1xi32> to vector<16xi32>
    %gather3A_867 = tpu.dynamic_gather %scan3A_36#14[%gather3A_866] in [0] : vector<16xf32>, vector<16xi32> -> vector<16xf32>
    %add3A_868 = arith.addf %scan3A_36#14, %gather3A_867 : vector<16xf32>
    %xor3A_869 = arith.constant 2 : i32
    %xor3A_870 = vector.broadcast %xor3A_869 : i32 to vector<16xi32>
    %xor3A_871 = arith.xori %iota3A, %xor3A_870 : vector<16xi32>
    %lt3A_872 = arith.constant 0 : i32
    %lt3A_873 = vector.broadcast %lt3A_872 : i32 to vector<16xi32>
    %lt3A_874 = arith.cmpi slt, %xor3A_871, %lt3A_873 : vector<16xi32>
    %add3A_875 = arith.constant 16 : i32
    %add3A_876 = vector.broadcast %add3A_875 : i32 to vector<16xi32>
    %add3A_877 = arith.addi %xor3A_871, %add3A_876 : vector<16xi32>
    %select_n3A_878 = arith.select %lt3A_874, %add3A_877, %xor3A_871 : vector<16xi1>, vector<16xi32>
    %broadcast_in_dim3A_879 = vector.shape_cast %select_n3A_878 : vector<16xi32> to vector<16x1xi32>
    %gather3A_880 = vector.shape_cast %broadcast_in_dim3A_879 : vector<16x1xi32> to vector<16xi32>
    %gather3A_881 = tpu.dynamic_gather %add3A_868[%gather3A_880] in [0] : vector<16xf32>, vector<16xi32> -> vector<16xf32>
    %add3A_882 = arith.addf %add3A_868, %gather3A_881 : vector<16xf32>
    %xor3A_883 = arith.constant 4 : i32
    %xor3A_884 = vector.broadcast %xor3A_883 : i32 to vector<16xi32>
    %xor3A_885 = arith.xori %iota3A, %xor3A_884 : vector<16xi32>
    %lt3A_886 = arith.constant 0 : i32
    %lt3A_887 = vector.broadcast %lt3A_886 : i32 to vector<16xi32>
    %lt3A_888 = arith.cmpi slt, %xor3A_885, %lt3A_887 : vector<16xi32>
    %add3A_889 = arith.constant 16 : i32
    %add3A_890 = vector.broadcast %add3A_889 : i32 to vector<16xi32>
    %add3A_891 = arith.addi %xor3A_885, %add3A_890 : vector<16xi32>
    %select_n3A_892 = arith.select %lt3A_888, %add3A_891, %xor3A_885 : vector<16xi1>, vector<16xi32>
    %broadcast_in_dim3A_893 = vector.shape_cast %select_n3A_892 : vector<16xi32> to vector<16x1xi32>
    %gather3A_894 = vector.shape_cast %broadcast_in_dim3A_893 : vector<16x1xi32> to vector<16xi32>
    %gather3A_895 = tpu.dynamic_gather %add3A_882[%gather3A_894] in [0] : vector<16xf32>, vector<16xi32> -> vector<16xf32>
    %add3A_896 = arith.addf %add3A_882, %gather3A_895 : vector<16xf32>
    %xor3A_897 = arith.constant 8 : i32
    %xor3A_898 = vector.broadcast %xor3A_897 : i32 to vector<16xi32>
    %xor3A_899 = arith.xori %iota3A, %xor3A_898 : vector<16xi32>
    %lt3A_900 = arith.constant 0 : i32
    %lt3A_901 = vector.broadcast %lt3A_900 : i32 to vector<16xi32>
    %lt3A_902 = arith.cmpi slt, %xor3A_899, %lt3A_901 : vector<16xi32>
    %add3A_903 = arith.constant 16 : i32
    %add3A_904 = vector.broadcast %add3A_903 : i32 to vector<16xi32>
    %add3A_905 = arith.addi %xor3A_899, %add3A_904 : vector<16xi32>
    %select_n3A_906 = arith.select %lt3A_902, %add3A_905, %xor3A_899 : vector<16xi1>, vector<16xi32>
    %broadcast_in_dim3A_907 = vector.shape_cast %select_n3A_906 : vector<16xi32> to vector<16x1xi32>
    %gather3A_908 = vector.shape_cast %broadcast_in_dim3A_907 : vector<16x1xi32> to vector<16xi32>
    %gather3A_909 = tpu.dynamic_gather %add3A_896[%gather3A_908] in [0] : vector<16xf32>, vector<16xi32> -> vector<16xf32>
    %add3A_910 = arith.addf %add3A_896, %gather3A_909 : vector<16xf32>
    %select_n3A_911 = arith.select %eq3A_854, %add3A_910, %select_n3A_794 : vector<16xi1>, vector<16xf32>
    %xor3A_912 = arith.constant 1 : i32
    %xor3A_913 = vector.broadcast %xor3A_912 : i32 to vector<16xi32>
    %xor3A_914 = arith.xori %iota3A, %xor3A_913 : vector<16xi32>
    %lt3A_915 = arith.constant 0 : i32
    %lt3A_916 = vector.broadcast %lt3A_915 : i32 to vector<16xi32>
    %lt3A_917 = arith.cmpi slt, %xor3A_914, %lt3A_916 : vector<16xi32>
    %add3A_918 = arith.constant 16 : i32
    %add3A_919 = vector.broadcast %add3A_918 : i32 to vector<16xi32>
    %add3A_920 = arith.addi %xor3A_914, %add3A_919 : vector<16xi32>
    %select_n3A_921 = arith.select %lt3A_917, %add3A_920, %xor3A_914 : vector<16xi1>, vector<16xi32>
    %broadcast_in_dim3A_922 = vector.shape_cast %select_n3A_921 : vector<16xi32> to vector<16x1xi32>
    %gather3A_923 = vector.shape_cast %broadcast_in_dim3A_922 : vector<16x1xi32> to vector<16xi32>
    %gather3A_924 = tpu.dynamic_gather %scan3A_36#15[%gather3A_923] in [0] : vector<16xf32>, vector<16xi32> -> vector<16xf32>
    %add3A_925 = arith.addf %scan3A_36#15, %gather3A_924 : vector<16xf32>
    %xor3A_926 = arith.constant 2 : i32
    %xor3A_927 = vector.broadcast %xor3A_926 : i32 to vector<16xi32>
    %xor3A_928 = arith.xori %iota3A, %xor3A_927 : vector<16xi32>
    %lt3A_929 = arith.constant 0 : i32
    %lt3A_930 = vector.broadcast %lt3A_929 : i32 to vector<16xi32>
    %lt3A_931 = arith.cmpi slt, %xor3A_928, %lt3A_930 : vector<16xi32>
    %add3A_932 = arith.constant 16 : i32
    %add3A_933 = vector.broadcast %add3A_932 : i32 to vector<16xi32>
    %add3A_934 = arith.addi %xor3A_928, %add3A_933 : vector<16xi32>
    %select_n3A_935 = arith.select %lt3A_931, %add3A_934, %xor3A_928 : vector<16xi1>, vector<16xi32>
    %broadcast_in_dim3A_936 = vector.shape_cast %select_n3A_935 : vector<16xi32> to vector<16x1xi32>
    %gather3A_937 = vector.shape_cast %broadcast_in_dim3A_936 : vector<16x1xi32> to vector<16xi32>
    %gather3A_938 = tpu.dynamic_gather %add3A_925[%gather3A_937] in [0] : vector<16xf32>, vector<16xi32> -> vector<16xf32>
    %add3A_939 = arith.addf %add3A_925, %gather3A_938 : vector<16xf32>
    %xor3A_940 = arith.constant 4 : i32
    %xor3A_941 = vector.broadcast %xor3A_940 : i32 to vector<16xi32>
    %xor3A_942 = arith.xori %iota3A, %xor3A_941 : vector<16xi32>
    %lt3A_943 = arith.constant 0 : i32
    %lt3A_944 = vector.broadcast %lt3A_943 : i32 to vector<16xi32>
    %lt3A_945 = arith.cmpi slt, %xor3A_942, %lt3A_944 : vector<16xi32>
    %add3A_946 = arith.constant 16 : i32
    %add3A_947 = vector.broadcast %add3A_946 : i32 to vector<16xi32>
    %add3A_948 = arith.addi %xor3A_942, %add3A_947 : vector<16xi32>
    %select_n3A_949 = arith.select %lt3A_945, %add3A_948, %xor3A_942 : vector<16xi1>, vector<16xi32>
    %broadcast_in_dim3A_950 = vector.shape_cast %select_n3A_949 : vector<16xi32> to vector<16x1xi32>
    %gather3A_951 = vector.shape_cast %broadcast_in_dim3A_950 : vector<16x1xi32> to vector<16xi32>
    %gather3A_952 = tpu.dynamic_gather %add3A_939[%gather3A_951] in [0] : vector<16xf32>, vector<16xi32> -> vector<16xf32>
    %add3A_953 = arith.addf %add3A_939, %gather3A_952 : vector<16xf32>
    %xor3A_954 = arith.constant 8 : i32
    %xor3A_955 = vector.broadcast %xor3A_954 : i32 to vector<16xi32>
    %xor3A_956 = arith.xori %iota3A, %xor3A_955 : vector<16xi32>
    %lt3A_957 = arith.constant 0 : i32
    %lt3A_958 = vector.broadcast %lt3A_957 : i32 to vector<16xi32>
    %lt3A_959 = arith.cmpi slt, %xor3A_956, %lt3A_958 : vector<16xi32>
    %add3A_960 = arith.constant 16 : i32
    %add3A_961 = vector.broadcast %add3A_960 : i32 to vector<16xi32>
    %add3A_962 = arith.addi %xor3A_956, %add3A_961 : vector<16xi32>
    %select_n3A_963 = arith.select %lt3A_959, %add3A_962, %xor3A_956 : vector<16xi1>, vector<16xi32>
    %broadcast_in_dim3A_964 = vector.shape_cast %select_n3A_963 : vector<16xi32> to vector<16x1xi32>
    %gather3A_965 = vector.shape_cast %broadcast_in_dim3A_964 : vector<16x1xi32> to vector<16xi32>
    %gather3A_966 = tpu.dynamic_gather %add3A_953[%gather3A_965] in [0] : vector<16xf32>, vector<16xi32> -> vector<16xf32>
    %add3A_967 = arith.addf %add3A_953, %gather3A_966 : vector<16xf32>
    %select_n3A_968 = arith.select %eq3A_854, %add3A_967, %select_n3A_851 : vector<16xi1>, vector<16xf32>
    %eq3A_969 = arith.constant 8 : i32
    %eq3A_970 = vector.broadcast %eq3A_969 : i32 to vector<16xi32>
    %eq3A_971 = arith.cmpi eq, %iota3A, %eq3A_970 : vector<16xi32>
    %xor3A_972 = arith.constant 1 : i32
    %xor3A_973 = vector.broadcast %xor3A_972 : i32 to vector<16xi32>
    %xor3A_974 = arith.xori %iota3A, %xor3A_973 : vector<16xi32>
    %lt3A_975 = arith.constant 0 : i32
    %lt3A_976 = vector.broadcast %lt3A_975 : i32 to vector<16xi32>
    %lt3A_977 = arith.cmpi slt, %xor3A_974, %lt3A_976 : vector<16xi32>
    %add3A_978 = arith.constant 16 : i32
    %add3A_979 = vector.broadcast %add3A_978 : i32 to vector<16xi32>
    %add3A_980 = arith.addi %xor3A_974, %add3A_979 : vector<16xi32>
    %select_n3A_981 = arith.select %lt3A_977, %add3A_980, %xor3A_974 : vector<16xi1>, vector<16xi32>
    %broadcast_in_dim3A_982 = vector.shape_cast %select_n3A_981 : vector<16xi32> to vector<16x1xi32>
    %gather3A_983 = vector.shape_cast %broadcast_in_dim3A_982 : vector<16x1xi32> to vector<16xi32>
    %gather3A_984 = tpu.dynamic_gather %scan3A_36#16[%gather3A_983] in [0] : vector<16xf32>, vector<16xi32> -> vector<16xf32>
    %add3A_985 = arith.addf %scan3A_36#16, %gather3A_984 : vector<16xf32>
    %xor3A_986 = arith.constant 2 : i32
    %xor3A_987 = vector.broadcast %xor3A_986 : i32 to vector<16xi32>
    %xor3A_988 = arith.xori %iota3A, %xor3A_987 : vector<16xi32>
    %lt3A_989 = arith.constant 0 : i32
    %lt3A_990 = vector.broadcast %lt3A_989 : i32 to vector<16xi32>
    %lt3A_991 = arith.cmpi slt, %xor3A_988, %lt3A_990 : vector<16xi32>
    %add3A_992 = arith.constant 16 : i32
    %add3A_993 = vector.broadcast %add3A_992 : i32 to vector<16xi32>
    %add3A_994 = arith.addi %xor3A_988, %add3A_993 : vector<16xi32>
    %select_n3A_995 = arith.select %lt3A_991, %add3A_994, %xor3A_988 : vector<16xi1>, vector<16xi32>
    %broadcast_in_dim3A_996 = vector.shape_cast %select_n3A_995 : vector<16xi32> to vector<16x1xi32>
    %gather3A_997 = vector.shape_cast %broadcast_in_dim3A_996 : vector<16x1xi32> to vector<16xi32>
    %gather3A_998 = tpu.dynamic_gather %add3A_985[%gather3A_997] in [0] : vector<16xf32>, vector<16xi32> -> vector<16xf32>
    %add3A_999 = arith.addf %add3A_985, %gather3A_998 : vector<16xf32>
    %xor3A_1000 = arith.constant 4 : i32
    %xor3A_1001 = vector.broadcast %xor3A_1000 : i32 to vector<16xi32>
    %xor3A_1002 = arith.xori %iota3A, %xor3A_1001 : vector<16xi32>
    %lt3A_1003 = arith.constant 0 : i32
    %lt3A_1004 = vector.broadcast %lt3A_1003 : i32 to vector<16xi32>
    %lt3A_1005 = arith.cmpi slt, %xor3A_1002, %lt3A_1004 : vector<16xi32>
    %add3A_1006 = arith.constant 16 : i32
    %add3A_1007 = vector.broadcast %add3A_1006 : i32 to vector<16xi32>
    %add3A_1008 = arith.addi %xor3A_1002, %add3A_1007 : vector<16xi32>
    %select_n3A_1009 = arith.select %lt3A_1005, %add3A_1008, %xor3A_1002 : vector<16xi1>, vector<16xi32>
    %broadcast_in_dim3A_1010 = vector.shape_cast %select_n3A_1009 : vector<16xi32> to vector<16x1xi32>
    %gather3A_1011 = vector.shape_cast %broadcast_in_dim3A_1010 : vector<16x1xi32> to vector<16xi32>
    %gather3A_1012 = tpu.dynamic_gather %add3A_999[%gather3A_1011] in [0] : vector<16xf32>, vector<16xi32> -> vector<16xf32>
    %add3A_1013 = arith.addf %add3A_999, %gather3A_1012 : vector<16xf32>
    %xor3A_1014 = arith.constant 8 : i32
    %xor3A_1015 = vector.broadcast %xor3A_1014 : i32 to vector<16xi32>
    %xor3A_1016 = arith.xori %iota3A, %xor3A_1015 : vector<16xi32>
    %lt3A_1017 = arith.constant 0 : i32
    %lt3A_1018 = vector.broadcast %lt3A_1017 : i32 to vector<16xi32>
    %lt3A_1019 = arith.cmpi slt, %xor3A_1016, %lt3A_1018 : vector<16xi32>
    %add3A_1020 = arith.constant 16 : i32
    %add3A_1021 = vector.broadcast %add3A_1020 : i32 to vector<16xi32>
    %add3A_1022 = arith.addi %xor3A_1016, %add3A_1021 : vector<16xi32>
    %select_n3A_1023 = arith.select %lt3A_1019, %add3A_1022, %xor3A_1016 : vector<16xi1>, vector<16xi32>
    %broadcast_in_dim3A_1024 = vector.shape_cast %select_n3A_1023 : vector<16xi32> to vector<16x1xi32>
    %gather3A_1025 = vector.shape_cast %broadcast_in_dim3A_1024 : vector<16x1xi32> to vector<16xi32>
    %gather3A_1026 = tpu.dynamic_gather %add3A_1013[%gather3A_1025] in [0] : vector<16xf32>, vector<16xi32> -> vector<16xf32>
    %add3A_1027 = arith.addf %add3A_1013, %gather3A_1026 : vector<16xf32>
    %select_n3A_1028 = arith.select %eq3A_971, %add3A_1027, %select_n3A_911 : vector<16xi1>, vector<16xf32>
    %xor3A_1029 = arith.constant 1 : i32
    %xor3A_1030 = vector.broadcast %xor3A_1029 : i32 to vector<16xi32>
    %xor3A_1031 = arith.xori %iota3A, %xor3A_1030 : vector<16xi32>
    %lt3A_1032 = arith.constant 0 : i32
    %lt3A_1033 = vector.broadcast %lt3A_1032 : i32 to vector<16xi32>
    %lt3A_1034 = arith.cmpi slt, %xor3A_1031, %lt3A_1033 : vector<16xi32>
    %add3A_1035 = arith.constant 16 : i32
    %add3A_1036 = vector.broadcast %add3A_1035 : i32 to vector<16xi32>
    %add3A_1037 = arith.addi %xor3A_1031, %add3A_1036 : vector<16xi32>
    %select_n3A_1038 = arith.select %lt3A_1034, %add3A_1037, %xor3A_1031 : vector<16xi1>, vector<16xi32>
    %broadcast_in_dim3A_1039 = vector.shape_cast %select_n3A_1038 : vector<16xi32> to vector<16x1xi32>
    %gather3A_1040 = vector.shape_cast %broadcast_in_dim3A_1039 : vector<16x1xi32> to vector<16xi32>
    %gather3A_1041 = tpu.dynamic_gather %scan3A_36#17[%gather3A_1040] in [0] : vector<16xf32>, vector<16xi32> -> vector<16xf32>
    %add3A_1042 = arith.addf %scan3A_36#17, %gather3A_1041 : vector<16xf32>
    %xor3A_1043 = arith.constant 2 : i32
    %xor3A_1044 = vector.broadcast %xor3A_1043 : i32 to vector<16xi32>
    %xor3A_1045 = arith.xori %iota3A, %xor3A_1044 : vector<16xi32>
    %lt3A_1046 = arith.constant 0 : i32
    %lt3A_1047 = vector.broadcast %lt3A_1046 : i32 to vector<16xi32>
    %lt3A_1048 = arith.cmpi slt, %xor3A_1045, %lt3A_1047 : vector<16xi32>
    %add3A_1049 = arith.constant 16 : i32
    %add3A_1050 = vector.broadcast %add3A_1049 : i32 to vector<16xi32>
    %add3A_1051 = arith.addi %xor3A_1045, %add3A_1050 : vector<16xi32>
    %select_n3A_1052 = arith.select %lt3A_1048, %add3A_1051, %xor3A_1045 : vector<16xi1>, vector<16xi32>
    %broadcast_in_dim3A_1053 = vector.shape_cast %select_n3A_1052 : vector<16xi32> to vector<16x1xi32>
    %gather3A_1054 = vector.shape_cast %broadcast_in_dim3A_1053 : vector<16x1xi32> to vector<16xi32>
    %gather3A_1055 = tpu.dynamic_gather %add3A_1042[%gather3A_1054] in [0] : vector<16xf32>, vector<16xi32> -> vector<16xf32>
    %add3A_1056 = arith.addf %add3A_1042, %gather3A_1055 : vector<16xf32>
    %xor3A_1057 = arith.constant 4 : i32
    %xor3A_1058 = vector.broadcast %xor3A_1057 : i32 to vector<16xi32>
    %xor3A_1059 = arith.xori %iota3A, %xor3A_1058 : vector<16xi32>
    %lt3A_1060 = arith.constant 0 : i32
    %lt3A_1061 = vector.broadcast %lt3A_1060 : i32 to vector<16xi32>
    %lt3A_1062 = arith.cmpi slt, %xor3A_1059, %lt3A_1061 : vector<16xi32>
    %add3A_1063 = arith.constant 16 : i32
    %add3A_1064 = vector.broadcast %add3A_1063 : i32 to vector<16xi32>
    %add3A_1065 = arith.addi %xor3A_1059, %add3A_1064 : vector<16xi32>
    %select_n3A_1066 = arith.select %lt3A_1062, %add3A_1065, %xor3A_1059 : vector<16xi1>, vector<16xi32>
    %broadcast_in_dim3A_1067 = vector.shape_cast %select_n3A_1066 : vector<16xi32> to vector<16x1xi32>
    %gather3A_1068 = vector.shape_cast %broadcast_in_dim3A_1067 : vector<16x1xi32> to vector<16xi32>
    %gather3A_1069 = tpu.dynamic_gather %add3A_1056[%gather3A_1068] in [0] : vector<16xf32>, vector<16xi32> -> vector<16xf32>
    %add3A_1070 = arith.addf %add3A_1056, %gather3A_1069 : vector<16xf32>
    %xor3A_1071 = arith.constant 8 : i32
    %xor3A_1072 = vector.broadcast %xor3A_1071 : i32 to vector<16xi32>
    %xor3A_1073 = arith.xori %iota3A, %xor3A_1072 : vector<16xi32>
    %lt3A_1074 = arith.constant 0 : i32
    %lt3A_1075 = vector.broadcast %lt3A_1074 : i32 to vector<16xi32>
    %lt3A_1076 = arith.cmpi slt, %xor3A_1073, %lt3A_1075 : vector<16xi32>
    %add3A_1077 = arith.constant 16 : i32
    %add3A_1078 = vector.broadcast %add3A_1077 : i32 to vector<16xi32>
    %add3A_1079 = arith.addi %xor3A_1073, %add3A_1078 : vector<16xi32>
    %select_n3A_1080 = arith.select %lt3A_1076, %add3A_1079, %xor3A_1073 : vector<16xi1>, vector<16xi32>
    %broadcast_in_dim3A_1081 = vector.shape_cast %select_n3A_1080 : vector<16xi32> to vector<16x1xi32>
    %gather3A_1082 = vector.shape_cast %broadcast_in_dim3A_1081 : vector<16x1xi32> to vector<16xi32>
    %gather3A_1083 = tpu.dynamic_gather %add3A_1070[%gather3A_1082] in [0] : vector<16xf32>, vector<16xi32> -> vector<16xf32>
    %add3A_1084 = arith.addf %add3A_1070, %gather3A_1083 : vector<16xf32>
    %select_n3A_1085 = arith.select %eq3A_971, %add3A_1084, %select_n3A_968 : vector<16xi1>, vector<16xf32>
    %eq3A_1086 = arith.constant 9 : i32
    %eq3A_1087 = vector.broadcast %eq3A_1086 : i32 to vector<16xi32>
    %eq3A_1088 = arith.cmpi eq, %iota3A, %eq3A_1087 : vector<16xi32>
    %xor3A_1089 = arith.constant 1 : i32
    %xor3A_1090 = vector.broadcast %xor3A_1089 : i32 to vector<16xi32>
    %xor3A_1091 = arith.xori %iota3A, %xor3A_1090 : vector<16xi32>
    %lt3A_1092 = arith.constant 0 : i32
    %lt3A_1093 = vector.broadcast %lt3A_1092 : i32 to vector<16xi32>
    %lt3A_1094 = arith.cmpi slt, %xor3A_1091, %lt3A_1093 : vector<16xi32>
    %add3A_1095 = arith.constant 16 : i32
    %add3A_1096 = vector.broadcast %add3A_1095 : i32 to vector<16xi32>
    %add3A_1097 = arith.addi %xor3A_1091, %add3A_1096 : vector<16xi32>
    %select_n3A_1098 = arith.select %lt3A_1094, %add3A_1097, %xor3A_1091 : vector<16xi1>, vector<16xi32>
    %broadcast_in_dim3A_1099 = vector.shape_cast %select_n3A_1098 : vector<16xi32> to vector<16x1xi32>
    %gather3A_1100 = vector.shape_cast %broadcast_in_dim3A_1099 : vector<16x1xi32> to vector<16xi32>
    %gather3A_1101 = tpu.dynamic_gather %scan3A_36#18[%gather3A_1100] in [0] : vector<16xf32>, vector<16xi32> -> vector<16xf32>
    %add3A_1102 = arith.addf %scan3A_36#18, %gather3A_1101 : vector<16xf32>
    %xor3A_1103 = arith.constant 2 : i32
    %xor3A_1104 = vector.broadcast %xor3A_1103 : i32 to vector<16xi32>
    %xor3A_1105 = arith.xori %iota3A, %xor3A_1104 : vector<16xi32>
    %lt3A_1106 = arith.constant 0 : i32
    %lt3A_1107 = vector.broadcast %lt3A_1106 : i32 to vector<16xi32>
    %lt3A_1108 = arith.cmpi slt, %xor3A_1105, %lt3A_1107 : vector<16xi32>
    %add3A_1109 = arith.constant 16 : i32
    %add3A_1110 = vector.broadcast %add3A_1109 : i32 to vector<16xi32>
    %add3A_1111 = arith.addi %xor3A_1105, %add3A_1110 : vector<16xi32>
    %select_n3A_1112 = arith.select %lt3A_1108, %add3A_1111, %xor3A_1105 : vector<16xi1>, vector<16xi32>
    %broadcast_in_dim3A_1113 = vector.shape_cast %select_n3A_1112 : vector<16xi32> to vector<16x1xi32>
    %gather3A_1114 = vector.shape_cast %broadcast_in_dim3A_1113 : vector<16x1xi32> to vector<16xi32>
    %gather3A_1115 = tpu.dynamic_gather %add3A_1102[%gather3A_1114] in [0] : vector<16xf32>, vector<16xi32> -> vector<16xf32>
    %add3A_1116 = arith.addf %add3A_1102, %gather3A_1115 : vector<16xf32>
    %xor3A_1117 = arith.constant 4 : i32
    %xor3A_1118 = vector.broadcast %xor3A_1117 : i32 to vector<16xi32>
    %xor3A_1119 = arith.xori %iota3A, %xor3A_1118 : vector<16xi32>
    %lt3A_1120 = arith.constant 0 : i32
    %lt3A_1121 = vector.broadcast %lt3A_1120 : i32 to vector<16xi32>
    %lt3A_1122 = arith.cmpi slt, %xor3A_1119, %lt3A_1121 : vector<16xi32>
    %add3A_1123 = arith.constant 16 : i32
    %add3A_1124 = vector.broadcast %add3A_1123 : i32 to vector<16xi32>
    %add3A_1125 = arith.addi %xor3A_1119, %add3A_1124 : vector<16xi32>
    %select_n3A_1126 = arith.select %lt3A_1122, %add3A_1125, %xor3A_1119 : vector<16xi1>, vector<16xi32>
    %broadcast_in_dim3A_1127 = vector.shape_cast %select_n3A_1126 : vector<16xi32> to vector<16x1xi32>
    %gather3A_1128 = vector.shape_cast %broadcast_in_dim3A_1127 : vector<16x1xi32> to vector<16xi32>
    %gather3A_1129 = tpu.dynamic_gather %add3A_1116[%gather3A_1128] in [0] : vector<16xf32>, vector<16xi32> -> vector<16xf32>
    %add3A_1130 = arith.addf %add3A_1116, %gather3A_1129 : vector<16xf32>
    %xor3A_1131 = arith.constant 8 : i32
    %xor3A_1132 = vector.broadcast %xor3A_1131 : i32 to vector<16xi32>
    %xor3A_1133 = arith.xori %iota3A, %xor3A_1132 : vector<16xi32>
    %lt3A_1134 = arith.constant 0 : i32
    %lt3A_1135 = vector.broadcast %lt3A_1134 : i32 to vector<16xi32>
    %lt3A_1136 = arith.cmpi slt, %xor3A_1133, %lt3A_1135 : vector<16xi32>
    %add3A_1137 = arith.constant 16 : i32
    %add3A_1138 = vector.broadcast %add3A_1137 : i32 to vector<16xi32>
    %add3A_1139 = arith.addi %xor3A_1133, %add3A_1138 : vector<16xi32>
    %select_n3A_1140 = arith.select %lt3A_1136, %add3A_1139, %xor3A_1133 : vector<16xi1>, vector<16xi32>
    %broadcast_in_dim3A_1141 = vector.shape_cast %select_n3A_1140 : vector<16xi32> to vector<16x1xi32>
    %gather3A_1142 = vector.shape_cast %broadcast_in_dim3A_1141 : vector<16x1xi32> to vector<16xi32>
    %gather3A_1143 = tpu.dynamic_gather %add3A_1130[%gather3A_1142] in [0] : vector<16xf32>, vector<16xi32> -> vector<16xf32>
    %add3A_1144 = arith.addf %add3A_1130, %gather3A_1143 : vector<16xf32>
    %select_n3A_1145 = arith.select %eq3A_1088, %add3A_1144, %select_n3A_1028 : vector<16xi1>, vector<16xf32>
    %xor3A_1146 = arith.constant 1 : i32
    %xor3A_1147 = vector.broadcast %xor3A_1146 : i32 to vector<16xi32>
    %xor3A_1148 = arith.xori %iota3A, %xor3A_1147 : vector<16xi32>
    %lt3A_1149 = arith.constant 0 : i32
    %lt3A_1150 = vector.broadcast %lt3A_1149 : i32 to vector<16xi32>
    %lt3A_1151 = arith.cmpi slt, %xor3A_1148, %lt3A_1150 : vector<16xi32>
    %add3A_1152 = arith.constant 16 : i32
    %add3A_1153 = vector.broadcast %add3A_1152 : i32 to vector<16xi32>
    %add3A_1154 = arith.addi %xor3A_1148, %add3A_1153 : vector<16xi32>
    %select_n3A_1155 = arith.select %lt3A_1151, %add3A_1154, %xor3A_1148 : vector<16xi1>, vector<16xi32>
    %broadcast_in_dim3A_1156 = vector.shape_cast %select_n3A_1155 : vector<16xi32> to vector<16x1xi32>
    %gather3A_1157 = vector.shape_cast %broadcast_in_dim3A_1156 : vector<16x1xi32> to vector<16xi32>
    %gather3A_1158 = tpu.dynamic_gather %scan3A_36#19[%gather3A_1157] in [0] : vector<16xf32>, vector<16xi32> -> vector<16xf32>
    %add3A_1159 = arith.addf %scan3A_36#19, %gather3A_1158 : vector<16xf32>
    %xor3A_1160 = arith.constant 2 : i32
    %xor3A_1161 = vector.broadcast %xor3A_1160 : i32 to vector<16xi32>
    %xor3A_1162 = arith.xori %iota3A, %xor3A_1161 : vector<16xi32>
    %lt3A_1163 = arith.constant 0 : i32
    %lt3A_1164 = vector.broadcast %lt3A_1163 : i32 to vector<16xi32>
    %lt3A_1165 = arith.cmpi slt, %xor3A_1162, %lt3A_1164 : vector<16xi32>
    %add3A_1166 = arith.constant 16 : i32
    %add3A_1167 = vector.broadcast %add3A_1166 : i32 to vector<16xi32>
    %add3A_1168 = arith.addi %xor3A_1162, %add3A_1167 : vector<16xi32>
    %select_n3A_1169 = arith.select %lt3A_1165, %add3A_1168, %xor3A_1162 : vector<16xi1>, vector<16xi32>
    %broadcast_in_dim3A_1170 = vector.shape_cast %select_n3A_1169 : vector<16xi32> to vector<16x1xi32>
    %gather3A_1171 = vector.shape_cast %broadcast_in_dim3A_1170 : vector<16x1xi32> to vector<16xi32>
    %gather3A_1172 = tpu.dynamic_gather %add3A_1159[%gather3A_1171] in [0] : vector<16xf32>, vector<16xi32> -> vector<16xf32>
    %add3A_1173 = arith.addf %add3A_1159, %gather3A_1172 : vector<16xf32>
    %xor3A_1174 = arith.constant 4 : i32
    %xor3A_1175 = vector.broadcast %xor3A_1174 : i32 to vector<16xi32>
    %xor3A_1176 = arith.xori %iota3A, %xor3A_1175 : vector<16xi32>
    %lt3A_1177 = arith.constant 0 : i32
    %lt3A_1178 = vector.broadcast %lt3A_1177 : i32 to vector<16xi32>
    %lt3A_1179 = arith.cmpi slt, %xor3A_1176, %lt3A_1178 : vector<16xi32>
    %add3A_1180 = arith.constant 16 : i32
    %add3A_1181 = vector.broadcast %add3A_1180 : i32 to vector<16xi32>
    %add3A_1182 = arith.addi %xor3A_1176, %add3A_1181 : vector<16xi32>
    %select_n3A_1183 = arith.select %lt3A_1179, %add3A_1182, %xor3A_1176 : vector<16xi1>, vector<16xi32>
    %broadcast_in_dim3A_1184 = vector.shape_cast %select_n3A_1183 : vector<16xi32> to vector<16x1xi32>
    %gather3A_1185 = vector.shape_cast %broadcast_in_dim3A_1184 : vector<16x1xi32> to vector<16xi32>
    %gather3A_1186 = tpu.dynamic_gather %add3A_1173[%gather3A_1185] in [0] : vector<16xf32>, vector<16xi32> -> vector<16xf32>
    %add3A_1187 = arith.addf %add3A_1173, %gather3A_1186 : vector<16xf32>
    %xor3A_1188 = arith.constant 8 : i32
    %xor3A_1189 = vector.broadcast %xor3A_1188 : i32 to vector<16xi32>
    %xor3A_1190 = arith.xori %iota3A, %xor3A_1189 : vector<16xi32>
    %lt3A_1191 = arith.constant 0 : i32
    %lt3A_1192 = vector.broadcast %lt3A_1191 : i32 to vector<16xi32>
    %lt3A_1193 = arith.cmpi slt, %xor3A_1190, %lt3A_1192 : vector<16xi32>
    %add3A_1194 = arith.constant 16 : i32
    %add3A_1195 = vector.broadcast %add3A_1194 : i32 to vector<16xi32>
    %add3A_1196 = arith.addi %xor3A_1190, %add3A_1195 : vector<16xi32>
    %select_n3A_1197 = arith.select %lt3A_1193, %add3A_1196, %xor3A_1190 : vector<16xi1>, vector<16xi32>
    %broadcast_in_dim3A_1198 = vector.shape_cast %select_n3A_1197 : vector<16xi32> to vector<16x1xi32>
    %gather3A_1199 = vector.shape_cast %broadcast_in_dim3A_1198 : vector<16x1xi32> to vector<16xi32>
    %gather3A_1200 = tpu.dynamic_gather %add3A_1187[%gather3A_1199] in [0] : vector<16xf32>, vector<16xi32> -> vector<16xf32>
    %add3A_1201 = arith.addf %add3A_1187, %gather3A_1200 : vector<16xf32>
    %select_n3A_1202 = arith.select %eq3A_1088, %add3A_1201, %select_n3A_1085 : vector<16xi1>, vector<16xf32>
    %eq3A_1203 = arith.constant 10 : i32
    %eq3A_1204 = vector.broadcast %eq3A_1203 : i32 to vector<16xi32>
    %eq3A_1205 = arith.cmpi eq, %iota3A, %eq3A_1204 : vector<16xi32>
    %xor3A_1206 = arith.constant 1 : i32
    %xor3A_1207 = vector.broadcast %xor3A_1206 : i32 to vector<16xi32>
    %xor3A_1208 = arith.xori %iota3A, %xor3A_1207 : vector<16xi32>
    %lt3A_1209 = arith.constant 0 : i32
    %lt3A_1210 = vector.broadcast %lt3A_1209 : i32 to vector<16xi32>
    %lt3A_1211 = arith.cmpi slt, %xor3A_1208, %lt3A_1210 : vector<16xi32>
    %add3A_1212 = arith.constant 16 : i32
    %add3A_1213 = vector.broadcast %add3A_1212 : i32 to vector<16xi32>
    %add3A_1214 = arith.addi %xor3A_1208, %add3A_1213 : vector<16xi32>
    %select_n3A_1215 = arith.select %lt3A_1211, %add3A_1214, %xor3A_1208 : vector<16xi1>, vector<16xi32>
    %broadcast_in_dim3A_1216 = vector.shape_cast %select_n3A_1215 : vector<16xi32> to vector<16x1xi32>
    %gather3A_1217 = vector.shape_cast %broadcast_in_dim3A_1216 : vector<16x1xi32> to vector<16xi32>
    %gather3A_1218 = tpu.dynamic_gather %scan3A_36#20[%gather3A_1217] in [0] : vector<16xf32>, vector<16xi32> -> vector<16xf32>
    %add3A_1219 = arith.addf %scan3A_36#20, %gather3A_1218 : vector<16xf32>
    %xor3A_1220 = arith.constant 2 : i32
    %xor3A_1221 = vector.broadcast %xor3A_1220 : i32 to vector<16xi32>
    %xor3A_1222 = arith.xori %iota3A, %xor3A_1221 : vector<16xi32>
    %lt3A_1223 = arith.constant 0 : i32
    %lt3A_1224 = vector.broadcast %lt3A_1223 : i32 to vector<16xi32>
    %lt3A_1225 = arith.cmpi slt, %xor3A_1222, %lt3A_1224 : vector<16xi32>
    %add3A_1226 = arith.constant 16 : i32
    %add3A_1227 = vector.broadcast %add3A_1226 : i32 to vector<16xi32>
    %add3A_1228 = arith.addi %xor3A_1222, %add3A_1227 : vector<16xi32>
    %select_n3A_1229 = arith.select %lt3A_1225, %add3A_1228, %xor3A_1222 : vector<16xi1>, vector<16xi32>
    %broadcast_in_dim3A_1230 = vector.shape_cast %select_n3A_1229 : vector<16xi32> to vector<16x1xi32>
    %gather3A_1231 = vector.shape_cast %broadcast_in_dim3A_1230 : vector<16x1xi32> to vector<16xi32>
    %gather3A_1232 = tpu.dynamic_gather %add3A_1219[%gather3A_1231] in [0] : vector<16xf32>, vector<16xi32> -> vector<16xf32>
    %add3A_1233 = arith.addf %add3A_1219, %gather3A_1232 : vector<16xf32>
    %xor3A_1234 = arith.constant 4 : i32
    %xor3A_1235 = vector.broadcast %xor3A_1234 : i32 to vector<16xi32>
    %xor3A_1236 = arith.xori %iota3A, %xor3A_1235 : vector<16xi32>
    %lt3A_1237 = arith.constant 0 : i32
    %lt3A_1238 = vector.broadcast %lt3A_1237 : i32 to vector<16xi32>
    %lt3A_1239 = arith.cmpi slt, %xor3A_1236, %lt3A_1238 : vector<16xi32>
    %add3A_1240 = arith.constant 16 : i32
    %add3A_1241 = vector.broadcast %add3A_1240 : i32 to vector<16xi32>
    %add3A_1242 = arith.addi %xor3A_1236, %add3A_1241 : vector<16xi32>
    %select_n3A_1243 = arith.select %lt3A_1239, %add3A_1242, %xor3A_1236 : vector<16xi1>, vector<16xi32>
    %broadcast_in_dim3A_1244 = vector.shape_cast %select_n3A_1243 : vector<16xi32> to vector<16x1xi32>
    %gather3A_1245 = vector.shape_cast %broadcast_in_dim3A_1244 : vector<16x1xi32> to vector<16xi32>
    %gather3A_1246 = tpu.dynamic_gather %add3A_1233[%gather3A_1245] in [0] : vector<16xf32>, vector<16xi32> -> vector<16xf32>
    %add3A_1247 = arith.addf %add3A_1233, %gather3A_1246 : vector<16xf32>
    %xor3A_1248 = arith.constant 8 : i32
    %xor3A_1249 = vector.broadcast %xor3A_1248 : i32 to vector<16xi32>
    %xor3A_1250 = arith.xori %iota3A, %xor3A_1249 : vector<16xi32>
    %lt3A_1251 = arith.constant 0 : i32
    %lt3A_1252 = vector.broadcast %lt3A_1251 : i32 to vector<16xi32>
    %lt3A_1253 = arith.cmpi slt, %xor3A_1250, %lt3A_1252 : vector<16xi32>
    %add3A_1254 = arith.constant 16 : i32
    %add3A_1255 = vector.broadcast %add3A_1254 : i32 to vector<16xi32>
    %add3A_1256 = arith.addi %xor3A_1250, %add3A_1255 : vector<16xi32>
    %select_n3A_1257 = arith.select %lt3A_1253, %add3A_1256, %xor3A_1250 : vector<16xi1>, vector<16xi32>
    %broadcast_in_dim3A_1258 = vector.shape_cast %select_n3A_1257 : vector<16xi32> to vector<16x1xi32>
    %gather3A_1259 = vector.shape_cast %broadcast_in_dim3A_1258 : vector<16x1xi32> to vector<16xi32>
    %gather3A_1260 = tpu.dynamic_gather %add3A_1247[%gather3A_1259] in [0] : vector<16xf32>, vector<16xi32> -> vector<16xf32>
    %add3A_1261 = arith.addf %add3A_1247, %gather3A_1260 : vector<16xf32>
    %select_n3A_1262 = arith.select %eq3A_1205, %add3A_1261, %select_n3A_1145 : vector<16xi1>, vector<16xf32>
    %xor3A_1263 = arith.constant 1 : i32
    %xor3A_1264 = vector.broadcast %xor3A_1263 : i32 to vector<16xi32>
    %xor3A_1265 = arith.xori %iota3A, %xor3A_1264 : vector<16xi32>
    %lt3A_1266 = arith.constant 0 : i32
    %lt3A_1267 = vector.broadcast %lt3A_1266 : i32 to vector<16xi32>
    %lt3A_1268 = arith.cmpi slt, %xor3A_1265, %lt3A_1267 : vector<16xi32>
    %add3A_1269 = arith.constant 16 : i32
    %add3A_1270 = vector.broadcast %add3A_1269 : i32 to vector<16xi32>
    %add3A_1271 = arith.addi %xor3A_1265, %add3A_1270 : vector<16xi32>
    %select_n3A_1272 = arith.select %lt3A_1268, %add3A_1271, %xor3A_1265 : vector<16xi1>, vector<16xi32>
    %broadcast_in_dim3A_1273 = vector.shape_cast %select_n3A_1272 : vector<16xi32> to vector<16x1xi32>
    %gather3A_1274 = vector.shape_cast %broadcast_in_dim3A_1273 : vector<16x1xi32> to vector<16xi32>
    %gather3A_1275 = tpu.dynamic_gather %scan3A_36#21[%gather3A_1274] in [0] : vector<16xf32>, vector<16xi32> -> vector<16xf32>
    %add3A_1276 = arith.addf %scan3A_36#21, %gather3A_1275 : vector<16xf32>
    %xor3A_1277 = arith.constant 2 : i32
    %xor3A_1278 = vector.broadcast %xor3A_1277 : i32 to vector<16xi32>
    %xor3A_1279 = arith.xori %iota3A, %xor3A_1278 : vector<16xi32>
    %lt3A_1280 = arith.constant 0 : i32
    %lt3A_1281 = vector.broadcast %lt3A_1280 : i32 to vector<16xi32>
    %lt3A_1282 = arith.cmpi slt, %xor3A_1279, %lt3A_1281 : vector<16xi32>
    %add3A_1283 = arith.constant 16 : i32
    %add3A_1284 = vector.broadcast %add3A_1283 : i32 to vector<16xi32>
    %add3A_1285 = arith.addi %xor3A_1279, %add3A_1284 : vector<16xi32>
    %select_n3A_1286 = arith.select %lt3A_1282, %add3A_1285, %xor3A_1279 : vector<16xi1>, vector<16xi32>
    %broadcast_in_dim3A_1287 = vector.shape_cast %select_n3A_1286 : vector<16xi32> to vector<16x1xi32>
    %gather3A_1288 = vector.shape_cast %broadcast_in_dim3A_1287 : vector<16x1xi32> to vector<16xi32>
    %gather3A_1289 = tpu.dynamic_gather %add3A_1276[%gather3A_1288] in [0] : vector<16xf32>, vector<16xi32> -> vector<16xf32>
    %add3A_1290 = arith.addf %add3A_1276, %gather3A_1289 : vector<16xf32>
    %xor3A_1291 = arith.constant 4 : i32
    %xor3A_1292 = vector.broadcast %xor3A_1291 : i32 to vector<16xi32>
    %xor3A_1293 = arith.xori %iota3A, %xor3A_1292 : vector<16xi32>
    %lt3A_1294 = arith.constant 0 : i32
    %lt3A_1295 = vector.broadcast %lt3A_1294 : i32 to vector<16xi32>
    %lt3A_1296 = arith.cmpi slt, %xor3A_1293, %lt3A_1295 : vector<16xi32>
    %add3A_1297 = arith.constant 16 : i32
    %add3A_1298 = vector.broadcast %add3A_1297 : i32 to vector<16xi32>
    %add3A_1299 = arith.addi %xor3A_1293, %add3A_1298 : vector<16xi32>
    %select_n3A_1300 = arith.select %lt3A_1296, %add3A_1299, %xor3A_1293 : vector<16xi1>, vector<16xi32>
    %broadcast_in_dim3A_1301 = vector.shape_cast %select_n3A_1300 : vector<16xi32> to vector<16x1xi32>
    %gather3A_1302 = vector.shape_cast %broadcast_in_dim3A_1301 : vector<16x1xi32> to vector<16xi32>
    %gather3A_1303 = tpu.dynamic_gather %add3A_1290[%gather3A_1302] in [0] : vector<16xf32>, vector<16xi32> -> vector<16xf32>
    %add3A_1304 = arith.addf %add3A_1290, %gather3A_1303 : vector<16xf32>
    %xor3A_1305 = arith.constant 8 : i32
    %xor3A_1306 = vector.broadcast %xor3A_1305 : i32 to vector<16xi32>
    %xor3A_1307 = arith.xori %iota3A, %xor3A_1306 : vector<16xi32>
    %lt3A_1308 = arith.constant 0 : i32
    %lt3A_1309 = vector.broadcast %lt3A_1308 : i32 to vector<16xi32>
    %lt3A_1310 = arith.cmpi slt, %xor3A_1307, %lt3A_1309 : vector<16xi32>
    %add3A_1311 = arith.constant 16 : i32
    %add3A_1312 = vector.broadcast %add3A_1311 : i32 to vector<16xi32>
    %add3A_1313 = arith.addi %xor3A_1307, %add3A_1312 : vector<16xi32>
    %select_n3A_1314 = arith.select %lt3A_1310, %add3A_1313, %xor3A_1307 : vector<16xi1>, vector<16xi32>
    %broadcast_in_dim3A_1315 = vector.shape_cast %select_n3A_1314 : vector<16xi32> to vector<16x1xi32>
    %gather3A_1316 = vector.shape_cast %broadcast_in_dim3A_1315 : vector<16x1xi32> to vector<16xi32>
    %gather3A_1317 = tpu.dynamic_gather %add3A_1304[%gather3A_1316] in [0] : vector<16xf32>, vector<16xi32> -> vector<16xf32>
    %add3A_1318 = arith.addf %add3A_1304, %gather3A_1317 : vector<16xf32>
    %select_n3A_1319 = arith.select %eq3A_1205, %add3A_1318, %select_n3A_1202 : vector<16xi1>, vector<16xf32>
    %eq3A_1320 = arith.constant 11 : i32
    %eq3A_1321 = vector.broadcast %eq3A_1320 : i32 to vector<16xi32>
    %eq3A_1322 = arith.cmpi eq, %iota3A, %eq3A_1321 : vector<16xi32>
    %xor3A_1323 = arith.constant 1 : i32
    %xor3A_1324 = vector.broadcast %xor3A_1323 : i32 to vector<16xi32>
    %xor3A_1325 = arith.xori %iota3A, %xor3A_1324 : vector<16xi32>
    %lt3A_1326 = arith.constant 0 : i32
    %lt3A_1327 = vector.broadcast %lt3A_1326 : i32 to vector<16xi32>
    %lt3A_1328 = arith.cmpi slt, %xor3A_1325, %lt3A_1327 : vector<16xi32>
    %add3A_1329 = arith.constant 16 : i32
    %add3A_1330 = vector.broadcast %add3A_1329 : i32 to vector<16xi32>
    %add3A_1331 = arith.addi %xor3A_1325, %add3A_1330 : vector<16xi32>
    %select_n3A_1332 = arith.select %lt3A_1328, %add3A_1331, %xor3A_1325 : vector<16xi1>, vector<16xi32>
    %broadcast_in_dim3A_1333 = vector.shape_cast %select_n3A_1332 : vector<16xi32> to vector<16x1xi32>
    %gather3A_1334 = vector.shape_cast %broadcast_in_dim3A_1333 : vector<16x1xi32> to vector<16xi32>
    %gather3A_1335 = tpu.dynamic_gather %scan3A_36#22[%gather3A_1334] in [0] : vector<16xf32>, vector<16xi32> -> vector<16xf32>
    %add3A_1336 = arith.addf %scan3A_36#22, %gather3A_1335 : vector<16xf32>
    %xor3A_1337 = arith.constant 2 : i32
    %xor3A_1338 = vector.broadcast %xor3A_1337 : i32 to vector<16xi32>
    %xor3A_1339 = arith.xori %iota3A, %xor3A_1338 : vector<16xi32>
    %lt3A_1340 = arith.constant 0 : i32
    %lt3A_1341 = vector.broadcast %lt3A_1340 : i32 to vector<16xi32>
    %lt3A_1342 = arith.cmpi slt, %xor3A_1339, %lt3A_1341 : vector<16xi32>
    %add3A_1343 = arith.constant 16 : i32
    %add3A_1344 = vector.broadcast %add3A_1343 : i32 to vector<16xi32>
    %add3A_1345 = arith.addi %xor3A_1339, %add3A_1344 : vector<16xi32>
    %select_n3A_1346 = arith.select %lt3A_1342, %add3A_1345, %xor3A_1339 : vector<16xi1>, vector<16xi32>
    %broadcast_in_dim3A_1347 = vector.shape_cast %select_n3A_1346 : vector<16xi32> to vector<16x1xi32>
    %gather3A_1348 = vector.shape_cast %broadcast_in_dim3A_1347 : vector<16x1xi32> to vector<16xi32>
    %gather3A_1349 = tpu.dynamic_gather %add3A_1336[%gather3A_1348] in [0] : vector<16xf32>, vector<16xi32> -> vector<16xf32>
    %add3A_1350 = arith.addf %add3A_1336, %gather3A_1349 : vector<16xf32>
    %xor3A_1351 = arith.constant 4 : i32
    %xor3A_1352 = vector.broadcast %xor3A_1351 : i32 to vector<16xi32>
    %xor3A_1353 = arith.xori %iota3A, %xor3A_1352 : vector<16xi32>
    %lt3A_1354 = arith.constant 0 : i32
    %lt3A_1355 = vector.broadcast %lt3A_1354 : i32 to vector<16xi32>
    %lt3A_1356 = arith.cmpi slt, %xor3A_1353, %lt3A_1355 : vector<16xi32>
    %add3A_1357 = arith.constant 16 : i32
    %add3A_1358 = vector.broadcast %add3A_1357 : i32 to vector<16xi32>
    %add3A_1359 = arith.addi %xor3A_1353, %add3A_1358 : vector<16xi32>
    %select_n3A_1360 = arith.select %lt3A_1356, %add3A_1359, %xor3A_1353 : vector<16xi1>, vector<16xi32>
    %broadcast_in_dim3A_1361 = vector.shape_cast %select_n3A_1360 : vector<16xi32> to vector<16x1xi32>
    %gather3A_1362 = vector.shape_cast %broadcast_in_dim3A_1361 : vector<16x1xi32> to vector<16xi32>
    %gather3A_1363 = tpu.dynamic_gather %add3A_1350[%gather3A_1362] in [0] : vector<16xf32>, vector<16xi32> -> vector<16xf32>
    %add3A_1364 = arith.addf %add3A_1350, %gather3A_1363 : vector<16xf32>
    %xor3A_1365 = arith.constant 8 : i32
    %xor3A_1366 = vector.broadcast %xor3A_1365 : i32 to vector<16xi32>
    %xor3A_1367 = arith.xori %iota3A, %xor3A_1366 : vector<16xi32>
    %lt3A_1368 = arith.constant 0 : i32
    %lt3A_1369 = vector.broadcast %lt3A_1368 : i32 to vector<16xi32>
    %lt3A_1370 = arith.cmpi slt, %xor3A_1367, %lt3A_1369 : vector<16xi32>
    %add3A_1371 = arith.constant 16 : i32
    %add3A_1372 = vector.broadcast %add3A_1371 : i32 to vector<16xi32>
    %add3A_1373 = arith.addi %xor3A_1367, %add3A_1372 : vector<16xi32>
    %select_n3A_1374 = arith.select %lt3A_1370, %add3A_1373, %xor3A_1367 : vector<16xi1>, vector<16xi32>
    %broadcast_in_dim3A_1375 = vector.shape_cast %select_n3A_1374 : vector<16xi32> to vector<16x1xi32>
    %gather3A_1376 = vector.shape_cast %broadcast_in_dim3A_1375 : vector<16x1xi32> to vector<16xi32>
    %gather3A_1377 = tpu.dynamic_gather %add3A_1364[%gather3A_1376] in [0] : vector<16xf32>, vector<16xi32> -> vector<16xf32>
    %add3A_1378 = arith.addf %add3A_1364, %gather3A_1377 : vector<16xf32>
    %select_n3A_1379 = arith.select %eq3A_1322, %add3A_1378, %select_n3A_1262 : vector<16xi1>, vector<16xf32>
    %xor3A_1380 = arith.constant 1 : i32
    %xor3A_1381 = vector.broadcast %xor3A_1380 : i32 to vector<16xi32>
    %xor3A_1382 = arith.xori %iota3A, %xor3A_1381 : vector<16xi32>
    %lt3A_1383 = arith.constant 0 : i32
    %lt3A_1384 = vector.broadcast %lt3A_1383 : i32 to vector<16xi32>
    %lt3A_1385 = arith.cmpi slt, %xor3A_1382, %lt3A_1384 : vector<16xi32>
    %add3A_1386 = arith.constant 16 : i32
    %add3A_1387 = vector.broadcast %add3A_1386 : i32 to vector<16xi32>
    %add3A_1388 = arith.addi %xor3A_1382, %add3A_1387 : vector<16xi32>
    %select_n3A_1389 = arith.select %lt3A_1385, %add3A_1388, %xor3A_1382 : vector<16xi1>, vector<16xi32>
    %broadcast_in_dim3A_1390 = vector.shape_cast %select_n3A_1389 : vector<16xi32> to vector<16x1xi32>
    %gather3A_1391 = vector.shape_cast %broadcast_in_dim3A_1390 : vector<16x1xi32> to vector<16xi32>
    %gather3A_1392 = tpu.dynamic_gather %scan3A_36#23[%gather3A_1391] in [0] : vector<16xf32>, vector<16xi32> -> vector<16xf32>
    %add3A_1393 = arith.addf %scan3A_36#23, %gather3A_1392 : vector<16xf32>
    %xor3A_1394 = arith.constant 2 : i32
    %xor3A_1395 = vector.broadcast %xor3A_1394 : i32 to vector<16xi32>
    %xor3A_1396 = arith.xori %iota3A, %xor3A_1395 : vector<16xi32>
    %lt3A_1397 = arith.constant 0 : i32
    %lt3A_1398 = vector.broadcast %lt3A_1397 : i32 to vector<16xi32>
    %lt3A_1399 = arith.cmpi slt, %xor3A_1396, %lt3A_1398 : vector<16xi32>
    %add3A_1400 = arith.constant 16 : i32
    %add3A_1401 = vector.broadcast %add3A_1400 : i32 to vector<16xi32>
    %add3A_1402 = arith.addi %xor3A_1396, %add3A_1401 : vector<16xi32>
    %select_n3A_1403 = arith.select %lt3A_1399, %add3A_1402, %xor3A_1396 : vector<16xi1>, vector<16xi32>
    %broadcast_in_dim3A_1404 = vector.shape_cast %select_n3A_1403 : vector<16xi32> to vector<16x1xi32>
    %gather3A_1405 = vector.shape_cast %broadcast_in_dim3A_1404 : vector<16x1xi32> to vector<16xi32>
    %gather3A_1406 = tpu.dynamic_gather %add3A_1393[%gather3A_1405] in [0] : vector<16xf32>, vector<16xi32> -> vector<16xf32>
    %add3A_1407 = arith.addf %add3A_1393, %gather3A_1406 : vector<16xf32>
    %xor3A_1408 = arith.constant 4 : i32
    %xor3A_1409 = vector.broadcast %xor3A_1408 : i32 to vector<16xi32>
    %xor3A_1410 = arith.xori %iota3A, %xor3A_1409 : vector<16xi32>
    %lt3A_1411 = arith.constant 0 : i32
    %lt3A_1412 = vector.broadcast %lt3A_1411 : i32 to vector<16xi32>
    %lt3A_1413 = arith.cmpi slt, %xor3A_1410, %lt3A_1412 : vector<16xi32>
    %add3A_1414 = arith.constant 16 : i32
    %add3A_1415 = vector.broadcast %add3A_1414 : i32 to vector<16xi32>
    %add3A_1416 = arith.addi %xor3A_1410, %add3A_1415 : vector<16xi32>
    %select_n3A_1417 = arith.select %lt3A_1413, %add3A_1416, %xor3A_1410 : vector<16xi1>, vector<16xi32>
    %broadcast_in_dim3A_1418 = vector.shape_cast %select_n3A_1417 : vector<16xi32> to vector<16x1xi32>
    %gather3A_1419 = vector.shape_cast %broadcast_in_dim3A_1418 : vector<16x1xi32> to vector<16xi32>
    %gather3A_1420 = tpu.dynamic_gather %add3A_1407[%gather3A_1419] in [0] : vector<16xf32>, vector<16xi32> -> vector<16xf32>
    %add3A_1421 = arith.addf %add3A_1407, %gather3A_1420 : vector<16xf32>
    %xor3A_1422 = arith.constant 8 : i32
    %xor3A_1423 = vector.broadcast %xor3A_1422 : i32 to vector<16xi32>
    %xor3A_1424 = arith.xori %iota3A, %xor3A_1423 : vector<16xi32>
    %lt3A_1425 = arith.constant 0 : i32
    %lt3A_1426 = vector.broadcast %lt3A_1425 : i32 to vector<16xi32>
    %lt3A_1427 = arith.cmpi slt, %xor3A_1424, %lt3A_1426 : vector<16xi32>
    %add3A_1428 = arith.constant 16 : i32
    %add3A_1429 = vector.broadcast %add3A_1428 : i32 to vector<16xi32>
    %add3A_1430 = arith.addi %xor3A_1424, %add3A_1429 : vector<16xi32>
    %select_n3A_1431 = arith.select %lt3A_1427, %add3A_1430, %xor3A_1424 : vector<16xi1>, vector<16xi32>
    %broadcast_in_dim3A_1432 = vector.shape_cast %select_n3A_1431 : vector<16xi32> to vector<16x1xi32>
    %gather3A_1433 = vector.shape_cast %broadcast_in_dim3A_1432 : vector<16x1xi32> to vector<16xi32>
    %gather3A_1434 = tpu.dynamic_gather %add3A_1421[%gather3A_1433] in [0] : vector<16xf32>, vector<16xi32> -> vector<16xf32>
    %add3A_1435 = arith.addf %add3A_1421, %gather3A_1434 : vector<16xf32>
    %select_n3A_1436 = arith.select %eq3A_1322, %add3A_1435, %select_n3A_1319 : vector<16xi1>, vector<16xf32>
    %eq3A_1437 = arith.constant 12 : i32
    %eq3A_1438 = vector.broadcast %eq3A_1437 : i32 to vector<16xi32>
    %eq3A_1439 = arith.cmpi eq, %iota3A, %eq3A_1438 : vector<16xi32>
    %xor3A_1440 = arith.constant 1 : i32
    %xor3A_1441 = vector.broadcast %xor3A_1440 : i32 to vector<16xi32>
    %xor3A_1442 = arith.xori %iota3A, %xor3A_1441 : vector<16xi32>
    %lt3A_1443 = arith.constant 0 : i32
    %lt3A_1444 = vector.broadcast %lt3A_1443 : i32 to vector<16xi32>
    %lt3A_1445 = arith.cmpi slt, %xor3A_1442, %lt3A_1444 : vector<16xi32>
    %add3A_1446 = arith.constant 16 : i32
    %add3A_1447 = vector.broadcast %add3A_1446 : i32 to vector<16xi32>
    %add3A_1448 = arith.addi %xor3A_1442, %add3A_1447 : vector<16xi32>
    %select_n3A_1449 = arith.select %lt3A_1445, %add3A_1448, %xor3A_1442 : vector<16xi1>, vector<16xi32>
    %broadcast_in_dim3A_1450 = vector.shape_cast %select_n3A_1449 : vector<16xi32> to vector<16x1xi32>
    %gather3A_1451 = vector.shape_cast %broadcast_in_dim3A_1450 : vector<16x1xi32> to vector<16xi32>
    %gather3A_1452 = tpu.dynamic_gather %scan3A_36#24[%gather3A_1451] in [0] : vector<16xf32>, vector<16xi32> -> vector<16xf32>
    %add3A_1453 = arith.addf %scan3A_36#24, %gather3A_1452 : vector<16xf32>
    %xor3A_1454 = arith.constant 2 : i32
    %xor3A_1455 = vector.broadcast %xor3A_1454 : i32 to vector<16xi32>
    %xor3A_1456 = arith.xori %iota3A, %xor3A_1455 : vector<16xi32>
    %lt3A_1457 = arith.constant 0 : i32
    %lt3A_1458 = vector.broadcast %lt3A_1457 : i32 to vector<16xi32>
    %lt3A_1459 = arith.cmpi slt, %xor3A_1456, %lt3A_1458 : vector<16xi32>
    %add3A_1460 = arith.constant 16 : i32
    %add3A_1461 = vector.broadcast %add3A_1460 : i32 to vector<16xi32>
    %add3A_1462 = arith.addi %xor3A_1456, %add3A_1461 : vector<16xi32>
    %select_n3A_1463 = arith.select %lt3A_1459, %add3A_1462, %xor3A_1456 : vector<16xi1>, vector<16xi32>
    %broadcast_in_dim3A_1464 = vector.shape_cast %select_n3A_1463 : vector<16xi32> to vector<16x1xi32>
    %gather3A_1465 = vector.shape_cast %broadcast_in_dim3A_1464 : vector<16x1xi32> to vector<16xi32>
    %gather3A_1466 = tpu.dynamic_gather %add3A_1453[%gather3A_1465] in [0] : vector<16xf32>, vector<16xi32> -> vector<16xf32>
    %add3A_1467 = arith.addf %add3A_1453, %gather3A_1466 : vector<16xf32>
    %xor3A_1468 = arith.constant 4 : i32
    %xor3A_1469 = vector.broadcast %xor3A_1468 : i32 to vector<16xi32>
    %xor3A_1470 = arith.xori %iota3A, %xor3A_1469 : vector<16xi32>
    %lt3A_1471 = arith.constant 0 : i32
    %lt3A_1472 = vector.broadcast %lt3A_1471 : i32 to vector<16xi32>
    %lt3A_1473 = arith.cmpi slt, %xor3A_1470, %lt3A_1472 : vector<16xi32>
    %add3A_1474 = arith.constant 16 : i32
    %add3A_1475 = vector.broadcast %add3A_1474 : i32 to vector<16xi32>
    %add3A_1476 = arith.addi %xor3A_1470, %add3A_1475 : vector<16xi32>
    %select_n3A_1477 = arith.select %lt3A_1473, %add3A_1476, %xor3A_1470 : vector<16xi1>, vector<16xi32>
    %broadcast_in_dim3A_1478 = vector.shape_cast %select_n3A_1477 : vector<16xi32> to vector<16x1xi32>
    %gather3A_1479 = vector.shape_cast %broadcast_in_dim3A_1478 : vector<16x1xi32> to vector<16xi32>
    %gather3A_1480 = tpu.dynamic_gather %add3A_1467[%gather3A_1479] in [0] : vector<16xf32>, vector<16xi32> -> vector<16xf32>
    %add3A_1481 = arith.addf %add3A_1467, %gather3A_1480 : vector<16xf32>
    %xor3A_1482 = arith.constant 8 : i32
    %xor3A_1483 = vector.broadcast %xor3A_1482 : i32 to vector<16xi32>
    %xor3A_1484 = arith.xori %iota3A, %xor3A_1483 : vector<16xi32>
    %lt3A_1485 = arith.constant 0 : i32
    %lt3A_1486 = vector.broadcast %lt3A_1485 : i32 to vector<16xi32>
    %lt3A_1487 = arith.cmpi slt, %xor3A_1484, %lt3A_1486 : vector<16xi32>
    %add3A_1488 = arith.constant 16 : i32
    %add3A_1489 = vector.broadcast %add3A_1488 : i32 to vector<16xi32>
    %add3A_1490 = arith.addi %xor3A_1484, %add3A_1489 : vector<16xi32>
    %select_n3A_1491 = arith.select %lt3A_1487, %add3A_1490, %xor3A_1484 : vector<16xi1>, vector<16xi32>
    %broadcast_in_dim3A_1492 = vector.shape_cast %select_n3A_1491 : vector<16xi32> to vector<16x1xi32>
    %gather3A_1493 = vector.shape_cast %broadcast_in_dim3A_1492 : vector<16x1xi32> to vector<16xi32>
    %gather3A_1494 = tpu.dynamic_gather %add3A_1481[%gather3A_1493] in [0] : vector<16xf32>, vector<16xi32> -> vector<16xf32>
    %add3A_1495 = arith.addf %add3A_1481, %gather3A_1494 : vector<16xf32>
    %select_n3A_1496 = arith.select %eq3A_1439, %add3A_1495, %select_n3A_1379 : vector<16xi1>, vector<16xf32>
    %xor3A_1497 = arith.constant 1 : i32
    %xor3A_1498 = vector.broadcast %xor3A_1497 : i32 to vector<16xi32>
    %xor3A_1499 = arith.xori %iota3A, %xor3A_1498 : vector<16xi32>
    %lt3A_1500 = arith.constant 0 : i32
    %lt3A_1501 = vector.broadcast %lt3A_1500 : i32 to vector<16xi32>
    %lt3A_1502 = arith.cmpi slt, %xor3A_1499, %lt3A_1501 : vector<16xi32>
    %add3A_1503 = arith.constant 16 : i32
    %add3A_1504 = vector.broadcast %add3A_1503 : i32 to vector<16xi32>
    %add3A_1505 = arith.addi %xor3A_1499, %add3A_1504 : vector<16xi32>
    %select_n3A_1506 = arith.select %lt3A_1502, %add3A_1505, %xor3A_1499 : vector<16xi1>, vector<16xi32>
    %broadcast_in_dim3A_1507 = vector.shape_cast %select_n3A_1506 : vector<16xi32> to vector<16x1xi32>
    %gather3A_1508 = vector.shape_cast %broadcast_in_dim3A_1507 : vector<16x1xi32> to vector<16xi32>
    %gather3A_1509 = tpu.dynamic_gather %scan3A_36#25[%gather3A_1508] in [0] : vector<16xf32>, vector<16xi32> -> vector<16xf32>
    %add3A_1510 = arith.addf %scan3A_36#25, %gather3A_1509 : vector<16xf32>
    %xor3A_1511 = arith.constant 2 : i32
    %xor3A_1512 = vector.broadcast %xor3A_1511 : i32 to vector<16xi32>
    %xor3A_1513 = arith.xori %iota3A, %xor3A_1512 : vector<16xi32>
    %lt3A_1514 = arith.constant 0 : i32
    %lt3A_1515 = vector.broadcast %lt3A_1514 : i32 to vector<16xi32>
    %lt3A_1516 = arith.cmpi slt, %xor3A_1513, %lt3A_1515 : vector<16xi32>
    %add3A_1517 = arith.constant 16 : i32
    %add3A_1518 = vector.broadcast %add3A_1517 : i32 to vector<16xi32>
    %add3A_1519 = arith.addi %xor3A_1513, %add3A_1518 : vector<16xi32>
    %select_n3A_1520 = arith.select %lt3A_1516, %add3A_1519, %xor3A_1513 : vector<16xi1>, vector<16xi32>
    %broadcast_in_dim3A_1521 = vector.shape_cast %select_n3A_1520 : vector<16xi32> to vector<16x1xi32>
    %gather3A_1522 = vector.shape_cast %broadcast_in_dim3A_1521 : vector<16x1xi32> to vector<16xi32>
    %gather3A_1523 = tpu.dynamic_gather %add3A_1510[%gather3A_1522] in [0] : vector<16xf32>, vector<16xi32> -> vector<16xf32>
    %add3A_1524 = arith.addf %add3A_1510, %gather3A_1523 : vector<16xf32>
    %xor3A_1525 = arith.constant 4 : i32
    %xor3A_1526 = vector.broadcast %xor3A_1525 : i32 to vector<16xi32>
    %xor3A_1527 = arith.xori %iota3A, %xor3A_1526 : vector<16xi32>
    %lt3A_1528 = arith.constant 0 : i32
    %lt3A_1529 = vector.broadcast %lt3A_1528 : i32 to vector<16xi32>
    %lt3A_1530 = arith.cmpi slt, %xor3A_1527, %lt3A_1529 : vector<16xi32>
    %add3A_1531 = arith.constant 16 : i32
    %add3A_1532 = vector.broadcast %add3A_1531 : i32 to vector<16xi32>
    %add3A_1533 = arith.addi %xor3A_1527, %add3A_1532 : vector<16xi32>
    %select_n3A_1534 = arith.select %lt3A_1530, %add3A_1533, %xor3A_1527 : vector<16xi1>, vector<16xi32>
    %broadcast_in_dim3A_1535 = vector.shape_cast %select_n3A_1534 : vector<16xi32> to vector<16x1xi32>
    %gather3A_1536 = vector.shape_cast %broadcast_in_dim3A_1535 : vector<16x1xi32> to vector<16xi32>
    %gather3A_1537 = tpu.dynamic_gather %add3A_1524[%gather3A_1536] in [0] : vector<16xf32>, vector<16xi32> -> vector<16xf32>
    %add3A_1538 = arith.addf %add3A_1524, %gather3A_1537 : vector<16xf32>
    %xor3A_1539 = arith.constant 8 : i32
    %xor3A_1540 = vector.broadcast %xor3A_1539 : i32 to vector<16xi32>
    %xor3A_1541 = arith.xori %iota3A, %xor3A_1540 : vector<16xi32>
    %lt3A_1542 = arith.constant 0 : i32
    %lt3A_1543 = vector.broadcast %lt3A_1542 : i32 to vector<16xi32>
    %lt3A_1544 = arith.cmpi slt, %xor3A_1541, %lt3A_1543 : vector<16xi32>
    %add3A_1545 = arith.constant 16 : i32
    %add3A_1546 = vector.broadcast %add3A_1545 : i32 to vector<16xi32>
    %add3A_1547 = arith.addi %xor3A_1541, %add3A_1546 : vector<16xi32>
    %select_n3A_1548 = arith.select %lt3A_1544, %add3A_1547, %xor3A_1541 : vector<16xi1>, vector<16xi32>
    %broadcast_in_dim3A_1549 = vector.shape_cast %select_n3A_1548 : vector<16xi32> to vector<16x1xi32>
    %gather3A_1550 = vector.shape_cast %broadcast_in_dim3A_1549 : vector<16x1xi32> to vector<16xi32>
    %gather3A_1551 = tpu.dynamic_gather %add3A_1538[%gather3A_1550] in [0] : vector<16xf32>, vector<16xi32> -> vector<16xf32>
    %add3A_1552 = arith.addf %add3A_1538, %gather3A_1551 : vector<16xf32>
    %select_n3A_1553 = arith.select %eq3A_1439, %add3A_1552, %select_n3A_1436 : vector<16xi1>, vector<16xf32>
    %eq3A_1554 = arith.constant 13 : i32
    %eq3A_1555 = vector.broadcast %eq3A_1554 : i32 to vector<16xi32>
    %eq3A_1556 = arith.cmpi eq, %iota3A, %eq3A_1555 : vector<16xi32>
    %xor3A_1557 = arith.constant 1 : i32
    %xor3A_1558 = vector.broadcast %xor3A_1557 : i32 to vector<16xi32>
    %xor3A_1559 = arith.xori %iota3A, %xor3A_1558 : vector<16xi32>
    %lt3A_1560 = arith.constant 0 : i32
    %lt3A_1561 = vector.broadcast %lt3A_1560 : i32 to vector<16xi32>
    %lt3A_1562 = arith.cmpi slt, %xor3A_1559, %lt3A_1561 : vector<16xi32>
    %add3A_1563 = arith.constant 16 : i32
    %add3A_1564 = vector.broadcast %add3A_1563 : i32 to vector<16xi32>
    %add3A_1565 = arith.addi %xor3A_1559, %add3A_1564 : vector<16xi32>
    %select_n3A_1566 = arith.select %lt3A_1562, %add3A_1565, %xor3A_1559 : vector<16xi1>, vector<16xi32>
    %broadcast_in_dim3A_1567 = vector.shape_cast %select_n3A_1566 : vector<16xi32> to vector<16x1xi32>
    %gather3A_1568 = vector.shape_cast %broadcast_in_dim3A_1567 : vector<16x1xi32> to vector<16xi32>
    %gather3A_1569 = tpu.dynamic_gather %scan3A_36#26[%gather3A_1568] in [0] : vector<16xf32>, vector<16xi32> -> vector<16xf32>
    %add3A_1570 = arith.addf %scan3A_36#26, %gather3A_1569 : vector<16xf32>
    %xor3A_1571 = arith.constant 2 : i32
    %xor3A_1572 = vector.broadcast %xor3A_1571 : i32 to vector<16xi32>
    %xor3A_1573 = arith.xori %iota3A, %xor3A_1572 : vector<16xi32>
    %lt3A_1574 = arith.constant 0 : i32
    %lt3A_1575 = vector.broadcast %lt3A_1574 : i32 to vector<16xi32>
    %lt3A_1576 = arith.cmpi slt, %xor3A_1573, %lt3A_1575 : vector<16xi32>
    %add3A_1577 = arith.constant 16 : i32
    %add3A_1578 = vector.broadcast %add3A_1577 : i32 to vector<16xi32>
    %add3A_1579 = arith.addi %xor3A_1573, %add3A_1578 : vector<16xi32>
    %select_n3A_1580 = arith.select %lt3A_1576, %add3A_1579, %xor3A_1573 : vector<16xi1>, vector<16xi32>
    %broadcast_in_dim3A_1581 = vector.shape_cast %select_n3A_1580 : vector<16xi32> to vector<16x1xi32>
    %gather3A_1582 = vector.shape_cast %broadcast_in_dim3A_1581 : vector<16x1xi32> to vector<16xi32>
    %gather3A_1583 = tpu.dynamic_gather %add3A_1570[%gather3A_1582] in [0] : vector<16xf32>, vector<16xi32> -> vector<16xf32>
    %add3A_1584 = arith.addf %add3A_1570, %gather3A_1583 : vector<16xf32>
    %xor3A_1585 = arith.constant 4 : i32
    %xor3A_1586 = vector.broadcast %xor3A_1585 : i32 to vector<16xi32>
    %xor3A_1587 = arith.xori %iota3A, %xor3A_1586 : vector<16xi32>
    %lt3A_1588 = arith.constant 0 : i32
    %lt3A_1589 = vector.broadcast %lt3A_1588 : i32 to vector<16xi32>
    %lt3A_1590 = arith.cmpi slt, %xor3A_1587, %lt3A_1589 : vector<16xi32>
    %add3A_1591 = arith.constant 16 : i32
    %add3A_1592 = vector.broadcast %add3A_1591 : i32 to vector<16xi32>
    %add3A_1593 = arith.addi %xor3A_1587, %add3A_1592 : vector<16xi32>
    %select_n3A_1594 = arith.select %lt3A_1590, %add3A_1593, %xor3A_1587 : vector<16xi1>, vector<16xi32>
    %broadcast_in_dim3A_1595 = vector.shape_cast %select_n3A_1594 : vector<16xi32> to vector<16x1xi32>
    %gather3A_1596 = vector.shape_cast %broadcast_in_dim3A_1595 : vector<16x1xi32> to vector<16xi32>
    %gather3A_1597 = tpu.dynamic_gather %add3A_1584[%gather3A_1596] in [0] : vector<16xf32>, vector<16xi32> -> vector<16xf32>
    %add3A_1598 = arith.addf %add3A_1584, %gather3A_1597 : vector<16xf32>
    %xor3A_1599 = arith.constant 8 : i32
    %xor3A_1600 = vector.broadcast %xor3A_1599 : i32 to vector<16xi32>
    %xor3A_1601 = arith.xori %iota3A, %xor3A_1600 : vector<16xi32>
    %lt3A_1602 = arith.constant 0 : i32
    %lt3A_1603 = vector.broadcast %lt3A_1602 : i32 to vector<16xi32>
    %lt3A_1604 = arith.cmpi slt, %xor3A_1601, %lt3A_1603 : vector<16xi32>
    %add3A_1605 = arith.constant 16 : i32
    %add3A_1606 = vector.broadcast %add3A_1605 : i32 to vector<16xi32>
    %add3A_1607 = arith.addi %xor3A_1601, %add3A_1606 : vector<16xi32>
    %select_n3A_1608 = arith.select %lt3A_1604, %add3A_1607, %xor3A_1601 : vector<16xi1>, vector<16xi32>
    %broadcast_in_dim3A_1609 = vector.shape_cast %select_n3A_1608 : vector<16xi32> to vector<16x1xi32>
    %gather3A_1610 = vector.shape_cast %broadcast_in_dim3A_1609 : vector<16x1xi32> to vector<16xi32>
    %gather3A_1611 = tpu.dynamic_gather %add3A_1598[%gather3A_1610] in [0] : vector<16xf32>, vector<16xi32> -> vector<16xf32>
    %add3A_1612 = arith.addf %add3A_1598, %gather3A_1611 : vector<16xf32>
    %select_n3A_1613 = arith.select %eq3A_1556, %add3A_1612, %select_n3A_1496 : vector<16xi1>, vector<16xf32>
    %xor3A_1614 = arith.constant 1 : i32
    %xor3A_1615 = vector.broadcast %xor3A_1614 : i32 to vector<16xi32>
    %xor3A_1616 = arith.xori %iota3A, %xor3A_1615 : vector<16xi32>
    %lt3A_1617 = arith.constant 0 : i32
    %lt3A_1618 = vector.broadcast %lt3A_1617 : i32 to vector<16xi32>
    %lt3A_1619 = arith.cmpi slt, %xor3A_1616, %lt3A_1618 : vector<16xi32>
    %add3A_1620 = arith.constant 16 : i32
    %add3A_1621 = vector.broadcast %add3A_1620 : i32 to vector<16xi32>
    %add3A_1622 = arith.addi %xor3A_1616, %add3A_1621 : vector<16xi32>
    %select_n3A_1623 = arith.select %lt3A_1619, %add3A_1622, %xor3A_1616 : vector<16xi1>, vector<16xi32>
    %broadcast_in_dim3A_1624 = vector.shape_cast %select_n3A_1623 : vector<16xi32> to vector<16x1xi32>
    %gather3A_1625 = vector.shape_cast %broadcast_in_dim3A_1624 : vector<16x1xi32> to vector<16xi32>
    %gather3A_1626 = tpu.dynamic_gather %scan3A_36#27[%gather3A_1625] in [0] : vector<16xf32>, vector<16xi32> -> vector<16xf32>
    %add3A_1627 = arith.addf %scan3A_36#27, %gather3A_1626 : vector<16xf32>
    %xor3A_1628 = arith.constant 2 : i32
    %xor3A_1629 = vector.broadcast %xor3A_1628 : i32 to vector<16xi32>
    %xor3A_1630 = arith.xori %iota3A, %xor3A_1629 : vector<16xi32>
    %lt3A_1631 = arith.constant 0 : i32
    %lt3A_1632 = vector.broadcast %lt3A_1631 : i32 to vector<16xi32>
    %lt3A_1633 = arith.cmpi slt, %xor3A_1630, %lt3A_1632 : vector<16xi32>
    %add3A_1634 = arith.constant 16 : i32
    %add3A_1635 = vector.broadcast %add3A_1634 : i32 to vector<16xi32>
    %add3A_1636 = arith.addi %xor3A_1630, %add3A_1635 : vector<16xi32>
    %select_n3A_1637 = arith.select %lt3A_1633, %add3A_1636, %xor3A_1630 : vector<16xi1>, vector<16xi32>
    %broadcast_in_dim3A_1638 = vector.shape_cast %select_n3A_1637 : vector<16xi32> to vector<16x1xi32>
    %gather3A_1639 = vector.shape_cast %broadcast_in_dim3A_1638 : vector<16x1xi32> to vector<16xi32>
    %gather3A_1640 = tpu.dynamic_gather %add3A_1627[%gather3A_1639] in [0] : vector<16xf32>, vector<16xi32> -> vector<16xf32>
    %add3A_1641 = arith.addf %add3A_1627, %gather3A_1640 : vector<16xf32>
    %xor3A_1642 = arith.constant 4 : i32
    %xor3A_1643 = vector.broadcast %xor3A_1642 : i32 to vector<16xi32>
    %xor3A_1644 = arith.xori %iota3A, %xor3A_1643 : vector<16xi32>
    %lt3A_1645 = arith.constant 0 : i32
    %lt3A_1646 = vector.broadcast %lt3A_1645 : i32 to vector<16xi32>
    %lt3A_1647 = arith.cmpi slt, %xor3A_1644, %lt3A_1646 : vector<16xi32>
    %add3A_1648 = arith.constant 16 : i32
    %add3A_1649 = vector.broadcast %add3A_1648 : i32 to vector<16xi32>
    %add3A_1650 = arith.addi %xor3A_1644, %add3A_1649 : vector<16xi32>
    %select_n3A_1651 = arith.select %lt3A_1647, %add3A_1650, %xor3A_1644 : vector<16xi1>, vector<16xi32>
    %broadcast_in_dim3A_1652 = vector.shape_cast %select_n3A_1651 : vector<16xi32> to vector<16x1xi32>
    %gather3A_1653 = vector.shape_cast %broadcast_in_dim3A_1652 : vector<16x1xi32> to vector<16xi32>
    %gather3A_1654 = tpu.dynamic_gather %add3A_1641[%gather3A_1653] in [0] : vector<16xf32>, vector<16xi32> -> vector<16xf32>
    %add3A_1655 = arith.addf %add3A_1641, %gather3A_1654 : vector<16xf32>
    %xor3A_1656 = arith.constant 8 : i32
    %xor3A_1657 = vector.broadcast %xor3A_1656 : i32 to vector<16xi32>
    %xor3A_1658 = arith.xori %iota3A, %xor3A_1657 : vector<16xi32>
    %lt3A_1659 = arith.constant 0 : i32
    %lt3A_1660 = vector.broadcast %lt3A_1659 : i32 to vector<16xi32>
    %lt3A_1661 = arith.cmpi slt, %xor3A_1658, %lt3A_1660 : vector<16xi32>
    %add3A_1662 = arith.constant 16 : i32
    %add3A_1663 = vector.broadcast %add3A_1662 : i32 to vector<16xi32>
    %add3A_1664 = arith.addi %xor3A_1658, %add3A_1663 : vector<16xi32>
    %select_n3A_1665 = arith.select %lt3A_1661, %add3A_1664, %xor3A_1658 : vector<16xi1>, vector<16xi32>
    %broadcast_in_dim3A_1666 = vector.shape_cast %select_n3A_1665 : vector<16xi32> to vector<16x1xi32>
    %gather3A_1667 = vector.shape_cast %broadcast_in_dim3A_1666 : vector<16x1xi32> to vector<16xi32>
    %gather3A_1668 = tpu.dynamic_gather %add3A_1655[%gather3A_1667] in [0] : vector<16xf32>, vector<16xi32> -> vector<16xf32>
    %add3A_1669 = arith.addf %add3A_1655, %gather3A_1668 : vector<16xf32>
    %select_n3A_1670 = arith.select %eq3A_1556, %add3A_1669, %select_n3A_1553 : vector<16xi1>, vector<16xf32>
    %eq3A_1671 = arith.constant 14 : i32
    %eq3A_1672 = vector.broadcast %eq3A_1671 : i32 to vector<16xi32>
    %eq3A_1673 = arith.cmpi eq, %iota3A, %eq3A_1672 : vector<16xi32>
    %xor3A_1674 = arith.constant 1 : i32
    %xor3A_1675 = vector.broadcast %xor3A_1674 : i32 to vector<16xi32>
    %xor3A_1676 = arith.xori %iota3A, %xor3A_1675 : vector<16xi32>
    %lt3A_1677 = arith.constant 0 : i32
    %lt3A_1678 = vector.broadcast %lt3A_1677 : i32 to vector<16xi32>
    %lt3A_1679 = arith.cmpi slt, %xor3A_1676, %lt3A_1678 : vector<16xi32>
    %add3A_1680 = arith.constant 16 : i32
    %add3A_1681 = vector.broadcast %add3A_1680 : i32 to vector<16xi32>
    %add3A_1682 = arith.addi %xor3A_1676, %add3A_1681 : vector<16xi32>
    %select_n3A_1683 = arith.select %lt3A_1679, %add3A_1682, %xor3A_1676 : vector<16xi1>, vector<16xi32>
    %broadcast_in_dim3A_1684 = vector.shape_cast %select_n3A_1683 : vector<16xi32> to vector<16x1xi32>
    %gather3A_1685 = vector.shape_cast %broadcast_in_dim3A_1684 : vector<16x1xi32> to vector<16xi32>
    %gather3A_1686 = tpu.dynamic_gather %scan3A_36#28[%gather3A_1685] in [0] : vector<16xf32>, vector<16xi32> -> vector<16xf32>
    %add3A_1687 = arith.addf %scan3A_36#28, %gather3A_1686 : vector<16xf32>
    %xor3A_1688 = arith.constant 2 : i32
    %xor3A_1689 = vector.broadcast %xor3A_1688 : i32 to vector<16xi32>
    %xor3A_1690 = arith.xori %iota3A, %xor3A_1689 : vector<16xi32>
    %lt3A_1691 = arith.constant 0 : i32
    %lt3A_1692 = vector.broadcast %lt3A_1691 : i32 to vector<16xi32>
    %lt3A_1693 = arith.cmpi slt, %xor3A_1690, %lt3A_1692 : vector<16xi32>
    %add3A_1694 = arith.constant 16 : i32
    %add3A_1695 = vector.broadcast %add3A_1694 : i32 to vector<16xi32>
    %add3A_1696 = arith.addi %xor3A_1690, %add3A_1695 : vector<16xi32>
    %select_n3A_1697 = arith.select %lt3A_1693, %add3A_1696, %xor3A_1690 : vector<16xi1>, vector<16xi32>
    %broadcast_in_dim3A_1698 = vector.shape_cast %select_n3A_1697 : vector<16xi32> to vector<16x1xi32>
    %gather3A_1699 = vector.shape_cast %broadcast_in_dim3A_1698 : vector<16x1xi32> to vector<16xi32>
    %gather3A_1700 = tpu.dynamic_gather %add3A_1687[%gather3A_1699] in [0] : vector<16xf32>, vector<16xi32> -> vector<16xf32>
    %add3A_1701 = arith.addf %add3A_1687, %gather3A_1700 : vector<16xf32>
    %xor3A_1702 = arith.constant 4 : i32
    %xor3A_1703 = vector.broadcast %xor3A_1702 : i32 to vector<16xi32>
    %xor3A_1704 = arith.xori %iota3A, %xor3A_1703 : vector<16xi32>
    %lt3A_1705 = arith.constant 0 : i32
    %lt3A_1706 = vector.broadcast %lt3A_1705 : i32 to vector<16xi32>
    %lt3A_1707 = arith.cmpi slt, %xor3A_1704, %lt3A_1706 : vector<16xi32>
    %add3A_1708 = arith.constant 16 : i32
    %add3A_1709 = vector.broadcast %add3A_1708 : i32 to vector<16xi32>
    %add3A_1710 = arith.addi %xor3A_1704, %add3A_1709 : vector<16xi32>
    %select_n3A_1711 = arith.select %lt3A_1707, %add3A_1710, %xor3A_1704 : vector<16xi1>, vector<16xi32>
    %broadcast_in_dim3A_1712 = vector.shape_cast %select_n3A_1711 : vector<16xi32> to vector<16x1xi32>
    %gather3A_1713 = vector.shape_cast %broadcast_in_dim3A_1712 : vector<16x1xi32> to vector<16xi32>
    %gather3A_1714 = tpu.dynamic_gather %add3A_1701[%gather3A_1713] in [0] : vector<16xf32>, vector<16xi32> -> vector<16xf32>
    %add3A_1715 = arith.addf %add3A_1701, %gather3A_1714 : vector<16xf32>
    %xor3A_1716 = arith.constant 8 : i32
    %xor3A_1717 = vector.broadcast %xor3A_1716 : i32 to vector<16xi32>
    %xor3A_1718 = arith.xori %iota3A, %xor3A_1717 : vector<16xi32>
    %lt3A_1719 = arith.constant 0 : i32
    %lt3A_1720 = vector.broadcast %lt3A_1719 : i32 to vector<16xi32>
    %lt3A_1721 = arith.cmpi slt, %xor3A_1718, %lt3A_1720 : vector<16xi32>
    %add3A_1722 = arith.constant 16 : i32
    %add3A_1723 = vector.broadcast %add3A_1722 : i32 to vector<16xi32>
    %add3A_1724 = arith.addi %xor3A_1718, %add3A_1723 : vector<16xi32>
    %select_n3A_1725 = arith.select %lt3A_1721, %add3A_1724, %xor3A_1718 : vector<16xi1>, vector<16xi32>
    %broadcast_in_dim3A_1726 = vector.shape_cast %select_n3A_1725 : vector<16xi32> to vector<16x1xi32>
    %gather3A_1727 = vector.shape_cast %broadcast_in_dim3A_1726 : vector<16x1xi32> to vector<16xi32>
    %gather3A_1728 = tpu.dynamic_gather %add3A_1715[%gather3A_1727] in [0] : vector<16xf32>, vector<16xi32> -> vector<16xf32>
    %add3A_1729 = arith.addf %add3A_1715, %gather3A_1728 : vector<16xf32>
    %select_n3A_1730 = arith.select %eq3A_1673, %add3A_1729, %select_n3A_1613 : vector<16xi1>, vector<16xf32>
    %xor3A_1731 = arith.constant 1 : i32
    %xor3A_1732 = vector.broadcast %xor3A_1731 : i32 to vector<16xi32>
    %xor3A_1733 = arith.xori %iota3A, %xor3A_1732 : vector<16xi32>
    %lt3A_1734 = arith.constant 0 : i32
    %lt3A_1735 = vector.broadcast %lt3A_1734 : i32 to vector<16xi32>
    %lt3A_1736 = arith.cmpi slt, %xor3A_1733, %lt3A_1735 : vector<16xi32>
    %add3A_1737 = arith.constant 16 : i32
    %add3A_1738 = vector.broadcast %add3A_1737 : i32 to vector<16xi32>
    %add3A_1739 = arith.addi %xor3A_1733, %add3A_1738 : vector<16xi32>
    %select_n3A_1740 = arith.select %lt3A_1736, %add3A_1739, %xor3A_1733 : vector<16xi1>, vector<16xi32>
    %broadcast_in_dim3A_1741 = vector.shape_cast %select_n3A_1740 : vector<16xi32> to vector<16x1xi32>
    %gather3A_1742 = vector.shape_cast %broadcast_in_dim3A_1741 : vector<16x1xi32> to vector<16xi32>
    %gather3A_1743 = tpu.dynamic_gather %scan3A_36#29[%gather3A_1742] in [0] : vector<16xf32>, vector<16xi32> -> vector<16xf32>
    %add3A_1744 = arith.addf %scan3A_36#29, %gather3A_1743 : vector<16xf32>
    %xor3A_1745 = arith.constant 2 : i32
    %xor3A_1746 = vector.broadcast %xor3A_1745 : i32 to vector<16xi32>
    %xor3A_1747 = arith.xori %iota3A, %xor3A_1746 : vector<16xi32>
    %lt3A_1748 = arith.constant 0 : i32
    %lt3A_1749 = vector.broadcast %lt3A_1748 : i32 to vector<16xi32>
    %lt3A_1750 = arith.cmpi slt, %xor3A_1747, %lt3A_1749 : vector<16xi32>
    %add3A_1751 = arith.constant 16 : i32
    %add3A_1752 = vector.broadcast %add3A_1751 : i32 to vector<16xi32>
    %add3A_1753 = arith.addi %xor3A_1747, %add3A_1752 : vector<16xi32>
    %select_n3A_1754 = arith.select %lt3A_1750, %add3A_1753, %xor3A_1747 : vector<16xi1>, vector<16xi32>
    %broadcast_in_dim3A_1755 = vector.shape_cast %select_n3A_1754 : vector<16xi32> to vector<16x1xi32>
    %gather3A_1756 = vector.shape_cast %broadcast_in_dim3A_1755 : vector<16x1xi32> to vector<16xi32>
    %gather3A_1757 = tpu.dynamic_gather %add3A_1744[%gather3A_1756] in [0] : vector<16xf32>, vector<16xi32> -> vector<16xf32>
    %add3A_1758 = arith.addf %add3A_1744, %gather3A_1757 : vector<16xf32>
    %xor3A_1759 = arith.constant 4 : i32
    %xor3A_1760 = vector.broadcast %xor3A_1759 : i32 to vector<16xi32>
    %xor3A_1761 = arith.xori %iota3A, %xor3A_1760 : vector<16xi32>
    %lt3A_1762 = arith.constant 0 : i32
    %lt3A_1763 = vector.broadcast %lt3A_1762 : i32 to vector<16xi32>
    %lt3A_1764 = arith.cmpi slt, %xor3A_1761, %lt3A_1763 : vector<16xi32>
    %add3A_1765 = arith.constant 16 : i32
    %add3A_1766 = vector.broadcast %add3A_1765 : i32 to vector<16xi32>
    %add3A_1767 = arith.addi %xor3A_1761, %add3A_1766 : vector<16xi32>
    %select_n3A_1768 = arith.select %lt3A_1764, %add3A_1767, %xor3A_1761 : vector<16xi1>, vector<16xi32>
    %broadcast_in_dim3A_1769 = vector.shape_cast %select_n3A_1768 : vector<16xi32> to vector<16x1xi32>
    %gather3A_1770 = vector.shape_cast %broadcast_in_dim3A_1769 : vector<16x1xi32> to vector<16xi32>
    %gather3A_1771 = tpu.dynamic_gather %add3A_1758[%gather3A_1770] in [0] : vector<16xf32>, vector<16xi32> -> vector<16xf32>
    %add3A_1772 = arith.addf %add3A_1758, %gather3A_1771 : vector<16xf32>
    %xor3A_1773 = arith.constant 8 : i32
    %xor3A_1774 = vector.broadcast %xor3A_1773 : i32 to vector<16xi32>
    %xor3A_1775 = arith.xori %iota3A, %xor3A_1774 : vector<16xi32>
    %lt3A_1776 = arith.constant 0 : i32
    %lt3A_1777 = vector.broadcast %lt3A_1776 : i32 to vector<16xi32>
    %lt3A_1778 = arith.cmpi slt, %xor3A_1775, %lt3A_1777 : vector<16xi32>
    %add3A_1779 = arith.constant 16 : i32
    %add3A_1780 = vector.broadcast %add3A_1779 : i32 to vector<16xi32>
    %add3A_1781 = arith.addi %xor3A_1775, %add3A_1780 : vector<16xi32>
    %select_n3A_1782 = arith.select %lt3A_1778, %add3A_1781, %xor3A_1775 : vector<16xi1>, vector<16xi32>
    %broadcast_in_dim3A_1783 = vector.shape_cast %select_n3A_1782 : vector<16xi32> to vector<16x1xi32>
    %gather3A_1784 = vector.shape_cast %broadcast_in_dim3A_1783 : vector<16x1xi32> to vector<16xi32>
    %gather3A_1785 = tpu.dynamic_gather %add3A_1772[%gather3A_1784] in [0] : vector<16xf32>, vector<16xi32> -> vector<16xf32>
    %add3A_1786 = arith.addf %add3A_1772, %gather3A_1785 : vector<16xf32>
    %select_n3A_1787 = arith.select %eq3A_1673, %add3A_1786, %select_n3A_1670 : vector<16xi1>, vector<16xf32>
    %eq3A_1788 = arith.constant 15 : i32
    %eq3A_1789 = vector.broadcast %eq3A_1788 : i32 to vector<16xi32>
    %eq3A_1790 = arith.cmpi eq, %iota3A, %eq3A_1789 : vector<16xi32>
    %xor3A_1791 = arith.constant 1 : i32
    %xor3A_1792 = vector.broadcast %xor3A_1791 : i32 to vector<16xi32>
    %xor3A_1793 = arith.xori %iota3A, %xor3A_1792 : vector<16xi32>
    %lt3A_1794 = arith.constant 0 : i32
    %lt3A_1795 = vector.broadcast %lt3A_1794 : i32 to vector<16xi32>
    %lt3A_1796 = arith.cmpi slt, %xor3A_1793, %lt3A_1795 : vector<16xi32>
    %add3A_1797 = arith.constant 16 : i32
    %add3A_1798 = vector.broadcast %add3A_1797 : i32 to vector<16xi32>
    %add3A_1799 = arith.addi %xor3A_1793, %add3A_1798 : vector<16xi32>
    %select_n3A_1800 = arith.select %lt3A_1796, %add3A_1799, %xor3A_1793 : vector<16xi1>, vector<16xi32>
    %broadcast_in_dim3A_1801 = vector.shape_cast %select_n3A_1800 : vector<16xi32> to vector<16x1xi32>
    %gather3A_1802 = vector.shape_cast %broadcast_in_dim3A_1801 : vector<16x1xi32> to vector<16xi32>
    %gather3A_1803 = tpu.dynamic_gather %scan3A_36#30[%gather3A_1802] in [0] : vector<16xf32>, vector<16xi32> -> vector<16xf32>
    %add3A_1804 = arith.addf %scan3A_36#30, %gather3A_1803 : vector<16xf32>
    %xor3A_1805 = arith.constant 2 : i32
    %xor3A_1806 = vector.broadcast %xor3A_1805 : i32 to vector<16xi32>
    %xor3A_1807 = arith.xori %iota3A, %xor3A_1806 : vector<16xi32>
    %lt3A_1808 = arith.constant 0 : i32
    %lt3A_1809 = vector.broadcast %lt3A_1808 : i32 to vector<16xi32>
    %lt3A_1810 = arith.cmpi slt, %xor3A_1807, %lt3A_1809 : vector<16xi32>
    %add3A_1811 = arith.constant 16 : i32
    %add3A_1812 = vector.broadcast %add3A_1811 : i32 to vector<16xi32>
    %add3A_1813 = arith.addi %xor3A_1807, %add3A_1812 : vector<16xi32>
    %select_n3A_1814 = arith.select %lt3A_1810, %add3A_1813, %xor3A_1807 : vector<16xi1>, vector<16xi32>
    %broadcast_in_dim3A_1815 = vector.shape_cast %select_n3A_1814 : vector<16xi32> to vector<16x1xi32>
    %gather3A_1816 = vector.shape_cast %broadcast_in_dim3A_1815 : vector<16x1xi32> to vector<16xi32>
    %gather3A_1817 = tpu.dynamic_gather %add3A_1804[%gather3A_1816] in [0] : vector<16xf32>, vector<16xi32> -> vector<16xf32>
    %add3A_1818 = arith.addf %add3A_1804, %gather3A_1817 : vector<16xf32>
    %xor3A_1819 = arith.constant 4 : i32
    %xor3A_1820 = vector.broadcast %xor3A_1819 : i32 to vector<16xi32>
    %xor3A_1821 = arith.xori %iota3A, %xor3A_1820 : vector<16xi32>
    %lt3A_1822 = arith.constant 0 : i32
    %lt3A_1823 = vector.broadcast %lt3A_1822 : i32 to vector<16xi32>
    %lt3A_1824 = arith.cmpi slt, %xor3A_1821, %lt3A_1823 : vector<16xi32>
    %add3A_1825 = arith.constant 16 : i32
    %add3A_1826 = vector.broadcast %add3A_1825 : i32 to vector<16xi32>
    %add3A_1827 = arith.addi %xor3A_1821, %add3A_1826 : vector<16xi32>
    %select_n3A_1828 = arith.select %lt3A_1824, %add3A_1827, %xor3A_1821 : vector<16xi1>, vector<16xi32>
    %broadcast_in_dim3A_1829 = vector.shape_cast %select_n3A_1828 : vector<16xi32> to vector<16x1xi32>
    %gather3A_1830 = vector.shape_cast %broadcast_in_dim3A_1829 : vector<16x1xi32> to vector<16xi32>
    %gather3A_1831 = tpu.dynamic_gather %add3A_1818[%gather3A_1830] in [0] : vector<16xf32>, vector<16xi32> -> vector<16xf32>
    %add3A_1832 = arith.addf %add3A_1818, %gather3A_1831 : vector<16xf32>
    %xor3A_1833 = arith.constant 8 : i32
    %xor3A_1834 = vector.broadcast %xor3A_1833 : i32 to vector<16xi32>
    %xor3A_1835 = arith.xori %iota3A, %xor3A_1834 : vector<16xi32>
    %lt3A_1836 = arith.constant 0 : i32
    %lt3A_1837 = vector.broadcast %lt3A_1836 : i32 to vector<16xi32>
    %lt3A_1838 = arith.cmpi slt, %xor3A_1835, %lt3A_1837 : vector<16xi32>
    %add3A_1839 = arith.constant 16 : i32
    %add3A_1840 = vector.broadcast %add3A_1839 : i32 to vector<16xi32>
    %add3A_1841 = arith.addi %xor3A_1835, %add3A_1840 : vector<16xi32>
    %select_n3A_1842 = arith.select %lt3A_1838, %add3A_1841, %xor3A_1835 : vector<16xi1>, vector<16xi32>
    %broadcast_in_dim3A_1843 = vector.shape_cast %select_n3A_1842 : vector<16xi32> to vector<16x1xi32>
    %gather3A_1844 = vector.shape_cast %broadcast_in_dim3A_1843 : vector<16x1xi32> to vector<16xi32>
    %gather3A_1845 = tpu.dynamic_gather %add3A_1832[%gather3A_1844] in [0] : vector<16xf32>, vector<16xi32> -> vector<16xf32>
    %add3A_1846 = arith.addf %add3A_1832, %gather3A_1845 : vector<16xf32>
    %select_n3A_1847 = arith.select %eq3A_1790, %add3A_1846, %select_n3A_1730 : vector<16xi1>, vector<16xf32>
    %xor3A_1848 = arith.constant 1 : i32
    %xor3A_1849 = vector.broadcast %xor3A_1848 : i32 to vector<16xi32>
    %xor3A_1850 = arith.xori %iota3A, %xor3A_1849 : vector<16xi32>
    %lt3A_1851 = arith.constant 0 : i32
    %lt3A_1852 = vector.broadcast %lt3A_1851 : i32 to vector<16xi32>
    %lt3A_1853 = arith.cmpi slt, %xor3A_1850, %lt3A_1852 : vector<16xi32>
    %add3A_1854 = arith.constant 16 : i32
    %add3A_1855 = vector.broadcast %add3A_1854 : i32 to vector<16xi32>
    %add3A_1856 = arith.addi %xor3A_1850, %add3A_1855 : vector<16xi32>
    %select_n3A_1857 = arith.select %lt3A_1853, %add3A_1856, %xor3A_1850 : vector<16xi1>, vector<16xi32>
    %broadcast_in_dim3A_1858 = vector.shape_cast %select_n3A_1857 : vector<16xi32> to vector<16x1xi32>
    %gather3A_1859 = vector.shape_cast %broadcast_in_dim3A_1858 : vector<16x1xi32> to vector<16xi32>
    %gather3A_1860 = tpu.dynamic_gather %scan3A_36#31[%gather3A_1859] in [0] : vector<16xf32>, vector<16xi32> -> vector<16xf32>
    %add3A_1861 = arith.addf %scan3A_36#31, %gather3A_1860 : vector<16xf32>
    %xor3A_1862 = arith.constant 2 : i32
    %xor3A_1863 = vector.broadcast %xor3A_1862 : i32 to vector<16xi32>
    %xor3A_1864 = arith.xori %iota3A, %xor3A_1863 : vector<16xi32>
    %lt3A_1865 = arith.constant 0 : i32
    %lt3A_1866 = vector.broadcast %lt3A_1865 : i32 to vector<16xi32>
    %lt3A_1867 = arith.cmpi slt, %xor3A_1864, %lt3A_1866 : vector<16xi32>
    %add3A_1868 = arith.constant 16 : i32
    %add3A_1869 = vector.broadcast %add3A_1868 : i32 to vector<16xi32>
    %add3A_1870 = arith.addi %xor3A_1864, %add3A_1869 : vector<16xi32>
    %select_n3A_1871 = arith.select %lt3A_1867, %add3A_1870, %xor3A_1864 : vector<16xi1>, vector<16xi32>
    %broadcast_in_dim3A_1872 = vector.shape_cast %select_n3A_1871 : vector<16xi32> to vector<16x1xi32>
    %gather3A_1873 = vector.shape_cast %broadcast_in_dim3A_1872 : vector<16x1xi32> to vector<16xi32>
    %gather3A_1874 = tpu.dynamic_gather %add3A_1861[%gather3A_1873] in [0] : vector<16xf32>, vector<16xi32> -> vector<16xf32>
    %add3A_1875 = arith.addf %add3A_1861, %gather3A_1874 : vector<16xf32>
    %xor3A_1876 = arith.constant 4 : i32
    %xor3A_1877 = vector.broadcast %xor3A_1876 : i32 to vector<16xi32>
    %xor3A_1878 = arith.xori %iota3A, %xor3A_1877 : vector<16xi32>
    %lt3A_1879 = arith.constant 0 : i32
    %lt3A_1880 = vector.broadcast %lt3A_1879 : i32 to vector<16xi32>
    %lt3A_1881 = arith.cmpi slt, %xor3A_1878, %lt3A_1880 : vector<16xi32>
    %add3A_1882 = arith.constant 16 : i32
    %add3A_1883 = vector.broadcast %add3A_1882 : i32 to vector<16xi32>
    %add3A_1884 = arith.addi %xor3A_1878, %add3A_1883 : vector<16xi32>
    %select_n3A_1885 = arith.select %lt3A_1881, %add3A_1884, %xor3A_1878 : vector<16xi1>, vector<16xi32>
    %broadcast_in_dim3A_1886 = vector.shape_cast %select_n3A_1885 : vector<16xi32> to vector<16x1xi32>
    %gather3A_1887 = vector.shape_cast %broadcast_in_dim3A_1886 : vector<16x1xi32> to vector<16xi32>
    %gather3A_1888 = tpu.dynamic_gather %add3A_1875[%gather3A_1887] in [0] : vector<16xf32>, vector<16xi32> -> vector<16xf32>
    %add3A_1889 = arith.addf %add3A_1875, %gather3A_1888 : vector<16xf32>
    %xor3A_1890 = arith.constant 8 : i32
    %xor3A_1891 = vector.broadcast %xor3A_1890 : i32 to vector<16xi32>
    %xor3A_1892 = arith.xori %iota3A, %xor3A_1891 : vector<16xi32>
    %lt3A_1893 = arith.constant 0 : i32
    %lt3A_1894 = vector.broadcast %lt3A_1893 : i32 to vector<16xi32>
    %lt3A_1895 = arith.cmpi slt, %xor3A_1892, %lt3A_1894 : vector<16xi32>
    %add3A_1896 = arith.constant 16 : i32
    %add3A_1897 = vector.broadcast %add3A_1896 : i32 to vector<16xi32>
    %add3A_1898 = arith.addi %xor3A_1892, %add3A_1897 : vector<16xi32>
    %select_n3A_1899 = arith.select %lt3A_1895, %add3A_1898, %xor3A_1892 : vector<16xi1>, vector<16xi32>
    %broadcast_in_dim3A_1900 = vector.shape_cast %select_n3A_1899 : vector<16xi32> to vector<16x1xi32>
    %gather3A_1901 = vector.shape_cast %broadcast_in_dim3A_1900 : vector<16x1xi32> to vector<16xi32>
    %gather3A_1902 = tpu.dynamic_gather %add3A_1889[%gather3A_1901] in [0] : vector<16xf32>, vector<16xi32> -> vector<16xf32>
    %add3A_1903 = arith.addf %add3A_1889, %gather3A_1902 : vector<16xf32>
    %select_n3A_1904 = arith.select %eq3A_1790, %add3A_1903, %select_n3A_1787 : vector<16xi1>, vector<16xf32>
    %swap3A = arith.constant 0 : index
    %swap3A_1905 = tpu.vector_load %arg11[%swap3A] {strides = array<i32>} : memref<32xf32, #tpu.memory_space<vmem>>, vector<16xf32>,
    %swap3A_1906 = vector.shape_cast %swap3A_1905 : vector<16xf32> to vector<16xf32>
    %swap3A_1907 = vector.shape_cast %select_n3A_1847 : vector<16xf32> to vector<16xf32>
    tpu.vector_store %arg11[%swap3A], %swap3A_1907 {strides = array<i32>} : memref<32xf32, #tpu.memory_space<vmem>>, vector<16xf32>,
    %swap3A_1908 = arith.constant 16 : index
    %swap3A_1909 = tpu.vector_load %arg11[%swap3A_1908] {strides = array<i32>} : memref<32xf32, #tpu.memory_space<vmem>>, vector<16xf32>,
    %swap3A_1910 = vector.shape_cast %swap3A_1909 : vector<16xf32> to vector<16xf32>
    %swap3A_1911 = vector.shape_cast %select_n3A_1904 : vector<16xf32> to vector<16xf32>
    tpu.vector_store %arg11[%swap3A_1908], %swap3A_1911 {strides = array<i32>} : memref<32xf32, #tpu.memory_space<vmem>>, vector<16xf32>,
    %mul3A_1912 = arith.constant 2 : i32
    %mul3A_1913 = arith.muli %arg1, %mul3A_1912 : i32
    %mul3A_1914 = arith.constant 16 : i32
    %mul3A_1915 = arith.muli %mul3A_1913, %mul3A_1914 : i32
    "tpu.region"() ({
      %run_scoped3A = tpu.sem_alloc : memref<!tpu.dma_semaphore, #tpu.memory_space<semaphore_mem>>
      %dma_start3A_1950 = tpu.memref_slice %arg14[%mul3A_1915] : memref<512xf32, #tpu.memory_space<vmem_shared>> -> memref<32xf32, #tpu.memory_space<vmem_shared>>
      %dma_start3A_1951 = tpu.memref_slice %arg14[%mul3A_1915] : memref<512xf32, #tpu.memory_space<vmem_shared>> -> memref<32xf32, #tpu.memory_space<vmem_shared>>
      tpu.enqueue_dma source(%arg11 : memref<32xf32, #tpu.memory_space<vmem>>) target(%dma_start3A_1951 : memref<32xf32, #tpu.memory_space<vmem_shared>>) target_semaphore(%run_scoped3A : memref<!tpu.dma_semaphore, #tpu.memory_space<semaphore_mem>>)
      %dma_wait3A_1952 = tpu.memref_slice %arg14[%mul3A_1915] : memref<512xf32, #tpu.memory_space<vmem_shared>> -> memref<32xf32, #tpu.memory_space<vmem_shared>>
      %dma_wait3A_1953 = tpu.memref_slice %arg14[%mul3A_1915] : memref<512xf32, #tpu.memory_space<vmem_shared>> -> memref<32xf32, #tpu.memory_space<vmem_shared>>
      tpu.wait_dma2 semaphore(%run_scoped3A : memref<!tpu.dma_semaphore, #tpu.memory_space<semaphore_mem>>) src(%arg11 : memref<32xf32, #tpu.memory_space<vmem>>) dst(%dma_wait3A_1953 : memref<32xf32, #tpu.memory_space<vmem_shared>>)
      tpu.yield
    }) : () -> ()
    %barrier3A = arith.constant 0 : index
    tpu.barrier barrier_id(%barrier3A)
    "tpu.region"() ({
      %run_scoped3A = tpu.sem_alloc : memref<!tpu.dma_semaphore, #tpu.memory_space<semaphore_mem>>
      tpu.enqueue_dma source(%arg14 : memref<512xf32, #tpu.memory_space<vmem_shared>>) target(%arg12 : memref<512xf32, #tpu.memory_space<vmem>>) target_semaphore(%run_scoped3A : memref<!tpu.dma_semaphore, #tpu.memory_space<semaphore_mem>>)
      tpu.wait_dma2 semaphore(%run_scoped3A : memref<!tpu.dma_semaphore, #tpu.memory_space<semaphore_mem>>) src(%arg14 : memref<512xf32, #tpu.memory_space<vmem_shared>>) dst(%arg12 : memref<512xf32, #tpu.memory_space<vmem>>)
      tpu.yield
    }) : () -> ()
    %get3A = arith.constant 0 : index
    %get3A_1916 = tpu.vector_load %arg9[%get3A] {strides = array<i32>} : memref<16xf32, #tpu.memory_space<vmem>>, vector<16xf32>,
    %get3A_1917 = vector.shape_cast %get3A_1916 : vector<16xf32> to vector<16xf32>
    %and3A = arith.constant 1 : i32
    %and3A_1918 = vector.broadcast %and3A : i32 to vector<16xi32>
    %and3A_1919 = arith.andi %iota3A, %and3A_1918 : vector<16xi32>
    %lt3A_1920 = arith.constant 0 : i32
    %lt3A_1921 = vector.broadcast %lt3A_1920 : i32 to vector<16xi32>
    %lt3A_1922 = arith.cmpi slt, %and3A_1919, %lt3A_1921 : vector<16xi32>
    %add3A_1923 = arith.constant 16 : i32
    %add3A_1924 = vector.broadcast %add3A_1923 : i32 to vector<16xi32>
    %add3A_1925 = arith.addi %and3A_1919, %add3A_1924 : vector<16xi32>
    %select_n3A_1926 = arith.select %lt3A_1922, %add3A_1925, %and3A_1919 : vector<16xi1>, vector<16xi32>
    %broadcast_in_dim3A_1927 = vector.shape_cast %select_n3A_1926 : vector<16xi32> to vector<16x1xi32>
    %gather3A_1928 = vector.shape_cast %broadcast_in_dim3A_1927 : vector<16x1xi32> to vector<16xi32>
    %gather3A_1929 = tpu.dynamic_gather %get3A_1917[%gather3A_1928] in [0] : vector<16xf32>, vector<16xi32> -> vector<16xf32>
    %dma_wait3A_1930 = arith.constant 0 : i32
    %dma_wait3A_1931 = arith.constant 0 : i32
    %dma_wait3A_1932 = tpu.memref_slice %arg3[%dma_wait3A_1930, %mul3A_14, %dma_wait3A_1931] : memref<1x1024x256xf32, #tpu.memory_space<hbm>> -> memref<1x32x256xf32, #tpu.memory_space<hbm>>
    %dma_wait3A_1933 = tpu.memref_squeeze %dma_wait3A_1932 : memref<1x32x256xf32, #tpu.memory_space<hbm>> -> memref<32x256xf32, #tpu.memory_space<hbm>>
    %dma_wait3A_1934 = arith.constant 0 : i32
    %dma_wait3A_1935 = tpu.memref_slice %arg3[%dma_wait3A_1930, %mul3A_14, %dma_wait3A_1934] : memref<1x1024x256xf32, #tpu.memory_space<hbm>> -> memref<1x32x256xf32, #tpu.memory_space<hbm>>
    %dma_wait3A_1936 = tpu.memref_squeeze %dma_wait3A_1935 : memref<1x32x256xf32, #tpu.memory_space<hbm>> -> memref<32x256xf32, #tpu.memory_space<hbm>>
    tpu.wait_dma2 semaphore(%arg15 : memref<!tpu.dma_semaphore, #tpu.memory_space<semaphore_mem>>) src(%dma_wait3A_1936 : memref<32x256xf32, #tpu.memory_space<hbm>>) dst(%arg10 : memref<32x256xf32, #tpu.memory_space<vmem>>)
    %broadcast_in_dim3A_1937 = arith.constant 0.000000e+00 : f32
    %broadcast_in_dim3A_1938 = vector.broadcast %broadcast_in_dim3A_1937 : f32 to vector<16xf32>
    %scan3A_1939 = arith.constant 0 : i32
    %scan3A_1940 = arith.constant 0 : i32
    %scan3A_1941 = arith.constant 4 : i32
    %scan3A_1942 = arith.addi %scan3A_1940, %scan3A_1941 : i32
    %scan3A_1943 = arith.constant 1 : i32
    %scan3A_1944 = scf.for %scan3A_1950 = %scan3A_1940 to %scan3A_1942 step %scan3A_1943 iter_args(%scan3A_1951 = %scan3A_1939) -> (i32)  : i32 {
      %scan3A_1952 = arith.constant 0 : i32
      %scan3A_1953 = arith.constant 16 : i32
      %scan3A_1954 = arith.addi %scan3A_1952, %scan3A_1953 : i32
      %scan3A_1955 = arith.constant 1 : i32
      %scan3A_1956:16 = scf.for %scan3A_2926 = %scan3A_1952 to %scan3A_1954 step %scan3A_1955 iter_args(%scan3A_2927 = %broadcast_in_dim3A_1938, %scan3A_2928 = %broadcast_in_dim3A_1938, %scan3A_2929 = %broadcast_in_dim3A_1938, %scan3A_2930 = %broadcast_in_dim3A_1938, %scan3A_2931 = %broadcast_in_dim3A_1938, %scan3A_2932 = %broadcast_in_dim3A_1938, %scan3A_2933 = %broadcast_in_dim3A_1938, %scan3A_2934 = %broadcast_in_dim3A_1938, %scan3A_2935 = %broadcast_in_dim3A_1938, %scan3A_2936 = %broadcast_in_dim3A_1938, %scan3A_2937 = %broadcast_in_dim3A_1938, %scan3A_2938 = %broadcast_in_dim3A_1938, %scan3A_2939 = %broadcast_in_dim3A_1938, %scan3A_2940 = %broadcast_in_dim3A_1938, %scan3A_2941 = %broadcast_in_dim3A_1938, %scan3A_2942 = %broadcast_in_dim3A_1938) -> (vector<16xf32>, vector<16xf32>, vector<16xf32>, vector<16xf32>, vector<16xf32>, vector<16xf32>, vector<16xf32>, vector<16xf32>, vector<16xf32>, vector<16xf32>, vector<16xf32>, vector<16xf32>, vector<16xf32>, vector<16xf32>, vector<16xf32>, vector<16xf32>)  : i32 {
        %mul3A_2943 = arith.constant 2 : i32
        %mul3A_2944 = arith.muli %scan3A_2926, %mul3A_2943 : i32
        %mul3A_2945 = arith.constant 16 : i32
        %mul3A_2946 = arith.muli %mul3A_2944, %mul3A_2945 : i32
        %get3A_2947 = arith.index_cast %mul3A_2946 : i32 to index
        %get3A_2948 = tpu.vector_load %arg12[%get3A_2947] {strides = array<i32>} : memref<512xf32, #tpu.memory_space<vmem>>, vector<16xf32>,
        %get3A_2949 = vector.shape_cast %get3A_2948 : vector<16xf32> to vector<16xf32>
        %mul3A_2950 = arith.constant 2 : i32
        %mul3A_2951 = arith.muli %scan3A_2926, %mul3A_2950 : i32
        %mul3A_2952 = arith.constant 16 : i32
        %mul3A_2953 = arith.muli %mul3A_2951, %mul3A_2952 : i32
        %add3A_2954 = arith.constant 16 : i32
        %add3A_2955 = arith.addi %mul3A_2953, %add3A_2954 : i32
        %get3A_2956 = arith.index_cast %add3A_2955 : i32 to index
        %get3A_2957 = tpu.vector_load %arg12[%get3A_2956] {strides = array<i32>} : memref<512xf32, #tpu.memory_space<vmem>>, vector<16xf32>,
        %get3A_2958 = vector.shape_cast %get3A_2957 : vector<16xf32> to vector<16xf32>
        %mul3A_2959 = arith.constant 8 : i32
        %mul3A_2960 = arith.muli %scan3A_1950, %mul3A_2959 : i32
        %add3A_2961 = arith.constant 0 : i32
        %add3A_2962 = arith.addi %mul3A_2960, %add3A_2961 : i32
        %mul3A_2963 = arith.constant 16 : i32
        %mul3A_2964 = arith.muli %scan3A_2926, %mul3A_2963 : i32
        %get3A_2965 = arith.index_cast %add3A_2962 : i32 to index
        %get3A_2966 = arith.index_cast %mul3A_2964 : i32 to index
        %get3A_2967 = tpu.vector_load %arg10[%get3A_2965, %get3A_2966] {strides = array<i32>} : memref<32x256xf32, #tpu.memory_space<vmem>>, vector<1x16xf32>,
        %get3A_2968 = vector.shape_cast %get3A_2967 : vector<1x16xf32> to vector<16xf32>
        %mul3A_2969 = arith.mulf %get3A_2968, %get3A_2949 : vector<16xf32>
        %add3A_2970 = arith.addf %scan3A_2927, %mul3A_2969 : vector<16xf32>
        %mul3A_2971 = arith.mulf %get3A_2968, %get3A_2958 : vector<16xf32>
        %add3A_2972 = arith.addf %scan3A_2928, %mul3A_2971 : vector<16xf32>
        %mul3A_2973 = arith.constant 8 : i32
        %mul3A_2974 = arith.muli %scan3A_1950, %mul3A_2973 : i32
        %add3A_2975 = arith.constant 1 : i32
        %add3A_2976 = arith.addi %mul3A_2974, %add3A_2975 : i32
        %mul3A_2977 = arith.constant 16 : i32
        %mul3A_2978 = arith.muli %scan3A_2926, %mul3A_2977 : i32
        %get3A_2979 = arith.index_cast %add3A_2976 : i32 to index
        %get3A_2980 = arith.index_cast %mul3A_2978 : i32 to index
        %get3A_2981 = tpu.vector_load %arg10[%get3A_2979, %get3A_2980] {strides = array<i32>} : memref<32x256xf32, #tpu.memory_space<vmem>>, vector<1x16xf32>,
        %get3A_2982 = vector.shape_cast %get3A_2981 : vector<1x16xf32> to vector<16xf32>
        %mul3A_2983 = arith.mulf %get3A_2982, %get3A_2949 : vector<16xf32>
        %add3A_2984 = arith.addf %scan3A_2929, %mul3A_2983 : vector<16xf32>
        %mul3A_2985 = arith.mulf %get3A_2982, %get3A_2958 : vector<16xf32>
        %add3A_2986 = arith.addf %scan3A_2930, %mul3A_2985 : vector<16xf32>
        %mul3A_2987 = arith.constant 8 : i32
        %mul3A_2988 = arith.muli %scan3A_1950, %mul3A_2987 : i32
        %add3A_2989 = arith.constant 2 : i32
        %add3A_2990 = arith.addi %mul3A_2988, %add3A_2989 : i32
        %mul3A_2991 = arith.constant 16 : i32
        %mul3A_2992 = arith.muli %scan3A_2926, %mul3A_2991 : i32
        %get3A_2993 = arith.index_cast %add3A_2990 : i32 to index
        %get3A_2994 = arith.index_cast %mul3A_2992 : i32 to index
        %get3A_2995 = tpu.vector_load %arg10[%get3A_2993, %get3A_2994] {strides = array<i32>} : memref<32x256xf32, #tpu.memory_space<vmem>>, vector<1x16xf32>,
        %get3A_2996 = vector.shape_cast %get3A_2995 : vector<1x16xf32> to vector<16xf32>
        %mul3A_2997 = arith.mulf %get3A_2996, %get3A_2949 : vector<16xf32>
        %add3A_2998 = arith.addf %scan3A_2931, %mul3A_2997 : vector<16xf32>
        %mul3A_2999 = arith.mulf %get3A_2996, %get3A_2958 : vector<16xf32>
        %add3A_3000 = arith.addf %scan3A_2932, %mul3A_2999 : vector<16xf32>
        %mul3A_3001 = arith.constant 8 : i32
        %mul3A_3002 = arith.muli %scan3A_1950, %mul3A_3001 : i32
        %add3A_3003 = arith.constant 3 : i32
        %add3A_3004 = arith.addi %mul3A_3002, %add3A_3003 : i32
        %mul3A_3005 = arith.constant 16 : i32
        %mul3A_3006 = arith.muli %scan3A_2926, %mul3A_3005 : i32
        %get3A_3007 = arith.index_cast %add3A_3004 : i32 to index
        %get3A_3008 = arith.index_cast %mul3A_3006 : i32 to index
        %get3A_3009 = tpu.vector_load %arg10[%get3A_3007, %get3A_3008] {strides = array<i32>} : memref<32x256xf32, #tpu.memory_space<vmem>>, vector<1x16xf32>,
        %get3A_3010 = vector.shape_cast %get3A_3009 : vector<1x16xf32> to vector<16xf32>
        %mul3A_3011 = arith.mulf %get3A_3010, %get3A_2949 : vector<16xf32>
        %add3A_3012 = arith.addf %scan3A_2933, %mul3A_3011 : vector<16xf32>
        %mul3A_3013 = arith.mulf %get3A_3010, %get3A_2958 : vector<16xf32>
        %add3A_3014 = arith.addf %scan3A_2934, %mul3A_3013 : vector<16xf32>
        %mul3A_3015 = arith.constant 8 : i32
        %mul3A_3016 = arith.muli %scan3A_1950, %mul3A_3015 : i32
        %add3A_3017 = arith.constant 4 : i32
        %add3A_3018 = arith.addi %mul3A_3016, %add3A_3017 : i32
        %mul3A_3019 = arith.constant 16 : i32
        %mul3A_3020 = arith.muli %scan3A_2926, %mul3A_3019 : i32
        %get3A_3021 = arith.index_cast %add3A_3018 : i32 to index
        %get3A_3022 = arith.index_cast %mul3A_3020 : i32 to index
        %get3A_3023 = tpu.vector_load %arg10[%get3A_3021, %get3A_3022] {strides = array<i32>} : memref<32x256xf32, #tpu.memory_space<vmem>>, vector<1x16xf32>,
        %get3A_3024 = vector.shape_cast %get3A_3023 : vector<1x16xf32> to vector<16xf32>
        %mul3A_3025 = arith.mulf %get3A_3024, %get3A_2949 : vector<16xf32>
        %add3A_3026 = arith.addf %scan3A_2935, %mul3A_3025 : vector<16xf32>
        %mul3A_3027 = arith.mulf %get3A_3024, %get3A_2958 : vector<16xf32>
        %add3A_3028 = arith.addf %scan3A_2936, %mul3A_3027 : vector<16xf32>
        %mul3A_3029 = arith.constant 8 : i32
        %mul3A_3030 = arith.muli %scan3A_1950, %mul3A_3029 : i32
        %add3A_3031 = arith.constant 5 : i32
        %add3A_3032 = arith.addi %mul3A_3030, %add3A_3031 : i32
        %mul3A_3033 = arith.constant 16 : i32
        %mul3A_3034 = arith.muli %scan3A_2926, %mul3A_3033 : i32
        %get3A_3035 = arith.index_cast %add3A_3032 : i32 to index
        %get3A_3036 = arith.index_cast %mul3A_3034 : i32 to index
        %get3A_3037 = tpu.vector_load %arg10[%get3A_3035, %get3A_3036] {strides = array<i32>} : memref<32x256xf32, #tpu.memory_space<vmem>>, vector<1x16xf32>,
        %get3A_3038 = vector.shape_cast %get3A_3037 : vector<1x16xf32> to vector<16xf32>
        %mul3A_3039 = arith.mulf %get3A_3038, %get3A_2949 : vector<16xf32>
        %add3A_3040 = arith.addf %scan3A_2937, %mul3A_3039 : vector<16xf32>
        %mul3A_3041 = arith.mulf %get3A_3038, %get3A_2958 : vector<16xf32>
        %add3A_3042 = arith.addf %scan3A_2938, %mul3A_3041 : vector<16xf32>
        %mul3A_3043 = arith.constant 8 : i32
        %mul3A_3044 = arith.muli %scan3A_1950, %mul3A_3043 : i32
        %add3A_3045 = arith.constant 6 : i32
        %add3A_3046 = arith.addi %mul3A_3044, %add3A_3045 : i32
        %mul3A_3047 = arith.constant 16 : i32
        %mul3A_3048 = arith.muli %scan3A_2926, %mul3A_3047 : i32
        %get3A_3049 = arith.index_cast %add3A_3046 : i32 to index
        %get3A_3050 = arith.index_cast %mul3A_3048 : i32 to index
        %get3A_3051 = tpu.vector_load %arg10[%get3A_3049, %get3A_3050] {strides = array<i32>} : memref<32x256xf32, #tpu.memory_space<vmem>>, vector<1x16xf32>,
        %get3A_3052 = vector.shape_cast %get3A_3051 : vector<1x16xf32> to vector<16xf32>
        %mul3A_3053 = arith.mulf %get3A_3052, %get3A_2949 : vector<16xf32>
        %add3A_3054 = arith.addf %scan3A_2939, %mul3A_3053 : vector<16xf32>
        %mul3A_3055 = arith.mulf %get3A_3052, %get3A_2958 : vector<16xf32>
        %add3A_3056 = arith.addf %scan3A_2940, %mul3A_3055 : vector<16xf32>
        %mul3A_3057 = arith.constant 8 : i32
        %mul3A_3058 = arith.muli %scan3A_1950, %mul3A_3057 : i32
        %add3A_3059 = arith.constant 7 : i32
        %add3A_3060 = arith.addi %mul3A_3058, %add3A_3059 : i32
        %mul3A_3061 = arith.constant 16 : i32
        %mul3A_3062 = arith.muli %scan3A_2926, %mul3A_3061 : i32
        %get3A_3063 = arith.index_cast %add3A_3060 : i32 to index
        %get3A_3064 = arith.index_cast %mul3A_3062 : i32 to index
        %get3A_3065 = tpu.vector_load %arg10[%get3A_3063, %get3A_3064] {strides = array<i32>} : memref<32x256xf32, #tpu.memory_space<vmem>>, vector<1x16xf32>,
        %get3A_3066 = vector.shape_cast %get3A_3065 : vector<1x16xf32> to vector<16xf32>
        %mul3A_3067 = arith.mulf %get3A_3066, %get3A_2949 : vector<16xf32>
        %add3A_3068 = arith.addf %scan3A_2941, %mul3A_3067 : vector<16xf32>
        %mul3A_3069 = arith.mulf %get3A_3066, %get3A_2958 : vector<16xf32>
        %add3A_3070 = arith.addf %scan3A_2942, %mul3A_3069 : vector<16xf32>
        scf.yield %add3A_2970, %add3A_2972, %add3A_2984, %add3A_2986, %add3A_2998, %add3A_3000, %add3A_3012, %add3A_3014, %add3A_3026, %add3A_3028, %add3A_3040, %add3A_3042, %add3A_3054, %add3A_3056, %add3A_3068, %add3A_3070 : vector<16xf32>, vector<16xf32>, vector<16xf32>, vector<16xf32>, vector<16xf32>, vector<16xf32>, vector<16xf32>, vector<16xf32>, vector<16xf32>, vector<16xf32>, vector<16xf32>, vector<16xf32>, vector<16xf32>, vector<16xf32>, vector<16xf32>, vector<16xf32>
      }
      %scan3A_1957 = arith.constant 16 : i32
      %xor3A_1958 = arith.constant 1 : i32
      %xor3A_1959 = vector.broadcast %xor3A_1958 : i32 to vector<16xi32>
      %xor3A_1960 = arith.xori %iota3A, %xor3A_1959 : vector<16xi32>
      %lt3A_1961 = arith.constant 0 : i32
      %lt3A_1962 = vector.broadcast %lt3A_1961 : i32 to vector<16xi32>
      %lt3A_1963 = arith.cmpi slt, %xor3A_1960, %lt3A_1962 : vector<16xi32>
      %add3A_1964 = arith.constant 16 : i32
      %add3A_1965 = vector.broadcast %add3A_1964 : i32 to vector<16xi32>
      %add3A_1966 = arith.addi %xor3A_1960, %add3A_1965 : vector<16xi32>
      %select_n3A_1967 = arith.select %lt3A_1963, %add3A_1966, %xor3A_1960 : vector<16xi1>, vector<16xi32>
      %broadcast_in_dim3A_1968 = vector.shape_cast %select_n3A_1967 : vector<16xi32> to vector<16x1xi32>
      %gather3A_1969 = vector.shape_cast %broadcast_in_dim3A_1968 : vector<16x1xi32> to vector<16xi32>
      %gather3A_1970 = tpu.dynamic_gather %scan3A_1956#0[%gather3A_1969] in [0] : vector<16xf32>, vector<16xi32> -> vector<16xf32>
      %add3A_1971 = arith.addf %scan3A_1956#0, %gather3A_1970 : vector<16xf32>
      %xor3A_1972 = arith.constant 2 : i32
      %xor3A_1973 = vector.broadcast %xor3A_1972 : i32 to vector<16xi32>
      %xor3A_1974 = arith.xori %iota3A, %xor3A_1973 : vector<16xi32>
      %lt3A_1975 = arith.constant 0 : i32
      %lt3A_1976 = vector.broadcast %lt3A_1975 : i32 to vector<16xi32>
      %lt3A_1977 = arith.cmpi slt, %xor3A_1974, %lt3A_1976 : vector<16xi32>
      %add3A_1978 = arith.constant 16 : i32
      %add3A_1979 = vector.broadcast %add3A_1978 : i32 to vector<16xi32>
      %add3A_1980 = arith.addi %xor3A_1974, %add3A_1979 : vector<16xi32>
      %select_n3A_1981 = arith.select %lt3A_1977, %add3A_1980, %xor3A_1974 : vector<16xi1>, vector<16xi32>
      %broadcast_in_dim3A_1982 = vector.shape_cast %select_n3A_1981 : vector<16xi32> to vector<16x1xi32>
      %gather3A_1983 = vector.shape_cast %broadcast_in_dim3A_1982 : vector<16x1xi32> to vector<16xi32>
      %gather3A_1984 = tpu.dynamic_gather %add3A_1971[%gather3A_1983] in [0] : vector<16xf32>, vector<16xi32> -> vector<16xf32>
      %add3A_1985 = arith.addf %add3A_1971, %gather3A_1984 : vector<16xf32>
      %xor3A_1986 = arith.constant 4 : i32
      %xor3A_1987 = vector.broadcast %xor3A_1986 : i32 to vector<16xi32>
      %xor3A_1988 = arith.xori %iota3A, %xor3A_1987 : vector<16xi32>
      %lt3A_1989 = arith.constant 0 : i32
      %lt3A_1990 = vector.broadcast %lt3A_1989 : i32 to vector<16xi32>
      %lt3A_1991 = arith.cmpi slt, %xor3A_1988, %lt3A_1990 : vector<16xi32>
      %add3A_1992 = arith.constant 16 : i32
      %add3A_1993 = vector.broadcast %add3A_1992 : i32 to vector<16xi32>
      %add3A_1994 = arith.addi %xor3A_1988, %add3A_1993 : vector<16xi32>
      %select_n3A_1995 = arith.select %lt3A_1991, %add3A_1994, %xor3A_1988 : vector<16xi1>, vector<16xi32>
      %broadcast_in_dim3A_1996 = vector.shape_cast %select_n3A_1995 : vector<16xi32> to vector<16x1xi32>
      %gather3A_1997 = vector.shape_cast %broadcast_in_dim3A_1996 : vector<16x1xi32> to vector<16xi32>
      %gather3A_1998 = tpu.dynamic_gather %add3A_1985[%gather3A_1997] in [0] : vector<16xf32>, vector<16xi32> -> vector<16xf32>
      %add3A_1999 = arith.addf %add3A_1985, %gather3A_1998 : vector<16xf32>
      %xor3A_2000 = arith.constant 8 : i32
      %xor3A_2001 = vector.broadcast %xor3A_2000 : i32 to vector<16xi32>
      %xor3A_2002 = arith.xori %iota3A, %xor3A_2001 : vector<16xi32>
      %lt3A_2003 = arith.constant 0 : i32
      %lt3A_2004 = vector.broadcast %lt3A_2003 : i32 to vector<16xi32>
      %lt3A_2005 = arith.cmpi slt, %xor3A_2002, %lt3A_2004 : vector<16xi32>
      %add3A_2006 = arith.constant 16 : i32
      %add3A_2007 = vector.broadcast %add3A_2006 : i32 to vector<16xi32>
      %add3A_2008 = arith.addi %xor3A_2002, %add3A_2007 : vector<16xi32>
      %select_n3A_2009 = arith.select %lt3A_2005, %add3A_2008, %xor3A_2002 : vector<16xi1>, vector<16xi32>
      %broadcast_in_dim3A_2010 = vector.shape_cast %select_n3A_2009 : vector<16xi32> to vector<16x1xi32>
      %gather3A_2011 = vector.shape_cast %broadcast_in_dim3A_2010 : vector<16x1xi32> to vector<16xi32>
      %gather3A_2012 = tpu.dynamic_gather %add3A_1999[%gather3A_2011] in [0] : vector<16xf32>, vector<16xi32> -> vector<16xf32>
      %add3A_2013 = arith.addf %add3A_1999, %gather3A_2012 : vector<16xf32>
      %eq3A_2014 = arith.constant 0 : i32
      %eq3A_2015 = vector.broadcast %eq3A_2014 : i32 to vector<16xi32>
      %eq3A_2016 = arith.cmpi eq, %iota3A, %eq3A_2015 : vector<16xi32>
      %select_n3A_2017 = arith.select %eq3A_2016, %add3A_2013, %broadcast_in_dim3A_1938 : vector<16xi1>, vector<16xf32>
      %xor3A_2018 = arith.constant 1 : i32
      %xor3A_2019 = vector.broadcast %xor3A_2018 : i32 to vector<16xi32>
      %xor3A_2020 = arith.xori %iota3A, %xor3A_2019 : vector<16xi32>
      %lt3A_2021 = arith.constant 0 : i32
      %lt3A_2022 = vector.broadcast %lt3A_2021 : i32 to vector<16xi32>
      %lt3A_2023 = arith.cmpi slt, %xor3A_2020, %lt3A_2022 : vector<16xi32>
      %add3A_2024 = arith.constant 16 : i32
      %add3A_2025 = vector.broadcast %add3A_2024 : i32 to vector<16xi32>
      %add3A_2026 = arith.addi %xor3A_2020, %add3A_2025 : vector<16xi32>
      %select_n3A_2027 = arith.select %lt3A_2023, %add3A_2026, %xor3A_2020 : vector<16xi1>, vector<16xi32>
      %broadcast_in_dim3A_2028 = vector.shape_cast %select_n3A_2027 : vector<16xi32> to vector<16x1xi32>
      %gather3A_2029 = vector.shape_cast %broadcast_in_dim3A_2028 : vector<16x1xi32> to vector<16xi32>
      %gather3A_2030 = tpu.dynamic_gather %scan3A_1956#1[%gather3A_2029] in [0] : vector<16xf32>, vector<16xi32> -> vector<16xf32>
      %add3A_2031 = arith.addf %scan3A_1956#1, %gather3A_2030 : vector<16xf32>
      %xor3A_2032 = arith.constant 2 : i32
      %xor3A_2033 = vector.broadcast %xor3A_2032 : i32 to vector<16xi32>
      %xor3A_2034 = arith.xori %iota3A, %xor3A_2033 : vector<16xi32>
      %lt3A_2035 = arith.constant 0 : i32
      %lt3A_2036 = vector.broadcast %lt3A_2035 : i32 to vector<16xi32>
      %lt3A_2037 = arith.cmpi slt, %xor3A_2034, %lt3A_2036 : vector<16xi32>
      %add3A_2038 = arith.constant 16 : i32
      %add3A_2039 = vector.broadcast %add3A_2038 : i32 to vector<16xi32>
      %add3A_2040 = arith.addi %xor3A_2034, %add3A_2039 : vector<16xi32>
      %select_n3A_2041 = arith.select %lt3A_2037, %add3A_2040, %xor3A_2034 : vector<16xi1>, vector<16xi32>
      %broadcast_in_dim3A_2042 = vector.shape_cast %select_n3A_2041 : vector<16xi32> to vector<16x1xi32>
      %gather3A_2043 = vector.shape_cast %broadcast_in_dim3A_2042 : vector<16x1xi32> to vector<16xi32>
      %gather3A_2044 = tpu.dynamic_gather %add3A_2031[%gather3A_2043] in [0] : vector<16xf32>, vector<16xi32> -> vector<16xf32>
      %add3A_2045 = arith.addf %add3A_2031, %gather3A_2044 : vector<16xf32>
      %xor3A_2046 = arith.constant 4 : i32
      %xor3A_2047 = vector.broadcast %xor3A_2046 : i32 to vector<16xi32>
      %xor3A_2048 = arith.xori %iota3A, %xor3A_2047 : vector<16xi32>
      %lt3A_2049 = arith.constant 0 : i32
      %lt3A_2050 = vector.broadcast %lt3A_2049 : i32 to vector<16xi32>
      %lt3A_2051 = arith.cmpi slt, %xor3A_2048, %lt3A_2050 : vector<16xi32>
      %add3A_2052 = arith.constant 16 : i32
      %add3A_2053 = vector.broadcast %add3A_2052 : i32 to vector<16xi32>
      %add3A_2054 = arith.addi %xor3A_2048, %add3A_2053 : vector<16xi32>
      %select_n3A_2055 = arith.select %lt3A_2051, %add3A_2054, %xor3A_2048 : vector<16xi1>, vector<16xi32>
      %broadcast_in_dim3A_2056 = vector.shape_cast %select_n3A_2055 : vector<16xi32> to vector<16x1xi32>
      %gather3A_2057 = vector.shape_cast %broadcast_in_dim3A_2056 : vector<16x1xi32> to vector<16xi32>
      %gather3A_2058 = tpu.dynamic_gather %add3A_2045[%gather3A_2057] in [0] : vector<16xf32>, vector<16xi32> -> vector<16xf32>
      %add3A_2059 = arith.addf %add3A_2045, %gather3A_2058 : vector<16xf32>
      %xor3A_2060 = arith.constant 8 : i32
      %xor3A_2061 = vector.broadcast %xor3A_2060 : i32 to vector<16xi32>
      %xor3A_2062 = arith.xori %iota3A, %xor3A_2061 : vector<16xi32>
      %lt3A_2063 = arith.constant 0 : i32
      %lt3A_2064 = vector.broadcast %lt3A_2063 : i32 to vector<16xi32>
      %lt3A_2065 = arith.cmpi slt, %xor3A_2062, %lt3A_2064 : vector<16xi32>
      %add3A_2066 = arith.constant 16 : i32
      %add3A_2067 = vector.broadcast %add3A_2066 : i32 to vector<16xi32>
      %add3A_2068 = arith.addi %xor3A_2062, %add3A_2067 : vector<16xi32>
      %select_n3A_2069 = arith.select %lt3A_2065, %add3A_2068, %xor3A_2062 : vector<16xi1>, vector<16xi32>
      %broadcast_in_dim3A_2070 = vector.shape_cast %select_n3A_2069 : vector<16xi32> to vector<16x1xi32>
      %gather3A_2071 = vector.shape_cast %broadcast_in_dim3A_2070 : vector<16x1xi32> to vector<16xi32>
      %gather3A_2072 = tpu.dynamic_gather %add3A_2059[%gather3A_2071] in [0] : vector<16xf32>, vector<16xi32> -> vector<16xf32>
      %add3A_2073 = arith.addf %add3A_2059, %gather3A_2072 : vector<16xf32>
      %eq3A_2074 = arith.constant 1 : i32
      %eq3A_2075 = vector.broadcast %eq3A_2074 : i32 to vector<16xi32>
      %eq3A_2076 = arith.cmpi eq, %iota3A, %eq3A_2075 : vector<16xi32>
      %select_n3A_2077 = arith.select %eq3A_2076, %add3A_2073, %select_n3A_2017 : vector<16xi1>, vector<16xf32>
      %xor3A_2078 = arith.constant 1 : i32
      %xor3A_2079 = vector.broadcast %xor3A_2078 : i32 to vector<16xi32>
      %xor3A_2080 = arith.xori %iota3A, %xor3A_2079 : vector<16xi32>
      %lt3A_2081 = arith.constant 0 : i32
      %lt3A_2082 = vector.broadcast %lt3A_2081 : i32 to vector<16xi32>
      %lt3A_2083 = arith.cmpi slt, %xor3A_2080, %lt3A_2082 : vector<16xi32>
      %add3A_2084 = arith.constant 16 : i32
      %add3A_2085 = vector.broadcast %add3A_2084 : i32 to vector<16xi32>
      %add3A_2086 = arith.addi %xor3A_2080, %add3A_2085 : vector<16xi32>
      %select_n3A_2087 = arith.select %lt3A_2083, %add3A_2086, %xor3A_2080 : vector<16xi1>, vector<16xi32>
      %broadcast_in_dim3A_2088 = vector.shape_cast %select_n3A_2087 : vector<16xi32> to vector<16x1xi32>
      %gather3A_2089 = vector.shape_cast %broadcast_in_dim3A_2088 : vector<16x1xi32> to vector<16xi32>
      %gather3A_2090 = tpu.dynamic_gather %scan3A_1956#2[%gather3A_2089] in [0] : vector<16xf32>, vector<16xi32> -> vector<16xf32>
      %add3A_2091 = arith.addf %scan3A_1956#2, %gather3A_2090 : vector<16xf32>
      %xor3A_2092 = arith.constant 2 : i32
      %xor3A_2093 = vector.broadcast %xor3A_2092 : i32 to vector<16xi32>
      %xor3A_2094 = arith.xori %iota3A, %xor3A_2093 : vector<16xi32>
      %lt3A_2095 = arith.constant 0 : i32
      %lt3A_2096 = vector.broadcast %lt3A_2095 : i32 to vector<16xi32>
      %lt3A_2097 = arith.cmpi slt, %xor3A_2094, %lt3A_2096 : vector<16xi32>
      %add3A_2098 = arith.constant 16 : i32
      %add3A_2099 = vector.broadcast %add3A_2098 : i32 to vector<16xi32>
      %add3A_2100 = arith.addi %xor3A_2094, %add3A_2099 : vector<16xi32>
      %select_n3A_2101 = arith.select %lt3A_2097, %add3A_2100, %xor3A_2094 : vector<16xi1>, vector<16xi32>
      %broadcast_in_dim3A_2102 = vector.shape_cast %select_n3A_2101 : vector<16xi32> to vector<16x1xi32>
      %gather3A_2103 = vector.shape_cast %broadcast_in_dim3A_2102 : vector<16x1xi32> to vector<16xi32>
      %gather3A_2104 = tpu.dynamic_gather %add3A_2091[%gather3A_2103] in [0] : vector<16xf32>, vector<16xi32> -> vector<16xf32>
      %add3A_2105 = arith.addf %add3A_2091, %gather3A_2104 : vector<16xf32>
      %xor3A_2106 = arith.constant 4 : i32
      %xor3A_2107 = vector.broadcast %xor3A_2106 : i32 to vector<16xi32>
      %xor3A_2108 = arith.xori %iota3A, %xor3A_2107 : vector<16xi32>
      %lt3A_2109 = arith.constant 0 : i32
      %lt3A_2110 = vector.broadcast %lt3A_2109 : i32 to vector<16xi32>
      %lt3A_2111 = arith.cmpi slt, %xor3A_2108, %lt3A_2110 : vector<16xi32>
      %add3A_2112 = arith.constant 16 : i32
      %add3A_2113 = vector.broadcast %add3A_2112 : i32 to vector<16xi32>
      %add3A_2114 = arith.addi %xor3A_2108, %add3A_2113 : vector<16xi32>
      %select_n3A_2115 = arith.select %lt3A_2111, %add3A_2114, %xor3A_2108 : vector<16xi1>, vector<16xi32>
      %broadcast_in_dim3A_2116 = vector.shape_cast %select_n3A_2115 : vector<16xi32> to vector<16x1xi32>
      %gather3A_2117 = vector.shape_cast %broadcast_in_dim3A_2116 : vector<16x1xi32> to vector<16xi32>
      %gather3A_2118 = tpu.dynamic_gather %add3A_2105[%gather3A_2117] in [0] : vector<16xf32>, vector<16xi32> -> vector<16xf32>
      %add3A_2119 = arith.addf %add3A_2105, %gather3A_2118 : vector<16xf32>
      %xor3A_2120 = arith.constant 8 : i32
      %xor3A_2121 = vector.broadcast %xor3A_2120 : i32 to vector<16xi32>
      %xor3A_2122 = arith.xori %iota3A, %xor3A_2121 : vector<16xi32>
      %lt3A_2123 = arith.constant 0 : i32
      %lt3A_2124 = vector.broadcast %lt3A_2123 : i32 to vector<16xi32>
      %lt3A_2125 = arith.cmpi slt, %xor3A_2122, %lt3A_2124 : vector<16xi32>
      %add3A_2126 = arith.constant 16 : i32
      %add3A_2127 = vector.broadcast %add3A_2126 : i32 to vector<16xi32>
      %add3A_2128 = arith.addi %xor3A_2122, %add3A_2127 : vector<16xi32>
      %select_n3A_2129 = arith.select %lt3A_2125, %add3A_2128, %xor3A_2122 : vector<16xi1>, vector<16xi32>
      %broadcast_in_dim3A_2130 = vector.shape_cast %select_n3A_2129 : vector<16xi32> to vector<16x1xi32>
      %gather3A_2131 = vector.shape_cast %broadcast_in_dim3A_2130 : vector<16x1xi32> to vector<16xi32>
      %gather3A_2132 = tpu.dynamic_gather %add3A_2119[%gather3A_2131] in [0] : vector<16xf32>, vector<16xi32> -> vector<16xf32>
      %add3A_2133 = arith.addf %add3A_2119, %gather3A_2132 : vector<16xf32>
      %eq3A_2134 = arith.constant 2 : i32
      %eq3A_2135 = vector.broadcast %eq3A_2134 : i32 to vector<16xi32>
      %eq3A_2136 = arith.cmpi eq, %iota3A, %eq3A_2135 : vector<16xi32>
      %select_n3A_2137 = arith.select %eq3A_2136, %add3A_2133, %select_n3A_2077 : vector<16xi1>, vector<16xf32>
      %xor3A_2138 = arith.constant 1 : i32
      %xor3A_2139 = vector.broadcast %xor3A_2138 : i32 to vector<16xi32>
      %xor3A_2140 = arith.xori %iota3A, %xor3A_2139 : vector<16xi32>
      %lt3A_2141 = arith.constant 0 : i32
      %lt3A_2142 = vector.broadcast %lt3A_2141 : i32 to vector<16xi32>
      %lt3A_2143 = arith.cmpi slt, %xor3A_2140, %lt3A_2142 : vector<16xi32>
      %add3A_2144 = arith.constant 16 : i32
      %add3A_2145 = vector.broadcast %add3A_2144 : i32 to vector<16xi32>
      %add3A_2146 = arith.addi %xor3A_2140, %add3A_2145 : vector<16xi32>
      %select_n3A_2147 = arith.select %lt3A_2143, %add3A_2146, %xor3A_2140 : vector<16xi1>, vector<16xi32>
      %broadcast_in_dim3A_2148 = vector.shape_cast %select_n3A_2147 : vector<16xi32> to vector<16x1xi32>
      %gather3A_2149 = vector.shape_cast %broadcast_in_dim3A_2148 : vector<16x1xi32> to vector<16xi32>
      %gather3A_2150 = tpu.dynamic_gather %scan3A_1956#3[%gather3A_2149] in [0] : vector<16xf32>, vector<16xi32> -> vector<16xf32>
      %add3A_2151 = arith.addf %scan3A_1956#3, %gather3A_2150 : vector<16xf32>
      %xor3A_2152 = arith.constant 2 : i32
      %xor3A_2153 = vector.broadcast %xor3A_2152 : i32 to vector<16xi32>
      %xor3A_2154 = arith.xori %iota3A, %xor3A_2153 : vector<16xi32>
      %lt3A_2155 = arith.constant 0 : i32
      %lt3A_2156 = vector.broadcast %lt3A_2155 : i32 to vector<16xi32>
      %lt3A_2157 = arith.cmpi slt, %xor3A_2154, %lt3A_2156 : vector<16xi32>
      %add3A_2158 = arith.constant 16 : i32
      %add3A_2159 = vector.broadcast %add3A_2158 : i32 to vector<16xi32>
      %add3A_2160 = arith.addi %xor3A_2154, %add3A_2159 : vector<16xi32>
      %select_n3A_2161 = arith.select %lt3A_2157, %add3A_2160, %xor3A_2154 : vector<16xi1>, vector<16xi32>
      %broadcast_in_dim3A_2162 = vector.shape_cast %select_n3A_2161 : vector<16xi32> to vector<16x1xi32>
      %gather3A_2163 = vector.shape_cast %broadcast_in_dim3A_2162 : vector<16x1xi32> to vector<16xi32>
      %gather3A_2164 = tpu.dynamic_gather %add3A_2151[%gather3A_2163] in [0] : vector<16xf32>, vector<16xi32> -> vector<16xf32>
      %add3A_2165 = arith.addf %add3A_2151, %gather3A_2164 : vector<16xf32>
      %xor3A_2166 = arith.constant 4 : i32
      %xor3A_2167 = vector.broadcast %xor3A_2166 : i32 to vector<16xi32>
      %xor3A_2168 = arith.xori %iota3A, %xor3A_2167 : vector<16xi32>
      %lt3A_2169 = arith.constant 0 : i32
      %lt3A_2170 = vector.broadcast %lt3A_2169 : i32 to vector<16xi32>
      %lt3A_2171 = arith.cmpi slt, %xor3A_2168, %lt3A_2170 : vector<16xi32>
      %add3A_2172 = arith.constant 16 : i32
      %add3A_2173 = vector.broadcast %add3A_2172 : i32 to vector<16xi32>
      %add3A_2174 = arith.addi %xor3A_2168, %add3A_2173 : vector<16xi32>
      %select_n3A_2175 = arith.select %lt3A_2171, %add3A_2174, %xor3A_2168 : vector<16xi1>, vector<16xi32>
      %broadcast_in_dim3A_2176 = vector.shape_cast %select_n3A_2175 : vector<16xi32> to vector<16x1xi32>
      %gather3A_2177 = vector.shape_cast %broadcast_in_dim3A_2176 : vector<16x1xi32> to vector<16xi32>
      %gather3A_2178 = tpu.dynamic_gather %add3A_2165[%gather3A_2177] in [0] : vector<16xf32>, vector<16xi32> -> vector<16xf32>
      %add3A_2179 = arith.addf %add3A_2165, %gather3A_2178 : vector<16xf32>
      %xor3A_2180 = arith.constant 8 : i32
      %xor3A_2181 = vector.broadcast %xor3A_2180 : i32 to vector<16xi32>
      %xor3A_2182 = arith.xori %iota3A, %xor3A_2181 : vector<16xi32>
      %lt3A_2183 = arith.constant 0 : i32
      %lt3A_2184 = vector.broadcast %lt3A_2183 : i32 to vector<16xi32>
      %lt3A_2185 = arith.cmpi slt, %xor3A_2182, %lt3A_2184 : vector<16xi32>
      %add3A_2186 = arith.constant 16 : i32
      %add3A_2187 = vector.broadcast %add3A_2186 : i32 to vector<16xi32>
      %add3A_2188 = arith.addi %xor3A_2182, %add3A_2187 : vector<16xi32>
      %select_n3A_2189 = arith.select %lt3A_2185, %add3A_2188, %xor3A_2182 : vector<16xi1>, vector<16xi32>
      %broadcast_in_dim3A_2190 = vector.shape_cast %select_n3A_2189 : vector<16xi32> to vector<16x1xi32>
      %gather3A_2191 = vector.shape_cast %broadcast_in_dim3A_2190 : vector<16x1xi32> to vector<16xi32>
      %gather3A_2192 = tpu.dynamic_gather %add3A_2179[%gather3A_2191] in [0] : vector<16xf32>, vector<16xi32> -> vector<16xf32>
      %add3A_2193 = arith.addf %add3A_2179, %gather3A_2192 : vector<16xf32>
      %eq3A_2194 = arith.constant 3 : i32
      %eq3A_2195 = vector.broadcast %eq3A_2194 : i32 to vector<16xi32>
      %eq3A_2196 = arith.cmpi eq, %iota3A, %eq3A_2195 : vector<16xi32>
      %select_n3A_2197 = arith.select %eq3A_2196, %add3A_2193, %select_n3A_2137 : vector<16xi1>, vector<16xf32>
      %xor3A_2198 = arith.constant 1 : i32
      %xor3A_2199 = vector.broadcast %xor3A_2198 : i32 to vector<16xi32>
      %xor3A_2200 = arith.xori %iota3A, %xor3A_2199 : vector<16xi32>
      %lt3A_2201 = arith.constant 0 : i32
      %lt3A_2202 = vector.broadcast %lt3A_2201 : i32 to vector<16xi32>
      %lt3A_2203 = arith.cmpi slt, %xor3A_2200, %lt3A_2202 : vector<16xi32>
      %add3A_2204 = arith.constant 16 : i32
      %add3A_2205 = vector.broadcast %add3A_2204 : i32 to vector<16xi32>
      %add3A_2206 = arith.addi %xor3A_2200, %add3A_2205 : vector<16xi32>
      %select_n3A_2207 = arith.select %lt3A_2203, %add3A_2206, %xor3A_2200 : vector<16xi1>, vector<16xi32>
      %broadcast_in_dim3A_2208 = vector.shape_cast %select_n3A_2207 : vector<16xi32> to vector<16x1xi32>
      %gather3A_2209 = vector.shape_cast %broadcast_in_dim3A_2208 : vector<16x1xi32> to vector<16xi32>
      %gather3A_2210 = tpu.dynamic_gather %scan3A_1956#4[%gather3A_2209] in [0] : vector<16xf32>, vector<16xi32> -> vector<16xf32>
      %add3A_2211 = arith.addf %scan3A_1956#4, %gather3A_2210 : vector<16xf32>
      %xor3A_2212 = arith.constant 2 : i32
      %xor3A_2213 = vector.broadcast %xor3A_2212 : i32 to vector<16xi32>
      %xor3A_2214 = arith.xori %iota3A, %xor3A_2213 : vector<16xi32>
      %lt3A_2215 = arith.constant 0 : i32
      %lt3A_2216 = vector.broadcast %lt3A_2215 : i32 to vector<16xi32>
      %lt3A_2217 = arith.cmpi slt, %xor3A_2214, %lt3A_2216 : vector<16xi32>
      %add3A_2218 = arith.constant 16 : i32
      %add3A_2219 = vector.broadcast %add3A_2218 : i32 to vector<16xi32>
      %add3A_2220 = arith.addi %xor3A_2214, %add3A_2219 : vector<16xi32>
      %select_n3A_2221 = arith.select %lt3A_2217, %add3A_2220, %xor3A_2214 : vector<16xi1>, vector<16xi32>
      %broadcast_in_dim3A_2222 = vector.shape_cast %select_n3A_2221 : vector<16xi32> to vector<16x1xi32>
      %gather3A_2223 = vector.shape_cast %broadcast_in_dim3A_2222 : vector<16x1xi32> to vector<16xi32>
      %gather3A_2224 = tpu.dynamic_gather %add3A_2211[%gather3A_2223] in [0] : vector<16xf32>, vector<16xi32> -> vector<16xf32>
      %add3A_2225 = arith.addf %add3A_2211, %gather3A_2224 : vector<16xf32>
      %xor3A_2226 = arith.constant 4 : i32
      %xor3A_2227 = vector.broadcast %xor3A_2226 : i32 to vector<16xi32>
      %xor3A_2228 = arith.xori %iota3A, %xor3A_2227 : vector<16xi32>
      %lt3A_2229 = arith.constant 0 : i32
      %lt3A_2230 = vector.broadcast %lt3A_2229 : i32 to vector<16xi32>
      %lt3A_2231 = arith.cmpi slt, %xor3A_2228, %lt3A_2230 : vector<16xi32>
      %add3A_2232 = arith.constant 16 : i32
      %add3A_2233 = vector.broadcast %add3A_2232 : i32 to vector<16xi32>
      %add3A_2234 = arith.addi %xor3A_2228, %add3A_2233 : vector<16xi32>
      %select_n3A_2235 = arith.select %lt3A_2231, %add3A_2234, %xor3A_2228 : vector<16xi1>, vector<16xi32>
      %broadcast_in_dim3A_2236 = vector.shape_cast %select_n3A_2235 : vector<16xi32> to vector<16x1xi32>
      %gather3A_2237 = vector.shape_cast %broadcast_in_dim3A_2236 : vector<16x1xi32> to vector<16xi32>
      %gather3A_2238 = tpu.dynamic_gather %add3A_2225[%gather3A_2237] in [0] : vector<16xf32>, vector<16xi32> -> vector<16xf32>
      %add3A_2239 = arith.addf %add3A_2225, %gather3A_2238 : vector<16xf32>
      %xor3A_2240 = arith.constant 8 : i32
      %xor3A_2241 = vector.broadcast %xor3A_2240 : i32 to vector<16xi32>
      %xor3A_2242 = arith.xori %iota3A, %xor3A_2241 : vector<16xi32>
      %lt3A_2243 = arith.constant 0 : i32
      %lt3A_2244 = vector.broadcast %lt3A_2243 : i32 to vector<16xi32>
      %lt3A_2245 = arith.cmpi slt, %xor3A_2242, %lt3A_2244 : vector<16xi32>
      %add3A_2246 = arith.constant 16 : i32
      %add3A_2247 = vector.broadcast %add3A_2246 : i32 to vector<16xi32>
      %add3A_2248 = arith.addi %xor3A_2242, %add3A_2247 : vector<16xi32>
      %select_n3A_2249 = arith.select %lt3A_2245, %add3A_2248, %xor3A_2242 : vector<16xi1>, vector<16xi32>
      %broadcast_in_dim3A_2250 = vector.shape_cast %select_n3A_2249 : vector<16xi32> to vector<16x1xi32>
      %gather3A_2251 = vector.shape_cast %broadcast_in_dim3A_2250 : vector<16x1xi32> to vector<16xi32>
      %gather3A_2252 = tpu.dynamic_gather %add3A_2239[%gather3A_2251] in [0] : vector<16xf32>, vector<16xi32> -> vector<16xf32>
      %add3A_2253 = arith.addf %add3A_2239, %gather3A_2252 : vector<16xf32>
      %eq3A_2254 = arith.constant 4 : i32
      %eq3A_2255 = vector.broadcast %eq3A_2254 : i32 to vector<16xi32>
      %eq3A_2256 = arith.cmpi eq, %iota3A, %eq3A_2255 : vector<16xi32>
      %select_n3A_2257 = arith.select %eq3A_2256, %add3A_2253, %select_n3A_2197 : vector<16xi1>, vector<16xf32>
      %xor3A_2258 = arith.constant 1 : i32
      %xor3A_2259 = vector.broadcast %xor3A_2258 : i32 to vector<16xi32>
      %xor3A_2260 = arith.xori %iota3A, %xor3A_2259 : vector<16xi32>
      %lt3A_2261 = arith.constant 0 : i32
      %lt3A_2262 = vector.broadcast %lt3A_2261 : i32 to vector<16xi32>
      %lt3A_2263 = arith.cmpi slt, %xor3A_2260, %lt3A_2262 : vector<16xi32>
      %add3A_2264 = arith.constant 16 : i32
      %add3A_2265 = vector.broadcast %add3A_2264 : i32 to vector<16xi32>
      %add3A_2266 = arith.addi %xor3A_2260, %add3A_2265 : vector<16xi32>
      %select_n3A_2267 = arith.select %lt3A_2263, %add3A_2266, %xor3A_2260 : vector<16xi1>, vector<16xi32>
      %broadcast_in_dim3A_2268 = vector.shape_cast %select_n3A_2267 : vector<16xi32> to vector<16x1xi32>
      %gather3A_2269 = vector.shape_cast %broadcast_in_dim3A_2268 : vector<16x1xi32> to vector<16xi32>
      %gather3A_2270 = tpu.dynamic_gather %scan3A_1956#5[%gather3A_2269] in [0] : vector<16xf32>, vector<16xi32> -> vector<16xf32>
      %add3A_2271 = arith.addf %scan3A_1956#5, %gather3A_2270 : vector<16xf32>
      %xor3A_2272 = arith.constant 2 : i32
      %xor3A_2273 = vector.broadcast %xor3A_2272 : i32 to vector<16xi32>
      %xor3A_2274 = arith.xori %iota3A, %xor3A_2273 : vector<16xi32>
      %lt3A_2275 = arith.constant 0 : i32
      %lt3A_2276 = vector.broadcast %lt3A_2275 : i32 to vector<16xi32>
      %lt3A_2277 = arith.cmpi slt, %xor3A_2274, %lt3A_2276 : vector<16xi32>
      %add3A_2278 = arith.constant 16 : i32
      %add3A_2279 = vector.broadcast %add3A_2278 : i32 to vector<16xi32>
      %add3A_2280 = arith.addi %xor3A_2274, %add3A_2279 : vector<16xi32>
      %select_n3A_2281 = arith.select %lt3A_2277, %add3A_2280, %xor3A_2274 : vector<16xi1>, vector<16xi32>
      %broadcast_in_dim3A_2282 = vector.shape_cast %select_n3A_2281 : vector<16xi32> to vector<16x1xi32>
      %gather3A_2283 = vector.shape_cast %broadcast_in_dim3A_2282 : vector<16x1xi32> to vector<16xi32>
      %gather3A_2284 = tpu.dynamic_gather %add3A_2271[%gather3A_2283] in [0] : vector<16xf32>, vector<16xi32> -> vector<16xf32>
      %add3A_2285 = arith.addf %add3A_2271, %gather3A_2284 : vector<16xf32>
      %xor3A_2286 = arith.constant 4 : i32
      %xor3A_2287 = vector.broadcast %xor3A_2286 : i32 to vector<16xi32>
      %xor3A_2288 = arith.xori %iota3A, %xor3A_2287 : vector<16xi32>
      %lt3A_2289 = arith.constant 0 : i32
      %lt3A_2290 = vector.broadcast %lt3A_2289 : i32 to vector<16xi32>
      %lt3A_2291 = arith.cmpi slt, %xor3A_2288, %lt3A_2290 : vector<16xi32>
      %add3A_2292 = arith.constant 16 : i32
      %add3A_2293 = vector.broadcast %add3A_2292 : i32 to vector<16xi32>
      %add3A_2294 = arith.addi %xor3A_2288, %add3A_2293 : vector<16xi32>
      %select_n3A_2295 = arith.select %lt3A_2291, %add3A_2294, %xor3A_2288 : vector<16xi1>, vector<16xi32>
      %broadcast_in_dim3A_2296 = vector.shape_cast %select_n3A_2295 : vector<16xi32> to vector<16x1xi32>
      %gather3A_2297 = vector.shape_cast %broadcast_in_dim3A_2296 : vector<16x1xi32> to vector<16xi32>
      %gather3A_2298 = tpu.dynamic_gather %add3A_2285[%gather3A_2297] in [0] : vector<16xf32>, vector<16xi32> -> vector<16xf32>
      %add3A_2299 = arith.addf %add3A_2285, %gather3A_2298 : vector<16xf32>
      %xor3A_2300 = arith.constant 8 : i32
      %xor3A_2301 = vector.broadcast %xor3A_2300 : i32 to vector<16xi32>
      %xor3A_2302 = arith.xori %iota3A, %xor3A_2301 : vector<16xi32>
      %lt3A_2303 = arith.constant 0 : i32
      %lt3A_2304 = vector.broadcast %lt3A_2303 : i32 to vector<16xi32>
      %lt3A_2305 = arith.cmpi slt, %xor3A_2302, %lt3A_2304 : vector<16xi32>
      %add3A_2306 = arith.constant 16 : i32
      %add3A_2307 = vector.broadcast %add3A_2306 : i32 to vector<16xi32>
      %add3A_2308 = arith.addi %xor3A_2302, %add3A_2307 : vector<16xi32>
      %select_n3A_2309 = arith.select %lt3A_2305, %add3A_2308, %xor3A_2302 : vector<16xi1>, vector<16xi32>
      %broadcast_in_dim3A_2310 = vector.shape_cast %select_n3A_2309 : vector<16xi32> to vector<16x1xi32>
      %gather3A_2311 = vector.shape_cast %broadcast_in_dim3A_2310 : vector<16x1xi32> to vector<16xi32>
      %gather3A_2312 = tpu.dynamic_gather %add3A_2299[%gather3A_2311] in [0] : vector<16xf32>, vector<16xi32> -> vector<16xf32>
      %add3A_2313 = arith.addf %add3A_2299, %gather3A_2312 : vector<16xf32>
      %eq3A_2314 = arith.constant 5 : i32
      %eq3A_2315 = vector.broadcast %eq3A_2314 : i32 to vector<16xi32>
      %eq3A_2316 = arith.cmpi eq, %iota3A, %eq3A_2315 : vector<16xi32>
      %select_n3A_2317 = arith.select %eq3A_2316, %add3A_2313, %select_n3A_2257 : vector<16xi1>, vector<16xf32>
      %xor3A_2318 = arith.constant 1 : i32
      %xor3A_2319 = vector.broadcast %xor3A_2318 : i32 to vector<16xi32>
      %xor3A_2320 = arith.xori %iota3A, %xor3A_2319 : vector<16xi32>
      %lt3A_2321 = arith.constant 0 : i32
      %lt3A_2322 = vector.broadcast %lt3A_2321 : i32 to vector<16xi32>
      %lt3A_2323 = arith.cmpi slt, %xor3A_2320, %lt3A_2322 : vector<16xi32>
      %add3A_2324 = arith.constant 16 : i32
      %add3A_2325 = vector.broadcast %add3A_2324 : i32 to vector<16xi32>
      %add3A_2326 = arith.addi %xor3A_2320, %add3A_2325 : vector<16xi32>
      %select_n3A_2327 = arith.select %lt3A_2323, %add3A_2326, %xor3A_2320 : vector<16xi1>, vector<16xi32>
      %broadcast_in_dim3A_2328 = vector.shape_cast %select_n3A_2327 : vector<16xi32> to vector<16x1xi32>
      %gather3A_2329 = vector.shape_cast %broadcast_in_dim3A_2328 : vector<16x1xi32> to vector<16xi32>
      %gather3A_2330 = tpu.dynamic_gather %scan3A_1956#6[%gather3A_2329] in [0] : vector<16xf32>, vector<16xi32> -> vector<16xf32>
      %add3A_2331 = arith.addf %scan3A_1956#6, %gather3A_2330 : vector<16xf32>
      %xor3A_2332 = arith.constant 2 : i32
      %xor3A_2333 = vector.broadcast %xor3A_2332 : i32 to vector<16xi32>
      %xor3A_2334 = arith.xori %iota3A, %xor3A_2333 : vector<16xi32>
      %lt3A_2335 = arith.constant 0 : i32
      %lt3A_2336 = vector.broadcast %lt3A_2335 : i32 to vector<16xi32>
      %lt3A_2337 = arith.cmpi slt, %xor3A_2334, %lt3A_2336 : vector<16xi32>
      %add3A_2338 = arith.constant 16 : i32
      %add3A_2339 = vector.broadcast %add3A_2338 : i32 to vector<16xi32>
      %add3A_2340 = arith.addi %xor3A_2334, %add3A_2339 : vector<16xi32>
      %select_n3A_2341 = arith.select %lt3A_2337, %add3A_2340, %xor3A_2334 : vector<16xi1>, vector<16xi32>
      %broadcast_in_dim3A_2342 = vector.shape_cast %select_n3A_2341 : vector<16xi32> to vector<16x1xi32>
      %gather3A_2343 = vector.shape_cast %broadcast_in_dim3A_2342 : vector<16x1xi32> to vector<16xi32>
      %gather3A_2344 = tpu.dynamic_gather %add3A_2331[%gather3A_2343] in [0] : vector<16xf32>, vector<16xi32> -> vector<16xf32>
      %add3A_2345 = arith.addf %add3A_2331, %gather3A_2344 : vector<16xf32>
      %xor3A_2346 = arith.constant 4 : i32
      %xor3A_2347 = vector.broadcast %xor3A_2346 : i32 to vector<16xi32>
      %xor3A_2348 = arith.xori %iota3A, %xor3A_2347 : vector<16xi32>
      %lt3A_2349 = arith.constant 0 : i32
      %lt3A_2350 = vector.broadcast %lt3A_2349 : i32 to vector<16xi32>
      %lt3A_2351 = arith.cmpi slt, %xor3A_2348, %lt3A_2350 : vector<16xi32>
      %add3A_2352 = arith.constant 16 : i32
      %add3A_2353 = vector.broadcast %add3A_2352 : i32 to vector<16xi32>
      %add3A_2354 = arith.addi %xor3A_2348, %add3A_2353 : vector<16xi32>
      %select_n3A_2355 = arith.select %lt3A_2351, %add3A_2354, %xor3A_2348 : vector<16xi1>, vector<16xi32>
      %broadcast_in_dim3A_2356 = vector.shape_cast %select_n3A_2355 : vector<16xi32> to vector<16x1xi32>
      %gather3A_2357 = vector.shape_cast %broadcast_in_dim3A_2356 : vector<16x1xi32> to vector<16xi32>
      %gather3A_2358 = tpu.dynamic_gather %add3A_2345[%gather3A_2357] in [0] : vector<16xf32>, vector<16xi32> -> vector<16xf32>
      %add3A_2359 = arith.addf %add3A_2345, %gather3A_2358 : vector<16xf32>
      %xor3A_2360 = arith.constant 8 : i32
      %xor3A_2361 = vector.broadcast %xor3A_2360 : i32 to vector<16xi32>
      %xor3A_2362 = arith.xori %iota3A, %xor3A_2361 : vector<16xi32>
      %lt3A_2363 = arith.constant 0 : i32
      %lt3A_2364 = vector.broadcast %lt3A_2363 : i32 to vector<16xi32>
      %lt3A_2365 = arith.cmpi slt, %xor3A_2362, %lt3A_2364 : vector<16xi32>
      %add3A_2366 = arith.constant 16 : i32
      %add3A_2367 = vector.broadcast %add3A_2366 : i32 to vector<16xi32>
      %add3A_2368 = arith.addi %xor3A_2362, %add3A_2367 : vector<16xi32>
      %select_n3A_2369 = arith.select %lt3A_2365, %add3A_2368, %xor3A_2362 : vector<16xi1>, vector<16xi32>
      %broadcast_in_dim3A_2370 = vector.shape_cast %select_n3A_2369 : vector<16xi32> to vector<16x1xi32>
      %gather3A_2371 = vector.shape_cast %broadcast_in_dim3A_2370 : vector<16x1xi32> to vector<16xi32>
      %gather3A_2372 = tpu.dynamic_gather %add3A_2359[%gather3A_2371] in [0] : vector<16xf32>, vector<16xi32> -> vector<16xf32>
      %add3A_2373 = arith.addf %add3A_2359, %gather3A_2372 : vector<16xf32>
      %eq3A_2374 = arith.constant 6 : i32
      %eq3A_2375 = vector.broadcast %eq3A_2374 : i32 to vector<16xi32>
      %eq3A_2376 = arith.cmpi eq, %iota3A, %eq3A_2375 : vector<16xi32>
      %select_n3A_2377 = arith.select %eq3A_2376, %add3A_2373, %select_n3A_2317 : vector<16xi1>, vector<16xf32>
      %xor3A_2378 = arith.constant 1 : i32
      %xor3A_2379 = vector.broadcast %xor3A_2378 : i32 to vector<16xi32>
      %xor3A_2380 = arith.xori %iota3A, %xor3A_2379 : vector<16xi32>
      %lt3A_2381 = arith.constant 0 : i32
      %lt3A_2382 = vector.broadcast %lt3A_2381 : i32 to vector<16xi32>
      %lt3A_2383 = arith.cmpi slt, %xor3A_2380, %lt3A_2382 : vector<16xi32>
      %add3A_2384 = arith.constant 16 : i32
      %add3A_2385 = vector.broadcast %add3A_2384 : i32 to vector<16xi32>
      %add3A_2386 = arith.addi %xor3A_2380, %add3A_2385 : vector<16xi32>
      %select_n3A_2387 = arith.select %lt3A_2383, %add3A_2386, %xor3A_2380 : vector<16xi1>, vector<16xi32>
      %broadcast_in_dim3A_2388 = vector.shape_cast %select_n3A_2387 : vector<16xi32> to vector<16x1xi32>
      %gather3A_2389 = vector.shape_cast %broadcast_in_dim3A_2388 : vector<16x1xi32> to vector<16xi32>
      %gather3A_2390 = tpu.dynamic_gather %scan3A_1956#7[%gather3A_2389] in [0] : vector<16xf32>, vector<16xi32> -> vector<16xf32>
      %add3A_2391 = arith.addf %scan3A_1956#7, %gather3A_2390 : vector<16xf32>
      %xor3A_2392 = arith.constant 2 : i32
      %xor3A_2393 = vector.broadcast %xor3A_2392 : i32 to vector<16xi32>
      %xor3A_2394 = arith.xori %iota3A, %xor3A_2393 : vector<16xi32>
      %lt3A_2395 = arith.constant 0 : i32
      %lt3A_2396 = vector.broadcast %lt3A_2395 : i32 to vector<16xi32>
      %lt3A_2397 = arith.cmpi slt, %xor3A_2394, %lt3A_2396 : vector<16xi32>
      %add3A_2398 = arith.constant 16 : i32
      %add3A_2399 = vector.broadcast %add3A_2398 : i32 to vector<16xi32>
      %add3A_2400 = arith.addi %xor3A_2394, %add3A_2399 : vector<16xi32>
      %select_n3A_2401 = arith.select %lt3A_2397, %add3A_2400, %xor3A_2394 : vector<16xi1>, vector<16xi32>
      %broadcast_in_dim3A_2402 = vector.shape_cast %select_n3A_2401 : vector<16xi32> to vector<16x1xi32>
      %gather3A_2403 = vector.shape_cast %broadcast_in_dim3A_2402 : vector<16x1xi32> to vector<16xi32>
      %gather3A_2404 = tpu.dynamic_gather %add3A_2391[%gather3A_2403] in [0] : vector<16xf32>, vector<16xi32> -> vector<16xf32>
      %add3A_2405 = arith.addf %add3A_2391, %gather3A_2404 : vector<16xf32>
      %xor3A_2406 = arith.constant 4 : i32
      %xor3A_2407 = vector.broadcast %xor3A_2406 : i32 to vector<16xi32>
      %xor3A_2408 = arith.xori %iota3A, %xor3A_2407 : vector<16xi32>
      %lt3A_2409 = arith.constant 0 : i32
      %lt3A_2410 = vector.broadcast %lt3A_2409 : i32 to vector<16xi32>
      %lt3A_2411 = arith.cmpi slt, %xor3A_2408, %lt3A_2410 : vector<16xi32>
      %add3A_2412 = arith.constant 16 : i32
      %add3A_2413 = vector.broadcast %add3A_2412 : i32 to vector<16xi32>
      %add3A_2414 = arith.addi %xor3A_2408, %add3A_2413 : vector<16xi32>
      %select_n3A_2415 = arith.select %lt3A_2411, %add3A_2414, %xor3A_2408 : vector<16xi1>, vector<16xi32>
      %broadcast_in_dim3A_2416 = vector.shape_cast %select_n3A_2415 : vector<16xi32> to vector<16x1xi32>
      %gather3A_2417 = vector.shape_cast %broadcast_in_dim3A_2416 : vector<16x1xi32> to vector<16xi32>
      %gather3A_2418 = tpu.dynamic_gather %add3A_2405[%gather3A_2417] in [0] : vector<16xf32>, vector<16xi32> -> vector<16xf32>
      %add3A_2419 = arith.addf %add3A_2405, %gather3A_2418 : vector<16xf32>
      %xor3A_2420 = arith.constant 8 : i32
      %xor3A_2421 = vector.broadcast %xor3A_2420 : i32 to vector<16xi32>
      %xor3A_2422 = arith.xori %iota3A, %xor3A_2421 : vector<16xi32>
      %lt3A_2423 = arith.constant 0 : i32
      %lt3A_2424 = vector.broadcast %lt3A_2423 : i32 to vector<16xi32>
      %lt3A_2425 = arith.cmpi slt, %xor3A_2422, %lt3A_2424 : vector<16xi32>
      %add3A_2426 = arith.constant 16 : i32
      %add3A_2427 = vector.broadcast %add3A_2426 : i32 to vector<16xi32>
      %add3A_2428 = arith.addi %xor3A_2422, %add3A_2427 : vector<16xi32>
      %select_n3A_2429 = arith.select %lt3A_2425, %add3A_2428, %xor3A_2422 : vector<16xi1>, vector<16xi32>
      %broadcast_in_dim3A_2430 = vector.shape_cast %select_n3A_2429 : vector<16xi32> to vector<16x1xi32>
      %gather3A_2431 = vector.shape_cast %broadcast_in_dim3A_2430 : vector<16x1xi32> to vector<16xi32>
      %gather3A_2432 = tpu.dynamic_gather %add3A_2419[%gather3A_2431] in [0] : vector<16xf32>, vector<16xi32> -> vector<16xf32>
      %add3A_2433 = arith.addf %add3A_2419, %gather3A_2432 : vector<16xf32>
      %eq3A_2434 = arith.constant 7 : i32
      %eq3A_2435 = vector.broadcast %eq3A_2434 : i32 to vector<16xi32>
      %eq3A_2436 = arith.cmpi eq, %iota3A, %eq3A_2435 : vector<16xi32>
      %select_n3A_2437 = arith.select %eq3A_2436, %add3A_2433, %select_n3A_2377 : vector<16xi1>, vector<16xf32>
      %xor3A_2438 = arith.constant 1 : i32
      %xor3A_2439 = vector.broadcast %xor3A_2438 : i32 to vector<16xi32>
      %xor3A_2440 = arith.xori %iota3A, %xor3A_2439 : vector<16xi32>
      %lt3A_2441 = arith.constant 0 : i32
      %lt3A_2442 = vector.broadcast %lt3A_2441 : i32 to vector<16xi32>
      %lt3A_2443 = arith.cmpi slt, %xor3A_2440, %lt3A_2442 : vector<16xi32>
      %add3A_2444 = arith.constant 16 : i32
      %add3A_2445 = vector.broadcast %add3A_2444 : i32 to vector<16xi32>
      %add3A_2446 = arith.addi %xor3A_2440, %add3A_2445 : vector<16xi32>
      %select_n3A_2447 = arith.select %lt3A_2443, %add3A_2446, %xor3A_2440 : vector<16xi1>, vector<16xi32>
      %broadcast_in_dim3A_2448 = vector.shape_cast %select_n3A_2447 : vector<16xi32> to vector<16x1xi32>
      %gather3A_2449 = vector.shape_cast %broadcast_in_dim3A_2448 : vector<16x1xi32> to vector<16xi32>
      %gather3A_2450 = tpu.dynamic_gather %scan3A_1956#8[%gather3A_2449] in [0] : vector<16xf32>, vector<16xi32> -> vector<16xf32>
      %add3A_2451 = arith.addf %scan3A_1956#8, %gather3A_2450 : vector<16xf32>
      %xor3A_2452 = arith.constant 2 : i32
      %xor3A_2453 = vector.broadcast %xor3A_2452 : i32 to vector<16xi32>
      %xor3A_2454 = arith.xori %iota3A, %xor3A_2453 : vector<16xi32>
      %lt3A_2455 = arith.constant 0 : i32
      %lt3A_2456 = vector.broadcast %lt3A_2455 : i32 to vector<16xi32>
      %lt3A_2457 = arith.cmpi slt, %xor3A_2454, %lt3A_2456 : vector<16xi32>
      %add3A_2458 = arith.constant 16 : i32
      %add3A_2459 = vector.broadcast %add3A_2458 : i32 to vector<16xi32>
      %add3A_2460 = arith.addi %xor3A_2454, %add3A_2459 : vector<16xi32>
      %select_n3A_2461 = arith.select %lt3A_2457, %add3A_2460, %xor3A_2454 : vector<16xi1>, vector<16xi32>
      %broadcast_in_dim3A_2462 = vector.shape_cast %select_n3A_2461 : vector<16xi32> to vector<16x1xi32>
      %gather3A_2463 = vector.shape_cast %broadcast_in_dim3A_2462 : vector<16x1xi32> to vector<16xi32>
      %gather3A_2464 = tpu.dynamic_gather %add3A_2451[%gather3A_2463] in [0] : vector<16xf32>, vector<16xi32> -> vector<16xf32>
      %add3A_2465 = arith.addf %add3A_2451, %gather3A_2464 : vector<16xf32>
      %xor3A_2466 = arith.constant 4 : i32
      %xor3A_2467 = vector.broadcast %xor3A_2466 : i32 to vector<16xi32>
      %xor3A_2468 = arith.xori %iota3A, %xor3A_2467 : vector<16xi32>
      %lt3A_2469 = arith.constant 0 : i32
      %lt3A_2470 = vector.broadcast %lt3A_2469 : i32 to vector<16xi32>
      %lt3A_2471 = arith.cmpi slt, %xor3A_2468, %lt3A_2470 : vector<16xi32>
      %add3A_2472 = arith.constant 16 : i32
      %add3A_2473 = vector.broadcast %add3A_2472 : i32 to vector<16xi32>
      %add3A_2474 = arith.addi %xor3A_2468, %add3A_2473 : vector<16xi32>
      %select_n3A_2475 = arith.select %lt3A_2471, %add3A_2474, %xor3A_2468 : vector<16xi1>, vector<16xi32>
      %broadcast_in_dim3A_2476 = vector.shape_cast %select_n3A_2475 : vector<16xi32> to vector<16x1xi32>
      %gather3A_2477 = vector.shape_cast %broadcast_in_dim3A_2476 : vector<16x1xi32> to vector<16xi32>
      %gather3A_2478 = tpu.dynamic_gather %add3A_2465[%gather3A_2477] in [0] : vector<16xf32>, vector<16xi32> -> vector<16xf32>
      %add3A_2479 = arith.addf %add3A_2465, %gather3A_2478 : vector<16xf32>
      %xor3A_2480 = arith.constant 8 : i32
      %xor3A_2481 = vector.broadcast %xor3A_2480 : i32 to vector<16xi32>
      %xor3A_2482 = arith.xori %iota3A, %xor3A_2481 : vector<16xi32>
      %lt3A_2483 = arith.constant 0 : i32
      %lt3A_2484 = vector.broadcast %lt3A_2483 : i32 to vector<16xi32>
      %lt3A_2485 = arith.cmpi slt, %xor3A_2482, %lt3A_2484 : vector<16xi32>
      %add3A_2486 = arith.constant 16 : i32
      %add3A_2487 = vector.broadcast %add3A_2486 : i32 to vector<16xi32>
      %add3A_2488 = arith.addi %xor3A_2482, %add3A_2487 : vector<16xi32>
      %select_n3A_2489 = arith.select %lt3A_2485, %add3A_2488, %xor3A_2482 : vector<16xi1>, vector<16xi32>
      %broadcast_in_dim3A_2490 = vector.shape_cast %select_n3A_2489 : vector<16xi32> to vector<16x1xi32>
      %gather3A_2491 = vector.shape_cast %broadcast_in_dim3A_2490 : vector<16x1xi32> to vector<16xi32>
      %gather3A_2492 = tpu.dynamic_gather %add3A_2479[%gather3A_2491] in [0] : vector<16xf32>, vector<16xi32> -> vector<16xf32>
      %add3A_2493 = arith.addf %add3A_2479, %gather3A_2492 : vector<16xf32>
      %eq3A_2494 = arith.constant 8 : i32
      %eq3A_2495 = vector.broadcast %eq3A_2494 : i32 to vector<16xi32>
      %eq3A_2496 = arith.cmpi eq, %iota3A, %eq3A_2495 : vector<16xi32>
      %select_n3A_2497 = arith.select %eq3A_2496, %add3A_2493, %select_n3A_2437 : vector<16xi1>, vector<16xf32>
      %xor3A_2498 = arith.constant 1 : i32
      %xor3A_2499 = vector.broadcast %xor3A_2498 : i32 to vector<16xi32>
      %xor3A_2500 = arith.xori %iota3A, %xor3A_2499 : vector<16xi32>
      %lt3A_2501 = arith.constant 0 : i32
      %lt3A_2502 = vector.broadcast %lt3A_2501 : i32 to vector<16xi32>
      %lt3A_2503 = arith.cmpi slt, %xor3A_2500, %lt3A_2502 : vector<16xi32>
      %add3A_2504 = arith.constant 16 : i32
      %add3A_2505 = vector.broadcast %add3A_2504 : i32 to vector<16xi32>
      %add3A_2506 = arith.addi %xor3A_2500, %add3A_2505 : vector<16xi32>
      %select_n3A_2507 = arith.select %lt3A_2503, %add3A_2506, %xor3A_2500 : vector<16xi1>, vector<16xi32>
      %broadcast_in_dim3A_2508 = vector.shape_cast %select_n3A_2507 : vector<16xi32> to vector<16x1xi32>
      %gather3A_2509 = vector.shape_cast %broadcast_in_dim3A_2508 : vector<16x1xi32> to vector<16xi32>
      %gather3A_2510 = tpu.dynamic_gather %scan3A_1956#9[%gather3A_2509] in [0] : vector<16xf32>, vector<16xi32> -> vector<16xf32>
      %add3A_2511 = arith.addf %scan3A_1956#9, %gather3A_2510 : vector<16xf32>
      %xor3A_2512 = arith.constant 2 : i32
      %xor3A_2513 = vector.broadcast %xor3A_2512 : i32 to vector<16xi32>
      %xor3A_2514 = arith.xori %iota3A, %xor3A_2513 : vector<16xi32>
      %lt3A_2515 = arith.constant 0 : i32
      %lt3A_2516 = vector.broadcast %lt3A_2515 : i32 to vector<16xi32>
      %lt3A_2517 = arith.cmpi slt, %xor3A_2514, %lt3A_2516 : vector<16xi32>
      %add3A_2518 = arith.constant 16 : i32
      %add3A_2519 = vector.broadcast %add3A_2518 : i32 to vector<16xi32>
      %add3A_2520 = arith.addi %xor3A_2514, %add3A_2519 : vector<16xi32>
      %select_n3A_2521 = arith.select %lt3A_2517, %add3A_2520, %xor3A_2514 : vector<16xi1>, vector<16xi32>
      %broadcast_in_dim3A_2522 = vector.shape_cast %select_n3A_2521 : vector<16xi32> to vector<16x1xi32>
      %gather3A_2523 = vector.shape_cast %broadcast_in_dim3A_2522 : vector<16x1xi32> to vector<16xi32>
      %gather3A_2524 = tpu.dynamic_gather %add3A_2511[%gather3A_2523] in [0] : vector<16xf32>, vector<16xi32> -> vector<16xf32>
      %add3A_2525 = arith.addf %add3A_2511, %gather3A_2524 : vector<16xf32>
      %xor3A_2526 = arith.constant 4 : i32
      %xor3A_2527 = vector.broadcast %xor3A_2526 : i32 to vector<16xi32>
      %xor3A_2528 = arith.xori %iota3A, %xor3A_2527 : vector<16xi32>
      %lt3A_2529 = arith.constant 0 : i32
      %lt3A_2530 = vector.broadcast %lt3A_2529 : i32 to vector<16xi32>
      %lt3A_2531 = arith.cmpi slt, %xor3A_2528, %lt3A_2530 : vector<16xi32>
      %add3A_2532 = arith.constant 16 : i32
      %add3A_2533 = vector.broadcast %add3A_2532 : i32 to vector<16xi32>
      %add3A_2534 = arith.addi %xor3A_2528, %add3A_2533 : vector<16xi32>
      %select_n3A_2535 = arith.select %lt3A_2531, %add3A_2534, %xor3A_2528 : vector<16xi1>, vector<16xi32>
      %broadcast_in_dim3A_2536 = vector.shape_cast %select_n3A_2535 : vector<16xi32> to vector<16x1xi32>
      %gather3A_2537 = vector.shape_cast %broadcast_in_dim3A_2536 : vector<16x1xi32> to vector<16xi32>
      %gather3A_2538 = tpu.dynamic_gather %add3A_2525[%gather3A_2537] in [0] : vector<16xf32>, vector<16xi32> -> vector<16xf32>
      %add3A_2539 = arith.addf %add3A_2525, %gather3A_2538 : vector<16xf32>
      %xor3A_2540 = arith.constant 8 : i32
      %xor3A_2541 = vector.broadcast %xor3A_2540 : i32 to vector<16xi32>
      %xor3A_2542 = arith.xori %iota3A, %xor3A_2541 : vector<16xi32>
      %lt3A_2543 = arith.constant 0 : i32
      %lt3A_2544 = vector.broadcast %lt3A_2543 : i32 to vector<16xi32>
      %lt3A_2545 = arith.cmpi slt, %xor3A_2542, %lt3A_2544 : vector<16xi32>
      %add3A_2546 = arith.constant 16 : i32
      %add3A_2547 = vector.broadcast %add3A_2546 : i32 to vector<16xi32>
      %add3A_2548 = arith.addi %xor3A_2542, %add3A_2547 : vector<16xi32>
      %select_n3A_2549 = arith.select %lt3A_2545, %add3A_2548, %xor3A_2542 : vector<16xi1>, vector<16xi32>
      %broadcast_in_dim3A_2550 = vector.shape_cast %select_n3A_2549 : vector<16xi32> to vector<16x1xi32>
      %gather3A_2551 = vector.shape_cast %broadcast_in_dim3A_2550 : vector<16x1xi32> to vector<16xi32>
      %gather3A_2552 = tpu.dynamic_gather %add3A_2539[%gather3A_2551] in [0] : vector<16xf32>, vector<16xi32> -> vector<16xf32>
      %add3A_2553 = arith.addf %add3A_2539, %gather3A_2552 : vector<16xf32>
      %eq3A_2554 = arith.constant 9 : i32
      %eq3A_2555 = vector.broadcast %eq3A_2554 : i32 to vector<16xi32>
      %eq3A_2556 = arith.cmpi eq, %iota3A, %eq3A_2555 : vector<16xi32>
      %select_n3A_2557 = arith.select %eq3A_2556, %add3A_2553, %select_n3A_2497 : vector<16xi1>, vector<16xf32>
      %xor3A_2558 = arith.constant 1 : i32
      %xor3A_2559 = vector.broadcast %xor3A_2558 : i32 to vector<16xi32>
      %xor3A_2560 = arith.xori %iota3A, %xor3A_2559 : vector<16xi32>
      %lt3A_2561 = arith.constant 0 : i32
      %lt3A_2562 = vector.broadcast %lt3A_2561 : i32 to vector<16xi32>
      %lt3A_2563 = arith.cmpi slt, %xor3A_2560, %lt3A_2562 : vector<16xi32>
      %add3A_2564 = arith.constant 16 : i32
      %add3A_2565 = vector.broadcast %add3A_2564 : i32 to vector<16xi32>
      %add3A_2566 = arith.addi %xor3A_2560, %add3A_2565 : vector<16xi32>
      %select_n3A_2567 = arith.select %lt3A_2563, %add3A_2566, %xor3A_2560 : vector<16xi1>, vector<16xi32>
      %broadcast_in_dim3A_2568 = vector.shape_cast %select_n3A_2567 : vector<16xi32> to vector<16x1xi32>
      %gather3A_2569 = vector.shape_cast %broadcast_in_dim3A_2568 : vector<16x1xi32> to vector<16xi32>
      %gather3A_2570 = tpu.dynamic_gather %scan3A_1956#10[%gather3A_2569] in [0] : vector<16xf32>, vector<16xi32> -> vector<16xf32>
      %add3A_2571 = arith.addf %scan3A_1956#10, %gather3A_2570 : vector<16xf32>
      %xor3A_2572 = arith.constant 2 : i32
      %xor3A_2573 = vector.broadcast %xor3A_2572 : i32 to vector<16xi32>
      %xor3A_2574 = arith.xori %iota3A, %xor3A_2573 : vector<16xi32>
      %lt3A_2575 = arith.constant 0 : i32
      %lt3A_2576 = vector.broadcast %lt3A_2575 : i32 to vector<16xi32>
      %lt3A_2577 = arith.cmpi slt, %xor3A_2574, %lt3A_2576 : vector<16xi32>
      %add3A_2578 = arith.constant 16 : i32
      %add3A_2579 = vector.broadcast %add3A_2578 : i32 to vector<16xi32>
      %add3A_2580 = arith.addi %xor3A_2574, %add3A_2579 : vector<16xi32>
      %select_n3A_2581 = arith.select %lt3A_2577, %add3A_2580, %xor3A_2574 : vector<16xi1>, vector<16xi32>
      %broadcast_in_dim3A_2582 = vector.shape_cast %select_n3A_2581 : vector<16xi32> to vector<16x1xi32>
      %gather3A_2583 = vector.shape_cast %broadcast_in_dim3A_2582 : vector<16x1xi32> to vector<16xi32>
      %gather3A_2584 = tpu.dynamic_gather %add3A_2571[%gather3A_2583] in [0] : vector<16xf32>, vector<16xi32> -> vector<16xf32>
      %add3A_2585 = arith.addf %add3A_2571, %gather3A_2584 : vector<16xf32>
      %xor3A_2586 = arith.constant 4 : i32
      %xor3A_2587 = vector.broadcast %xor3A_2586 : i32 to vector<16xi32>
      %xor3A_2588 = arith.xori %iota3A, %xor3A_2587 : vector<16xi32>
      %lt3A_2589 = arith.constant 0 : i32
      %lt3A_2590 = vector.broadcast %lt3A_2589 : i32 to vector<16xi32>
      %lt3A_2591 = arith.cmpi slt, %xor3A_2588, %lt3A_2590 : vector<16xi32>
      %add3A_2592 = arith.constant 16 : i32
      %add3A_2593 = vector.broadcast %add3A_2592 : i32 to vector<16xi32>
      %add3A_2594 = arith.addi %xor3A_2588, %add3A_2593 : vector<16xi32>
      %select_n3A_2595 = arith.select %lt3A_2591, %add3A_2594, %xor3A_2588 : vector<16xi1>, vector<16xi32>
      %broadcast_in_dim3A_2596 = vector.shape_cast %select_n3A_2595 : vector<16xi32> to vector<16x1xi32>
      %gather3A_2597 = vector.shape_cast %broadcast_in_dim3A_2596 : vector<16x1xi32> to vector<16xi32>
      %gather3A_2598 = tpu.dynamic_gather %add3A_2585[%gather3A_2597] in [0] : vector<16xf32>, vector<16xi32> -> vector<16xf32>
      %add3A_2599 = arith.addf %add3A_2585, %gather3A_2598 : vector<16xf32>
      %xor3A_2600 = arith.constant 8 : i32
      %xor3A_2601 = vector.broadcast %xor3A_2600 : i32 to vector<16xi32>
      %xor3A_2602 = arith.xori %iota3A, %xor3A_2601 : vector<16xi32>
      %lt3A_2603 = arith.constant 0 : i32
      %lt3A_2604 = vector.broadcast %lt3A_2603 : i32 to vector<16xi32>
      %lt3A_2605 = arith.cmpi slt, %xor3A_2602, %lt3A_2604 : vector<16xi32>
      %add3A_2606 = arith.constant 16 : i32
      %add3A_2607 = vector.broadcast %add3A_2606 : i32 to vector<16xi32>
      %add3A_2608 = arith.addi %xor3A_2602, %add3A_2607 : vector<16xi32>
      %select_n3A_2609 = arith.select %lt3A_2605, %add3A_2608, %xor3A_2602 : vector<16xi1>, vector<16xi32>
      %broadcast_in_dim3A_2610 = vector.shape_cast %select_n3A_2609 : vector<16xi32> to vector<16x1xi32>
      %gather3A_2611 = vector.shape_cast %broadcast_in_dim3A_2610 : vector<16x1xi32> to vector<16xi32>
      %gather3A_2612 = tpu.dynamic_gather %add3A_2599[%gather3A_2611] in [0] : vector<16xf32>, vector<16xi32> -> vector<16xf32>
      %add3A_2613 = arith.addf %add3A_2599, %gather3A_2612 : vector<16xf32>
      %eq3A_2614 = arith.constant 10 : i32
      %eq3A_2615 = vector.broadcast %eq3A_2614 : i32 to vector<16xi32>
      %eq3A_2616 = arith.cmpi eq, %iota3A, %eq3A_2615 : vector<16xi32>
      %select_n3A_2617 = arith.select %eq3A_2616, %add3A_2613, %select_n3A_2557 : vector<16xi1>, vector<16xf32>
      %xor3A_2618 = arith.constant 1 : i32
      %xor3A_2619 = vector.broadcast %xor3A_2618 : i32 to vector<16xi32>
      %xor3A_2620 = arith.xori %iota3A, %xor3A_2619 : vector<16xi32>
      %lt3A_2621 = arith.constant 0 : i32
      %lt3A_2622 = vector.broadcast %lt3A_2621 : i32 to vector<16xi32>
      %lt3A_2623 = arith.cmpi slt, %xor3A_2620, %lt3A_2622 : vector<16xi32>
      %add3A_2624 = arith.constant 16 : i32
      %add3A_2625 = vector.broadcast %add3A_2624 : i32 to vector<16xi32>
      %add3A_2626 = arith.addi %xor3A_2620, %add3A_2625 : vector<16xi32>
      %select_n3A_2627 = arith.select %lt3A_2623, %add3A_2626, %xor3A_2620 : vector<16xi1>, vector<16xi32>
      %broadcast_in_dim3A_2628 = vector.shape_cast %select_n3A_2627 : vector<16xi32> to vector<16x1xi32>
      %gather3A_2629 = vector.shape_cast %broadcast_in_dim3A_2628 : vector<16x1xi32> to vector<16xi32>
      %gather3A_2630 = tpu.dynamic_gather %scan3A_1956#11[%gather3A_2629] in [0] : vector<16xf32>, vector<16xi32> -> vector<16xf32>
      %add3A_2631 = arith.addf %scan3A_1956#11, %gather3A_2630 : vector<16xf32>
      %xor3A_2632 = arith.constant 2 : i32
      %xor3A_2633 = vector.broadcast %xor3A_2632 : i32 to vector<16xi32>
      %xor3A_2634 = arith.xori %iota3A, %xor3A_2633 : vector<16xi32>
      %lt3A_2635 = arith.constant 0 : i32
      %lt3A_2636 = vector.broadcast %lt3A_2635 : i32 to vector<16xi32>
      %lt3A_2637 = arith.cmpi slt, %xor3A_2634, %lt3A_2636 : vector<16xi32>
      %add3A_2638 = arith.constant 16 : i32
      %add3A_2639 = vector.broadcast %add3A_2638 : i32 to vector<16xi32>
      %add3A_2640 = arith.addi %xor3A_2634, %add3A_2639 : vector<16xi32>
      %select_n3A_2641 = arith.select %lt3A_2637, %add3A_2640, %xor3A_2634 : vector<16xi1>, vector<16xi32>
      %broadcast_in_dim3A_2642 = vector.shape_cast %select_n3A_2641 : vector<16xi32> to vector<16x1xi32>
      %gather3A_2643 = vector.shape_cast %broadcast_in_dim3A_2642 : vector<16x1xi32> to vector<16xi32>
      %gather3A_2644 = tpu.dynamic_gather %add3A_2631[%gather3A_2643] in [0] : vector<16xf32>, vector<16xi32> -> vector<16xf32>
      %add3A_2645 = arith.addf %add3A_2631, %gather3A_2644 : vector<16xf32>
      %xor3A_2646 = arith.constant 4 : i32
      %xor3A_2647 = vector.broadcast %xor3A_2646 : i32 to vector<16xi32>
      %xor3A_2648 = arith.xori %iota3A, %xor3A_2647 : vector<16xi32>
      %lt3A_2649 = arith.constant 0 : i32
      %lt3A_2650 = vector.broadcast %lt3A_2649 : i32 to vector<16xi32>
      %lt3A_2651 = arith.cmpi slt, %xor3A_2648, %lt3A_2650 : vector<16xi32>
      %add3A_2652 = arith.constant 16 : i32
      %add3A_2653 = vector.broadcast %add3A_2652 : i32 to vector<16xi32>
      %add3A_2654 = arith.addi %xor3A_2648, %add3A_2653 : vector<16xi32>
      %select_n3A_2655 = arith.select %lt3A_2651, %add3A_2654, %xor3A_2648 : vector<16xi1>, vector<16xi32>
      %broadcast_in_dim3A_2656 = vector.shape_cast %select_n3A_2655 : vector<16xi32> to vector<16x1xi32>
      %gather3A_2657 = vector.shape_cast %broadcast_in_dim3A_2656 : vector<16x1xi32> to vector<16xi32>
      %gather3A_2658 = tpu.dynamic_gather %add3A_2645[%gather3A_2657] in [0] : vector<16xf32>, vector<16xi32> -> vector<16xf32>
      %add3A_2659 = arith.addf %add3A_2645, %gather3A_2658 : vector<16xf32>
      %xor3A_2660 = arith.constant 8 : i32
      %xor3A_2661 = vector.broadcast %xor3A_2660 : i32 to vector<16xi32>
      %xor3A_2662 = arith.xori %iota3A, %xor3A_2661 : vector<16xi32>
      %lt3A_2663 = arith.constant 0 : i32
      %lt3A_2664 = vector.broadcast %lt3A_2663 : i32 to vector<16xi32>
      %lt3A_2665 = arith.cmpi slt, %xor3A_2662, %lt3A_2664 : vector<16xi32>
      %add3A_2666 = arith.constant 16 : i32
      %add3A_2667 = vector.broadcast %add3A_2666 : i32 to vector<16xi32>
      %add3A_2668 = arith.addi %xor3A_2662, %add3A_2667 : vector<16xi32>
      %select_n3A_2669 = arith.select %lt3A_2665, %add3A_2668, %xor3A_2662 : vector<16xi1>, vector<16xi32>
      %broadcast_in_dim3A_2670 = vector.shape_cast %select_n3A_2669 : vector<16xi32> to vector<16x1xi32>
      %gather3A_2671 = vector.shape_cast %broadcast_in_dim3A_2670 : vector<16x1xi32> to vector<16xi32>
      %gather3A_2672 = tpu.dynamic_gather %add3A_2659[%gather3A_2671] in [0] : vector<16xf32>, vector<16xi32> -> vector<16xf32>
      %add3A_2673 = arith.addf %add3A_2659, %gather3A_2672 : vector<16xf32>
      %eq3A_2674 = arith.constant 11 : i32
      %eq3A_2675 = vector.broadcast %eq3A_2674 : i32 to vector<16xi32>
      %eq3A_2676 = arith.cmpi eq, %iota3A, %eq3A_2675 : vector<16xi32>
      %select_n3A_2677 = arith.select %eq3A_2676, %add3A_2673, %select_n3A_2617 : vector<16xi1>, vector<16xf32>
      %xor3A_2678 = arith.constant 1 : i32
      %xor3A_2679 = vector.broadcast %xor3A_2678 : i32 to vector<16xi32>
      %xor3A_2680 = arith.xori %iota3A, %xor3A_2679 : vector<16xi32>
      %lt3A_2681 = arith.constant 0 : i32
      %lt3A_2682 = vector.broadcast %lt3A_2681 : i32 to vector<16xi32>
      %lt3A_2683 = arith.cmpi slt, %xor3A_2680, %lt3A_2682 : vector<16xi32>
      %add3A_2684 = arith.constant 16 : i32
      %add3A_2685 = vector.broadcast %add3A_2684 : i32 to vector<16xi32>
      %add3A_2686 = arith.addi %xor3A_2680, %add3A_2685 : vector<16xi32>
      %select_n3A_2687 = arith.select %lt3A_2683, %add3A_2686, %xor3A_2680 : vector<16xi1>, vector<16xi32>
      %broadcast_in_dim3A_2688 = vector.shape_cast %select_n3A_2687 : vector<16xi32> to vector<16x1xi32>
      %gather3A_2689 = vector.shape_cast %broadcast_in_dim3A_2688 : vector<16x1xi32> to vector<16xi32>
      %gather3A_2690 = tpu.dynamic_gather %scan3A_1956#12[%gather3A_2689] in [0] : vector<16xf32>, vector<16xi32> -> vector<16xf32>
      %add3A_2691 = arith.addf %scan3A_1956#12, %gather3A_2690 : vector<16xf32>
      %xor3A_2692 = arith.constant 2 : i32
      %xor3A_2693 = vector.broadcast %xor3A_2692 : i32 to vector<16xi32>
      %xor3A_2694 = arith.xori %iota3A, %xor3A_2693 : vector<16xi32>
      %lt3A_2695 = arith.constant 0 : i32
      %lt3A_2696 = vector.broadcast %lt3A_2695 : i32 to vector<16xi32>
      %lt3A_2697 = arith.cmpi slt, %xor3A_2694, %lt3A_2696 : vector<16xi32>
      %add3A_2698 = arith.constant 16 : i32
      %add3A_2699 = vector.broadcast %add3A_2698 : i32 to vector<16xi32>
      %add3A_2700 = arith.addi %xor3A_2694, %add3A_2699 : vector<16xi32>
      %select_n3A_2701 = arith.select %lt3A_2697, %add3A_2700, %xor3A_2694 : vector<16xi1>, vector<16xi32>
      %broadcast_in_dim3A_2702 = vector.shape_cast %select_n3A_2701 : vector<16xi32> to vector<16x1xi32>
      %gather3A_2703 = vector.shape_cast %broadcast_in_dim3A_2702 : vector<16x1xi32> to vector<16xi32>
      %gather3A_2704 = tpu.dynamic_gather %add3A_2691[%gather3A_2703] in [0] : vector<16xf32>, vector<16xi32> -> vector<16xf32>
      %add3A_2705 = arith.addf %add3A_2691, %gather3A_2704 : vector<16xf32>
      %xor3A_2706 = arith.constant 4 : i32
      %xor3A_2707 = vector.broadcast %xor3A_2706 : i32 to vector<16xi32>
      %xor3A_2708 = arith.xori %iota3A, %xor3A_2707 : vector<16xi32>
      %lt3A_2709 = arith.constant 0 : i32
      %lt3A_2710 = vector.broadcast %lt3A_2709 : i32 to vector<16xi32>
      %lt3A_2711 = arith.cmpi slt, %xor3A_2708, %lt3A_2710 : vector<16xi32>
      %add3A_2712 = arith.constant 16 : i32
      %add3A_2713 = vector.broadcast %add3A_2712 : i32 to vector<16xi32>
      %add3A_2714 = arith.addi %xor3A_2708, %add3A_2713 : vector<16xi32>
      %select_n3A_2715 = arith.select %lt3A_2711, %add3A_2714, %xor3A_2708 : vector<16xi1>, vector<16xi32>
      %broadcast_in_dim3A_2716 = vector.shape_cast %select_n3A_2715 : vector<16xi32> to vector<16x1xi32>
      %gather3A_2717 = vector.shape_cast %broadcast_in_dim3A_2716 : vector<16x1xi32> to vector<16xi32>
      %gather3A_2718 = tpu.dynamic_gather %add3A_2705[%gather3A_2717] in [0] : vector<16xf32>, vector<16xi32> -> vector<16xf32>
      %add3A_2719 = arith.addf %add3A_2705, %gather3A_2718 : vector<16xf32>
      %xor3A_2720 = arith.constant 8 : i32
      %xor3A_2721 = vector.broadcast %xor3A_2720 : i32 to vector<16xi32>
      %xor3A_2722 = arith.xori %iota3A, %xor3A_2721 : vector<16xi32>
      %lt3A_2723 = arith.constant 0 : i32
      %lt3A_2724 = vector.broadcast %lt3A_2723 : i32 to vector<16xi32>
      %lt3A_2725 = arith.cmpi slt, %xor3A_2722, %lt3A_2724 : vector<16xi32>
      %add3A_2726 = arith.constant 16 : i32
      %add3A_2727 = vector.broadcast %add3A_2726 : i32 to vector<16xi32>
      %add3A_2728 = arith.addi %xor3A_2722, %add3A_2727 : vector<16xi32>
      %select_n3A_2729 = arith.select %lt3A_2725, %add3A_2728, %xor3A_2722 : vector<16xi1>, vector<16xi32>
      %broadcast_in_dim3A_2730 = vector.shape_cast %select_n3A_2729 : vector<16xi32> to vector<16x1xi32>
      %gather3A_2731 = vector.shape_cast %broadcast_in_dim3A_2730 : vector<16x1xi32> to vector<16xi32>
      %gather3A_2732 = tpu.dynamic_gather %add3A_2719[%gather3A_2731] in [0] : vector<16xf32>, vector<16xi32> -> vector<16xf32>
      %add3A_2733 = arith.addf %add3A_2719, %gather3A_2732 : vector<16xf32>
      %eq3A_2734 = arith.constant 12 : i32
      %eq3A_2735 = vector.broadcast %eq3A_2734 : i32 to vector<16xi32>
      %eq3A_2736 = arith.cmpi eq, %iota3A, %eq3A_2735 : vector<16xi32>
      %select_n3A_2737 = arith.select %eq3A_2736, %add3A_2733, %select_n3A_2677 : vector<16xi1>, vector<16xf32>
      %xor3A_2738 = arith.constant 1 : i32
      %xor3A_2739 = vector.broadcast %xor3A_2738 : i32 to vector<16xi32>
      %xor3A_2740 = arith.xori %iota3A, %xor3A_2739 : vector<16xi32>
      %lt3A_2741 = arith.constant 0 : i32
      %lt3A_2742 = vector.broadcast %lt3A_2741 : i32 to vector<16xi32>
      %lt3A_2743 = arith.cmpi slt, %xor3A_2740, %lt3A_2742 : vector<16xi32>
      %add3A_2744 = arith.constant 16 : i32
      %add3A_2745 = vector.broadcast %add3A_2744 : i32 to vector<16xi32>
      %add3A_2746 = arith.addi %xor3A_2740, %add3A_2745 : vector<16xi32>
      %select_n3A_2747 = arith.select %lt3A_2743, %add3A_2746, %xor3A_2740 : vector<16xi1>, vector<16xi32>
      %broadcast_in_dim3A_2748 = vector.shape_cast %select_n3A_2747 : vector<16xi32> to vector<16x1xi32>
      %gather3A_2749 = vector.shape_cast %broadcast_in_dim3A_2748 : vector<16x1xi32> to vector<16xi32>
      %gather3A_2750 = tpu.dynamic_gather %scan3A_1956#13[%gather3A_2749] in [0] : vector<16xf32>, vector<16xi32> -> vector<16xf32>
      %add3A_2751 = arith.addf %scan3A_1956#13, %gather3A_2750 : vector<16xf32>
      %xor3A_2752 = arith.constant 2 : i32
      %xor3A_2753 = vector.broadcast %xor3A_2752 : i32 to vector<16xi32>
      %xor3A_2754 = arith.xori %iota3A, %xor3A_2753 : vector<16xi32>
      %lt3A_2755 = arith.constant 0 : i32
      %lt3A_2756 = vector.broadcast %lt3A_2755 : i32 to vector<16xi32>
      %lt3A_2757 = arith.cmpi slt, %xor3A_2754, %lt3A_2756 : vector<16xi32>
      %add3A_2758 = arith.constant 16 : i32
      %add3A_2759 = vector.broadcast %add3A_2758 : i32 to vector<16xi32>
      %add3A_2760 = arith.addi %xor3A_2754, %add3A_2759 : vector<16xi32>
      %select_n3A_2761 = arith.select %lt3A_2757, %add3A_2760, %xor3A_2754 : vector<16xi1>, vector<16xi32>
      %broadcast_in_dim3A_2762 = vector.shape_cast %select_n3A_2761 : vector<16xi32> to vector<16x1xi32>
      %gather3A_2763 = vector.shape_cast %broadcast_in_dim3A_2762 : vector<16x1xi32> to vector<16xi32>
      %gather3A_2764 = tpu.dynamic_gather %add3A_2751[%gather3A_2763] in [0] : vector<16xf32>, vector<16xi32> -> vector<16xf32>
      %add3A_2765 = arith.addf %add3A_2751, %gather3A_2764 : vector<16xf32>
      %xor3A_2766 = arith.constant 4 : i32
      %xor3A_2767 = vector.broadcast %xor3A_2766 : i32 to vector<16xi32>
      %xor3A_2768 = arith.xori %iota3A, %xor3A_2767 : vector<16xi32>
      %lt3A_2769 = arith.constant 0 : i32
      %lt3A_2770 = vector.broadcast %lt3A_2769 : i32 to vector<16xi32>
      %lt3A_2771 = arith.cmpi slt, %xor3A_2768, %lt3A_2770 : vector<16xi32>
      %add3A_2772 = arith.constant 16 : i32
      %add3A_2773 = vector.broadcast %add3A_2772 : i32 to vector<16xi32>
      %add3A_2774 = arith.addi %xor3A_2768, %add3A_2773 : vector<16xi32>
      %select_n3A_2775 = arith.select %lt3A_2771, %add3A_2774, %xor3A_2768 : vector<16xi1>, vector<16xi32>
      %broadcast_in_dim3A_2776 = vector.shape_cast %select_n3A_2775 : vector<16xi32> to vector<16x1xi32>
      %gather3A_2777 = vector.shape_cast %broadcast_in_dim3A_2776 : vector<16x1xi32> to vector<16xi32>
      %gather3A_2778 = tpu.dynamic_gather %add3A_2765[%gather3A_2777] in [0] : vector<16xf32>, vector<16xi32> -> vector<16xf32>
      %add3A_2779 = arith.addf %add3A_2765, %gather3A_2778 : vector<16xf32>
      %xor3A_2780 = arith.constant 8 : i32
      %xor3A_2781 = vector.broadcast %xor3A_2780 : i32 to vector<16xi32>
      %xor3A_2782 = arith.xori %iota3A, %xor3A_2781 : vector<16xi32>
      %lt3A_2783 = arith.constant 0 : i32
      %lt3A_2784 = vector.broadcast %lt3A_2783 : i32 to vector<16xi32>
      %lt3A_2785 = arith.cmpi slt, %xor3A_2782, %lt3A_2784 : vector<16xi32>
      %add3A_2786 = arith.constant 16 : i32
      %add3A_2787 = vector.broadcast %add3A_2786 : i32 to vector<16xi32>
      %add3A_2788 = arith.addi %xor3A_2782, %add3A_2787 : vector<16xi32>
      %select_n3A_2789 = arith.select %lt3A_2785, %add3A_2788, %xor3A_2782 : vector<16xi1>, vector<16xi32>
      %broadcast_in_dim3A_2790 = vector.shape_cast %select_n3A_2789 : vector<16xi32> to vector<16x1xi32>
      %gather3A_2791 = vector.shape_cast %broadcast_in_dim3A_2790 : vector<16x1xi32> to vector<16xi32>
      %gather3A_2792 = tpu.dynamic_gather %add3A_2779[%gather3A_2791] in [0] : vector<16xf32>, vector<16xi32> -> vector<16xf32>
      %add3A_2793 = arith.addf %add3A_2779, %gather3A_2792 : vector<16xf32>
      %eq3A_2794 = arith.constant 13 : i32
      %eq3A_2795 = vector.broadcast %eq3A_2794 : i32 to vector<16xi32>
      %eq3A_2796 = arith.cmpi eq, %iota3A, %eq3A_2795 : vector<16xi32>
      %select_n3A_2797 = arith.select %eq3A_2796, %add3A_2793, %select_n3A_2737 : vector<16xi1>, vector<16xf32>
      %xor3A_2798 = arith.constant 1 : i32
      %xor3A_2799 = vector.broadcast %xor3A_2798 : i32 to vector<16xi32>
      %xor3A_2800 = arith.xori %iota3A, %xor3A_2799 : vector<16xi32>
      %lt3A_2801 = arith.constant 0 : i32
      %lt3A_2802 = vector.broadcast %lt3A_2801 : i32 to vector<16xi32>
      %lt3A_2803 = arith.cmpi slt, %xor3A_2800, %lt3A_2802 : vector<16xi32>
      %add3A_2804 = arith.constant 16 : i32
      %add3A_2805 = vector.broadcast %add3A_2804 : i32 to vector<16xi32>
      %add3A_2806 = arith.addi %xor3A_2800, %add3A_2805 : vector<16xi32>
      %select_n3A_2807 = arith.select %lt3A_2803, %add3A_2806, %xor3A_2800 : vector<16xi1>, vector<16xi32>
      %broadcast_in_dim3A_2808 = vector.shape_cast %select_n3A_2807 : vector<16xi32> to vector<16x1xi32>
      %gather3A_2809 = vector.shape_cast %broadcast_in_dim3A_2808 : vector<16x1xi32> to vector<16xi32>
      %gather3A_2810 = tpu.dynamic_gather %scan3A_1956#14[%gather3A_2809] in [0] : vector<16xf32>, vector<16xi32> -> vector<16xf32>
      %add3A_2811 = arith.addf %scan3A_1956#14, %gather3A_2810 : vector<16xf32>
      %xor3A_2812 = arith.constant 2 : i32
      %xor3A_2813 = vector.broadcast %xor3A_2812 : i32 to vector<16xi32>
      %xor3A_2814 = arith.xori %iota3A, %xor3A_2813 : vector<16xi32>
      %lt3A_2815 = arith.constant 0 : i32
      %lt3A_2816 = vector.broadcast %lt3A_2815 : i32 to vector<16xi32>
      %lt3A_2817 = arith.cmpi slt, %xor3A_2814, %lt3A_2816 : vector<16xi32>
      %add3A_2818 = arith.constant 16 : i32
      %add3A_2819 = vector.broadcast %add3A_2818 : i32 to vector<16xi32>
      %add3A_2820 = arith.addi %xor3A_2814, %add3A_2819 : vector<16xi32>
      %select_n3A_2821 = arith.select %lt3A_2817, %add3A_2820, %xor3A_2814 : vector<16xi1>, vector<16xi32>
      %broadcast_in_dim3A_2822 = vector.shape_cast %select_n3A_2821 : vector<16xi32> to vector<16x1xi32>
      %gather3A_2823 = vector.shape_cast %broadcast_in_dim3A_2822 : vector<16x1xi32> to vector<16xi32>
      %gather3A_2824 = tpu.dynamic_gather %add3A_2811[%gather3A_2823] in [0] : vector<16xf32>, vector<16xi32> -> vector<16xf32>
      %add3A_2825 = arith.addf %add3A_2811, %gather3A_2824 : vector<16xf32>
      %xor3A_2826 = arith.constant 4 : i32
      %xor3A_2827 = vector.broadcast %xor3A_2826 : i32 to vector<16xi32>
      %xor3A_2828 = arith.xori %iota3A, %xor3A_2827 : vector<16xi32>
      %lt3A_2829 = arith.constant 0 : i32
      %lt3A_2830 = vector.broadcast %lt3A_2829 : i32 to vector<16xi32>
      %lt3A_2831 = arith.cmpi slt, %xor3A_2828, %lt3A_2830 : vector<16xi32>
      %add3A_2832 = arith.constant 16 : i32
      %add3A_2833 = vector.broadcast %add3A_2832 : i32 to vector<16xi32>
      %add3A_2834 = arith.addi %xor3A_2828, %add3A_2833 : vector<16xi32>
      %select_n3A_2835 = arith.select %lt3A_2831, %add3A_2834, %xor3A_2828 : vector<16xi1>, vector<16xi32>
      %broadcast_in_dim3A_2836 = vector.shape_cast %select_n3A_2835 : vector<16xi32> to vector<16x1xi32>
      %gather3A_2837 = vector.shape_cast %broadcast_in_dim3A_2836 : vector<16x1xi32> to vector<16xi32>
      %gather3A_2838 = tpu.dynamic_gather %add3A_2825[%gather3A_2837] in [0] : vector<16xf32>, vector<16xi32> -> vector<16xf32>
      %add3A_2839 = arith.addf %add3A_2825, %gather3A_2838 : vector<16xf32>
      %xor3A_2840 = arith.constant 8 : i32
      %xor3A_2841 = vector.broadcast %xor3A_2840 : i32 to vector<16xi32>
      %xor3A_2842 = arith.xori %iota3A, %xor3A_2841 : vector<16xi32>
      %lt3A_2843 = arith.constant 0 : i32
      %lt3A_2844 = vector.broadcast %lt3A_2843 : i32 to vector<16xi32>
      %lt3A_2845 = arith.cmpi slt, %xor3A_2842, %lt3A_2844 : vector<16xi32>
      %add3A_2846 = arith.constant 16 : i32
      %add3A_2847 = vector.broadcast %add3A_2846 : i32 to vector<16xi32>
      %add3A_2848 = arith.addi %xor3A_2842, %add3A_2847 : vector<16xi32>
      %select_n3A_2849 = arith.select %lt3A_2845, %add3A_2848, %xor3A_2842 : vector<16xi1>, vector<16xi32>
      %broadcast_in_dim3A_2850 = vector.shape_cast %select_n3A_2849 : vector<16xi32> to vector<16x1xi32>
      %gather3A_2851 = vector.shape_cast %broadcast_in_dim3A_2850 : vector<16x1xi32> to vector<16xi32>
      %gather3A_2852 = tpu.dynamic_gather %add3A_2839[%gather3A_2851] in [0] : vector<16xf32>, vector<16xi32> -> vector<16xf32>
      %add3A_2853 = arith.addf %add3A_2839, %gather3A_2852 : vector<16xf32>
      %eq3A_2854 = arith.constant 14 : i32
      %eq3A_2855 = vector.broadcast %eq3A_2854 : i32 to vector<16xi32>
      %eq3A_2856 = arith.cmpi eq, %iota3A, %eq3A_2855 : vector<16xi32>
      %select_n3A_2857 = arith.select %eq3A_2856, %add3A_2853, %select_n3A_2797 : vector<16xi1>, vector<16xf32>
      %xor3A_2858 = arith.constant 1 : i32
      %xor3A_2859 = vector.broadcast %xor3A_2858 : i32 to vector<16xi32>
      %xor3A_2860 = arith.xori %iota3A, %xor3A_2859 : vector<16xi32>
      %lt3A_2861 = arith.constant 0 : i32
      %lt3A_2862 = vector.broadcast %lt3A_2861 : i32 to vector<16xi32>
      %lt3A_2863 = arith.cmpi slt, %xor3A_2860, %lt3A_2862 : vector<16xi32>
      %add3A_2864 = arith.constant 16 : i32
      %add3A_2865 = vector.broadcast %add3A_2864 : i32 to vector<16xi32>
      %add3A_2866 = arith.addi %xor3A_2860, %add3A_2865 : vector<16xi32>
      %select_n3A_2867 = arith.select %lt3A_2863, %add3A_2866, %xor3A_2860 : vector<16xi1>, vector<16xi32>
      %broadcast_in_dim3A_2868 = vector.shape_cast %select_n3A_2867 : vector<16xi32> to vector<16x1xi32>
      %gather3A_2869 = vector.shape_cast %broadcast_in_dim3A_2868 : vector<16x1xi32> to vector<16xi32>
      %gather3A_2870 = tpu.dynamic_gather %scan3A_1956#15[%gather3A_2869] in [0] : vector<16xf32>, vector<16xi32> -> vector<16xf32>
      %add3A_2871 = arith.addf %scan3A_1956#15, %gather3A_2870 : vector<16xf32>
      %xor3A_2872 = arith.constant 2 : i32
      %xor3A_2873 = vector.broadcast %xor3A_2872 : i32 to vector<16xi32>
      %xor3A_2874 = arith.xori %iota3A, %xor3A_2873 : vector<16xi32>
      %lt3A_2875 = arith.constant 0 : i32
      %lt3A_2876 = vector.broadcast %lt3A_2875 : i32 to vector<16xi32>
      %lt3A_2877 = arith.cmpi slt, %xor3A_2874, %lt3A_2876 : vector<16xi32>
      %add3A_2878 = arith.constant 16 : i32
      %add3A_2879 = vector.broadcast %add3A_2878 : i32 to vector<16xi32>
      %add3A_2880 = arith.addi %xor3A_2874, %add3A_2879 : vector<16xi32>
      %select_n3A_2881 = arith.select %lt3A_2877, %add3A_2880, %xor3A_2874 : vector<16xi1>, vector<16xi32>
      %broadcast_in_dim3A_2882 = vector.shape_cast %select_n3A_2881 : vector<16xi32> to vector<16x1xi32>
      %gather3A_2883 = vector.shape_cast %broadcast_in_dim3A_2882 : vector<16x1xi32> to vector<16xi32>
      %gather3A_2884 = tpu.dynamic_gather %add3A_2871[%gather3A_2883] in [0] : vector<16xf32>, vector<16xi32> -> vector<16xf32>
      %add3A_2885 = arith.addf %add3A_2871, %gather3A_2884 : vector<16xf32>
      %xor3A_2886 = arith.constant 4 : i32
      %xor3A_2887 = vector.broadcast %xor3A_2886 : i32 to vector<16xi32>
      %xor3A_2888 = arith.xori %iota3A, %xor3A_2887 : vector<16xi32>
      %lt3A_2889 = arith.constant 0 : i32
      %lt3A_2890 = vector.broadcast %lt3A_2889 : i32 to vector<16xi32>
      %lt3A_2891 = arith.cmpi slt, %xor3A_2888, %lt3A_2890 : vector<16xi32>
      %add3A_2892 = arith.constant 16 : i32
      %add3A_2893 = vector.broadcast %add3A_2892 : i32 to vector<16xi32>
      %add3A_2894 = arith.addi %xor3A_2888, %add3A_2893 : vector<16xi32>
      %select_n3A_2895 = arith.select %lt3A_2891, %add3A_2894, %xor3A_2888 : vector<16xi1>, vector<16xi32>
      %broadcast_in_dim3A_2896 = vector.shape_cast %select_n3A_2895 : vector<16xi32> to vector<16x1xi32>
      %gather3A_2897 = vector.shape_cast %broadcast_in_dim3A_2896 : vector<16x1xi32> to vector<16xi32>
      %gather3A_2898 = tpu.dynamic_gather %add3A_2885[%gather3A_2897] in [0] : vector<16xf32>, vector<16xi32> -> vector<16xf32>
      %add3A_2899 = arith.addf %add3A_2885, %gather3A_2898 : vector<16xf32>
      %xor3A_2900 = arith.constant 8 : i32
      %xor3A_2901 = vector.broadcast %xor3A_2900 : i32 to vector<16xi32>
      %xor3A_2902 = arith.xori %iota3A, %xor3A_2901 : vector<16xi32>
      %lt3A_2903 = arith.constant 0 : i32
      %lt3A_2904 = vector.broadcast %lt3A_2903 : i32 to vector<16xi32>
      %lt3A_2905 = arith.cmpi slt, %xor3A_2902, %lt3A_2904 : vector<16xi32>
      %add3A_2906 = arith.constant 16 : i32
      %add3A_2907 = vector.broadcast %add3A_2906 : i32 to vector<16xi32>
      %add3A_2908 = arith.addi %xor3A_2902, %add3A_2907 : vector<16xi32>
      %select_n3A_2909 = arith.select %lt3A_2905, %add3A_2908, %xor3A_2902 : vector<16xi1>, vector<16xi32>
      %broadcast_in_dim3A_2910 = vector.shape_cast %select_n3A_2909 : vector<16xi32> to vector<16x1xi32>
      %gather3A_2911 = vector.shape_cast %broadcast_in_dim3A_2910 : vector<16x1xi32> to vector<16xi32>
      %gather3A_2912 = tpu.dynamic_gather %add3A_2899[%gather3A_2911] in [0] : vector<16xf32>, vector<16xi32> -> vector<16xf32>
      %add3A_2913 = arith.addf %add3A_2899, %gather3A_2912 : vector<16xf32>
      %eq3A_2914 = arith.constant 15 : i32
      %eq3A_2915 = vector.broadcast %eq3A_2914 : i32 to vector<16xi32>
      %eq3A_2916 = arith.cmpi eq, %iota3A, %eq3A_2915 : vector<16xi32>
      %select_n3A_2917 = arith.select %eq3A_2916, %add3A_2913, %select_n3A_2857 : vector<16xi1>, vector<16xf32>
      %add3A_2918 = arith.addf %select_n3A_2917, %gather3A_1929 : vector<16xf32>
      %mul3A_2919 = arith.constant 16 : i32
      %mul3A_2920 = arith.muli %scan3A_1950, %mul3A_2919 : i32
      %swap3A_2921 = arith.index_cast %mul3A_2920 : i32 to index
      %swap3A_2922 = tpu.vector_load %arg13[%swap3A_2921] {strides = array<i32>} : memref<64xf32, #tpu.memory_space<vmem>>, vector<16xf32>,
      %swap3A_2923 = vector.shape_cast %swap3A_2922 : vector<16xf32> to vector<16xf32>
      %swap3A_2924 = vector.shape_cast %add3A_2918 : vector<16xf32> to vector<16xf32>
      tpu.vector_store %arg13[%swap3A_2921], %swap3A_2924 {strides = array<i32>} : memref<64xf32, #tpu.memory_space<vmem>>, vector<16xf32>,
      %scan3A_2925 = arith.constant 0 : i32
      scf.yield %scan3A_2925 : i32
    }
    %scan3A_1945 = arith.constant 4 : i32
    %mul3A_1946 = arith.constant 32 : i32
    %mul3A_1947 = arith.muli %add3A, %mul3A_1946 : i32
    %mul3A_1948 = arith.constant 2 : i32
    %mul3A_1949 = arith.muli %mul3A_1947, %mul3A_1948 : i32
    "tpu.region"() ({
      %run_scoped3A = tpu.sem_alloc : memref<!tpu.dma_semaphore, #tpu.memory_space<semaphore_mem>>
      %dma_start3A_1950 = tpu.memref_slice %arg6[%mul3A_1949] : memref<2048xf32, #tpu.memory_space<hbm>> -> memref<64xf32, #tpu.memory_space<hbm>>
      %dma_start3A_1951 = tpu.memref_slice %arg6[%mul3A_1949] : memref<2048xf32, #tpu.memory_space<hbm>> -> memref<64xf32, #tpu.memory_space<hbm>>
      tpu.enqueue_dma source(%arg13 : memref<64xf32, #tpu.memory_space<vmem>>) target(%dma_start3A_1951 : memref<64xf32, #tpu.memory_space<hbm>>) target_semaphore(%run_scoped3A : memref<!tpu.dma_semaphore, #tpu.memory_space<semaphore_mem>>)
      %dma_wait3A_1952 = tpu.memref_slice %arg6[%mul3A_1949] : memref<2048xf32, #tpu.memory_space<hbm>> -> memref<64xf32, #tpu.memory_space<hbm>>
      %dma_wait3A_1953 = tpu.memref_slice %arg6[%mul3A_1949] : memref<2048xf32, #tpu.memory_space<hbm>> -> memref<64xf32, #tpu.memory_space<hbm>>
      tpu.wait_dma2 semaphore(%run_scoped3A : memref<!tpu.dma_semaphore, #tpu.memory_space<semaphore_mem>>) src(%arg13 : memref<64xf32, #tpu.memory_space<vmem>>) dst(%dma_wait3A_1953 : memref<64xf32, #tpu.memory_space<hbm>>)
      tpu.yield
    }) : () -> ()
    return
  }
}

</mosaic_0001>

<sc_bundles>
// kernel: kernel.3.cloned.1.call-start
scs
__scs_entry_jumppad:
0x0: {  	(pc) =	sbr.rel $0x88, $3  }
0x1: {  	(tag) =	ssettag $0x0;
	lr =	simm.s32 $0x1  }
0x2: {  	[smem:$0x3F9D] =	sst lr;
	_ =	strace $0xD0000000  }
0x3: {  	_ = 	snop  }
0x4: {  	_ = 	snop  }
0x5: {  	_ = 	snop  }
0x6: {  	_ = 	snop  }
0x7: {  	_ = 	snop  }
__scs_overlays_trampoline_lowered:
0x8: {  	[smem:$0x3FAC] =	sst s0  }
0x9: {  	[smem:$0x3FAD] =	sst s1  }
0xa: {  	[smem:$0x3FAE] =	sst s2  }
0xb: {  	[smem:$0x3FAF] =	sst s3  }
0xc: {  	[smem:$0x3FB0] =	sst s4  }
0xd: {  	[smem:$0x3FB1] =	sst s5  }
0xe: {  	[smem:$0x3FB2] =	sst s6  }
0xf: {  	[smem:$0x3FB3] =	sst s7  }
0x10: {  	[smem:$0x3FB4] =	sst s8  }
0x11: {  	[smem:$0x3FB5] =	sst s9;
	s0 =	simm.s32 @!p0 $0x0  }
0x12: {  	s1 =	sld [smem:$0x3F9B];
	s0 =	simm.s32 @p0 $0x1  }
0x13: {  	[smem:$0x3FB6] =	sst s0;
	s0 =	simm.s32 @!p1 $0x0  }
0x14: {  	s2 =	sld [smem:$0x3F9A];
	s0 =	simm.s32 @p1 $0x1  }
0x15: {  	[smem:$0x3FB7] =	sst s0;
	s0 =	simm.s32 @!p2 $0x0  }
0x16: {  	s3 =	sld [smem:$0x3FDB];
	s0 =	simm.s32 @p2 $0x1  }
0x17: {  	s4 =	simm.s32 $0x1BF5;
	[smem:$0x3FB9] =	sst s0  }
0x18: {  	s0 =	sld [smem:$0x3F9C];
	_ =	swait.ge [sflag:s4], $0x0  }
0x19: {  	s7 =	sld [smem:$0x3F9D]  }
0x1a: {  	s8 =	sadd.s32 $0xFFFFE003, lr  }
0x1b: {  	s9 =	sadd.s32 $0xFFFFFEF7, lr;
	s5 =	simm.s32 $0xFFFFFFFF;
	p2 =	slt.u32 s8, $0xFFFFF086  }
0x1c: {  	p1 =	slt.u32 s9, $0xF7A;
	s5 =	simm.s32 @!p2 $0x0  }
0x1d: {  	s5 =	simm.s32 @p1 $0x1;
	p0 =	seq.s32 s7, s2  }
0x1e: {  	s7 =	smul.u32 @!p0 $0xF7A, s2;
	p2 =	seq.s32 @!p0 s5, $0x0  }
0x1f: {  	s9 =	smul.u32 $0xF7A, s1;
	s8 =	simm.s32 @!p0 $0x1BF5;
	p2 =	por !p2, p0  }
0x20: {  	[sflag:s8] =	ssyncset.s32 @!p0 $0xFFFFF086;
	s6 =	sadd.s32 @!p0 s3, s7;
	s7 =	simm.s32 @!p0 $0x108  }
0x21: {  	s3 =	sadd.s32 s3, s9;
	s6 =	sadd.s32 @!p0 $0x88, s6;
	s7 =	simm.s32 @p2 $0x1082  }
0x22: {  	[simem:s7], [sflag:s8] =	dma.local @!p0 [hbm:s6], $0xF7A  }
0x23: {  	s9 =	sor.u32 $0xD0000000, s2;
	s6 =	simm.s32 $0x108;
	_ =	swait.ge @!p0 [sflag:s8], $0x0  }
0x24: {  	s3 =	sadd.s32 $0x88, s3;
	s6 =	simm.s32 @!p1 $0x1082;
	[sflag:s4] =	ssyncset.s32 $0xFFFFF086  }
0x25: {  	[simem:s6], [sflag:s4] =	dma.local [hbm:s3], $0xF7A  }
0x26: {  	[smem:$0x3F9D] =	sst s1;
	(tag) =	ssettag s2;
	_ =	strace s9  }
0x27: {  	s1 =	sld [smem:$0x3FAD]  }
0x28: {  	s2 =	sld [smem:$0x3FAE]  }
0x29: {  	s4 =	sld [smem:$0x3FB0]  }
0x2a: {  	p0 =	seq.s32 s5, $0x0;
	s5 =	sld [smem:$0x3FB1]  }
0x2b: {  	s6 =	sld [smem:$0x3FB2]  }
0x2c: {  	s7 =	sld [smem:$0x3FB3]  }
0x2d: {  	s3 =	simm.s32 $0x108;
	s8 =	sld [smem:$0x3FB4]  }
0x2e: {  	s3 =	simm.s32 @!p0 $0x1082;
	s9 =	sld [smem:$0x3FB5]  }
0x2f: {  	lr =	sadd.s32 s0, s3;
	s0 =	sld [smem:$0x3FAC]  }
0x30: {  	s3 =	sld [smem:$0x3FAF]  }
0x31: {  	[smem:$0x3FB8] =	sst s10  }
0x32: {  	s10 =	sld [smem:$0x3FB6];
	_ =	sdelay $0x3  }
0x33: {  	p0 =	seq.s32 s10, $0x1;
	s10 =	sld [smem:$0x3FB8];
	_ =	sdelay $0x3  }
0x34: {  	[smem:$0x3FB8] =	sst s10  }
0x35: {  	s10 =	sld [smem:$0x3FB7];
	_ =	sdelay $0x3  }
0x36: {  	p1 =	seq.s32 s10, $0x1;
	s10 =	sld [smem:$0x3FB8];
	_ =	sdelay $0x3  }
0x37: {  	[smem:$0x3FB8] =	sst s10  }
0x38: {  	s10 =	sld [smem:$0x3FB9]  }
0x39: {  	_ = 	snop;
	(pc) =	sbr.ind lr, $3  }
0x3a: {  	_ = 	snop  }
0x3b: {  	_ = 	snop  }
0x3c: {  	p2 =	seq.s32 s10, $0x1;
	s10 =	sld [smem:$0x3FB8]  }
0x3d: {  	_ =	shalt  }
0x3e: {  	_ =	shalt  }
0x3f: {  	_ =	shalt  }
0x40: {  	_ =	shalt  }
0x41: {  	_ =	shalt  }
0x42: {  	_ =	shalt  }
0x43: {  	_ =	shalt  }
0x44: {  	_ =	shalt  }
0x45: {  	_ =	shalt  }
0x46: {  	_ =	shalt  }
0x47: {  	_ =	shalt  }
0x48: {  	_ =	shalt  }
0x49: {  	_ =	shalt  }
0x4a: {  	_ =	shalt  }
0x4b: {  	_ =	shalt  }
0x4c: {  	_ =	shalt  }
0x4d: {  	_ =	shalt  }
0x4e: {  	_ =	shalt  }
0x4f: {  	_ =	shalt  }
0x50: {  	_ =	shalt  }
0x51: {  	_ =	shalt  }
0x52: {  	_ =	shalt  }
0x53: {  	_ =	shalt  }
0x54: {  	_ =	shalt  }
0x55: {  	_ =	shalt  }
0x56: {  	_ =	shalt  }
0x57: {  	_ =	shalt  }
0x58: {  	_ =	shalt  }
0x59: {  	_ =	shalt  }
0x5a: {  	_ =	shalt  }
0x5b: {  	_ =	shalt  }
0x5c: {  	_ =	shalt  }
0x5d: {  	_ =	shalt  }
0x5e: {  	_ =	shalt  }
0x5f: {  	_ =	shalt  }
0x60: {  	_ =	shalt  }
0x61: {  	_ =	shalt  }
0x62: {  	_ =	shalt  }
0x63: {  	_ =	shalt  }
0x64: {  	_ =	shalt  }
0x65: {  	_ =	shalt  }
0x66: {  	_ =	shalt  }
0x67: {  	_ =	shalt  }
0x68: {  	_ =	shalt  }
0x69: {  	_ =	shalt  }
0x6a: {  	_ =	shalt  }
0x6b: {  	_ =	shalt  }
0x6c: {  	_ =	shalt  }
0x6d: {  	_ =	shalt  }
0x6e: {  	_ =	shalt  }
0x6f: {  	_ =	shalt  }
0x70: {  	_ =	shalt  }
0x71: {  	_ =	shalt  }
0x72: {  	_ =	shalt  }
0x73: {  	_ =	shalt  }
0x74: {  	_ =	shalt  }
0x75: {  	_ =	shalt  }
0x76: {  	_ =	shalt  }
0x77: {  	_ =	shalt  }
0x78: {  	_ =	shalt  }
0x79: {  	_ =	shalt  }
0x7a: {  	_ =	shalt  }
0x7b: {  	_ =	shalt  }
0x7c: {  	_ =	shalt  }
0x7d: {  	_ =	shalt  }
0x7e: {  	_ =	shalt  }
0x7f: {  	_ =	shalt  }
0x80: {  	_ =	shalt  }
0x81: {  	_ =	shalt  }
0x82: {  	_ =	shalt  }
0x83: {  	_ =	shalt  }
0x84: {  	_ =	shalt  }
0x85: {  	_ =	shalt  }
0x86: {  	_ =	shalt  }
0x87: {  	_ =	shalt  }
.Lfunc_end0:
.L_simem_size_0:
called_computation_lowered:
.L_overlay_start_0:
0x88: {  	s2 =	sld [smem:$0x3FD9]  }
0x89: {  	s3 =	sld [smem:$0x3FFE];
	_ =	sdelay $0x1  }
0x8a: {  	s1 =	srdreg.scid  }
0x8b: {  	s0 =	sand.u32 $0x1, s1  }
0x8c: {  	s18 =	sshll.u32 s0, $0xA;
	s2 =	sadd.s32 s3, s2  }
0x8d: {  	s2 =	sadd.s32 s2, s18  }
0x8e: {  	[smem:$0x3FC4] =	sst s2  }
0x8f: {  	_ = 	snop  }
0x90: {  	s2 =	sld [smem:$0x3FC9]  }
0x91: {  	s19 =	sld [smem:$0x3FC8]  }
0x92: {  	s4 =	sld [smem:$0x3FC7]  }
0x93: {  	s5 =	sld [smem:$0x3FC6]  }
0x94: {  	s6 =	sld [smem:$0x3FD0];
	(tm) =	ssettm $0x1  }
0x95: {  	s7 =	sld [smem:$0x3FFB];
	_ =	sdelay $0x3  }
0x96: {  	_ =	strace s7  }
0x97: {  	s7 =	sld [smem:$0x3FFC];
	_ =	sdelay $0x3  }
0x98: {  	_ =	strace s7  }
0x99: {  	s7 =	sld [smem:$0x3FFD];
	_ =	sdelay $0x3  }
0x9a: {  	_ =	strace s7  }
0x9b: {  	_ =	strace $0x8FFFFFFF  }
0x9c: {  	s20 =	sld [smem:$0x3FDB];
	_ =	sdelay $0x1  }
0x9d: {  	s8 =	simm.s32 $_scs_section_size  }
0x9e: {  	s9 =	simm.s32 $_size__tile_overlayer_lowered;
	s10 =	simm.s32 $_tile_overlayer_lowered  }
0x9f: {  	s23 =	simm.s32 $0x1BFF;
	s22 =	sshll.u32 s10, $0x1;
	s7 =	sadd.s32 s8, s20  }
0xa0: {  	s11 =	simm.s32 $0x0;
	s21 =	sshll.u32 s9, $0x1;
	s9 =	sadd.s32 s22, s7  }
0xa1: {  	[timem:s11], [sflag:s23] =	dma.local [hbm:s9], s21  }
0xa2: {  	_ =	swait.ge [sflag:s23], s21  }
0xa3: {  	s8 =	ssub.s32 $0x0, s21;
	[sflag:s23] =	ssyncset.done $0x0  }
0xa4: {  	[sflag:s23] =	ssyncadd.s32 s8;
	_ =	sdelay $0x1  }
0xa5: {  	s24 =	simm.s32 $0x1B8B  }
0xa6: {  	_ =	swait.ge [sflag:s24], $0x1  }
0xa7: {  	[sflag:s24] =	ssyncset.done $0x0  }
0xa8: {  	s25 =	simm.s32 $0x1B8E;
	[sflag:s24] =	ssyncadd.s32 $0xFFFFFFFF  }
0xa9: {  	s26 =	simm.s32 $execute0_lowered;
	[smem:$0x3FD2] =	sst s25  }
0xaa: {  	s8 =	sshll.u32 s26, $0x1;
	_ =	strace $0x80000046;
	[dreg:$0x1] =	wrdreg $0xFFFFFFFF  }
0xab: {  	s28 =	simm.s32 $_size_execute0_lowered;
	s7 =	sadd.s32 s7, s8;
	[dreg:$0x0] =	wrdreg $0x0  }
0xac: {  	s8 =	sshll.u32 s28, $0x1;
	[dreg:$0x2] =	wrdreg s7  }
0xad: {  	[dreg:$0x3] =	wrdreg s8  }
0xae: {  	[dreg:$0x4] =	wrdreg $0xC0  }
0xaf: {  	_ =	task [dreg:s11], $0x5FFFF  }
0xb0: {  	[dreg:$0x1] =	wrdreg $0xFFFFFFFF  }
0xb1: {  	[dreg:$0x0] =	wrdreg $0x60  }
0xb2: {  	[dreg:$0x2] =	wrdreg s2  }
0xb3: {  	[dreg:$0x3] =	wrdreg s19  }
0xb4: {  	[dreg:$0x4] =	wrdreg s4  }
0xb5: {  	[dreg:$0x5] =	wrdreg s5  }
0xb6: {  	[dreg:$0x6] =	wrdreg s6  }
0xb7: {  	[dreg:$0x7] =	wrdreg $0x3E800  }
0xb8: {  	[dreg:$0x8] =	wrdreg $0x9  }
0xb9: {  	_ =	task.clear_ibuf [dreg:s11], $0x9FFFF;
	_ =	strace $0x90000046  }
0xba: {  	s29 =	simm.s32 $0x9;
	_ =	strace $0x80000048  }
0xbb: {  	_ =	swait.ge [sflag:s29], $0x1  }
0xbc: {  	[sflag:s29] =	ssyncadd.s32 $0xFFFFFFFF  }
0xbd: {  	_ =	strace $0x90000048  }
0xbe: {  	_ =	sfence  }
0xbf: {  	s30 =	sld [smem:$0x0];
	_ =	sdelay $0x2  }
0xc0: {  	s31 =	sshll.u32 s1, $0xD;
	s1 =	sshrl.u32 s1, $0x2  }
0xc1: {  	s3 =	sand.u32 $0x4000, s31;
	s1 =	sadd.s32 s1, s30  }
0xc2: {  	s0 =	sor.u32 s3, s0;
	s1 =	sshll.u32 s1, $0x11  }
0xc3: {  	s0 =	sor.u32 s1, s0  }
0xc4: {  	s0 =	sadd.s32 $0x8F2B, s0  }
0xc5: {  	[sflag:s0] =	ssyncadd.remote.s32 $0x1  }
0xc6: {  	_ =	sfence.sel $0xFFFF  }
0xc7: {  	[dreg:$0x0] =	wrdreg $0xFFFFFFFF;
	(pc) =	sbr.abs _section_cstart, $3  }
0xc8: {  	[dreg:$0x1] =	wrdreg $0xFFFFFFFF  }
0xc9: {  	_ =	task.clear_ibuf [dreg:s11], $0x2FFFF;
	_ =	strace $0x9FFFFFFF  }
0xca: {  	(tm) =	ssettm $0x7FFFFFFF  }
0xcb: {  	_ =	shalt  }
tec
execute0_lowered:
.L_overlay_start_1:
0x0: {  	(tag) =	ssettag $0x1  }
0x1: {  	v0 =	vimm.s32 $0xEFCDAB89  }
0x2: {  	s6 =	rddreg [dreg:$0x0];
	v1 =	vimm.s32 $0x67452301;
	v2 =	vimm.s32 $0xDCFE98BA;
	v3 =	vimm.s32 $0x54761032  }
0x3: {  	s7 =	rddreg [dreg:$0x1];
	v4 =	vimm.s32 $0xBA98FEDC;
	v5 =	vimm.s32 $0x32107654;
	v6 =	vimm.s32 $0xFEDCBA98  }
0x4: {  	s0 =	rddreg [dreg:$0x2];
	v7 =	vimm.s32 $0x76543210;
	vm0 =	vmmov $0x1;
	vm1 =	vmmov $0x3  }
0x5: {  	s1 =	rddreg [dreg:$0x3];
	vm2 =	vmmov $0x7;
	vm3 =	vmmov $0xf;
	vm4 =	vmmov $0x1f  }
0x6: {  	s9 =	rddreg [dreg:$0x4];
	vm5 =	vmmov $0x3f;
	vm6 =	vmmov $0x7f;
	vm7 =	vmmov $0xff  }
0x7: {  	s3 =	rddreg [dreg:$0x5];
	s4 =	simm.s32 $0x0;
	s8 =	srdreg.scid;
	vm8 =	vmmov $0x1ff;
	vm9 =	vmmov $0x3ff;
	vm10 =	vmmov $0x7ff  }
0x8: {  	s5 =	stileid.u32;
	s14 =	simm.s32 $0x2;
	s15 =	simm.s32 $0x3;
	vm11 =	vmmov $0xfff;
	vm12 =	vmmov $0x1fff;
	v0 =	vunpack.c.l.s4.s8 v0  }
0x9: {  	s16 =	simm.s32 $0x4;
	s17 =	simm.s32 $0x3B80;
	s18 =	simm.s32 $0x5;
	v1 =	vunpack.c.l.s4.s8 v1;
	v2 =	vunpack.c.l.s4.s8 v2;
	v3 =	vunpack.c.l.s4.s8 v3  }
0xa: {  	s19 =	simm.s32 $0x3C00;
	s20 =	simm.s32 $0x1;
	s21 =	simm.s32 $0x3E00;
	v4 =	vunpack.c.l.s4.s8 v4;
	v5 =	vunpack.c.l.s4.s8 v5;
	v0 =	vunpack.c.0.s8.s32 v0  }
0xb: {  	s22 =	simm.s32 $0x0;
	[smem:$0x7FF] =	sst s4;
	s8 =	sand.u32 $0x1, s8;
	v1 =	vunpack.c.0.s8.s32 v1;
	v2 =	vunpack.c.0.s8.s32 v2;
	v3 =	vunpack.c.0.s8.s32 v3  }
0xc: {  	v6 =	vunpack.c.l.s4.s8 v6;
	s11 =	sshll.u32 s5, $0x1;
	s12 =	smul.u32 $0x300, s5;
	s30 =	sshll.u32 s5, $0x5;
	v4 =	vunpack.c.0.s8.s32 v4;
	v5 =	vunpack.c.0.s8.s32 v5  }
0xd: {  	s10 =	ssub.s32 $0x2, s8;
	_ =	strace $0x80000047;
	s8 =	sor.u32 s8, s11;
	v0 =	vcombine.low v1, v0;
	v1 =	vunpack.c.l.s4.s8 v7;
	v2 =	vcombine.low v3, v2  }
0xe: {  	vm13 =	vmmov $0x3fff;
	s13 =	sshrl.u32 s10, $0x1;
	s6 =	sadd.s32 s6, s12;
	s11 =	sshll.u32 s8, $0xA;
	v3 =	vcombine.low v5, v4;
	v4 =	vunpack.c.0.s8.s32 v6  }
0xf: {  	vm14 =	vmmov $0x7fff;
	s31 =	sshll.u32 s8, $0x3;
	s8 =	sadd.s32 s30, s3;
	s12 =	simm.s32 $0x1B00;
	v5 =	vunpack.c.0.s8.s32 v1;
	v1 =	vand.u32 $0xF, v2  }
0x10: {  	s10 =	ssub.s32 s10, s13;
	s7 =	sadd.s32 s7, s11;
	s9 =	sadd.s32 s9, s31;
	v2 =	vand.u32 $0xF, v3;
	v3 =	vand.u32 $0xF, v4;
	v4 =	vlaneseq.u32  }
0x11: {  	s11 =	simm.s32 $0x1800;
	s13 =	simm.s32 $0x1B80;
	s10 =	smax.u32 s10, $0x1;
	v0 =	vand.u32 $0xF, v0;
	v4 =	vand.u32 $0x1, v4;
	v3 =	vcombine.low v3, v5  }
.LBB2_1:
0x12: {  	[tilespmem:s4], [sflag:$0x2] =	stream.linear.gather [hbm4b:s6+s4], $0x1800, $0x38;
	[tilespmem:$0x3EA0] =	vst v63  }
0x13: {  	_ = 	snop  }
0x14: {  	[tilespmem:s11], [sflag:$0x3] =	stream.linear.gather [hbm4b:s0+s4], $0x300, $0x38;
	[tilespmem:$0x3EA0] =	vst v63  }
0x15: {  	_ = 	snop  }
0x16: {  	[tilespmem:s12], [sflag:$0x4] =	stream.linear.gather [hbm4b:s1+s4], $0x2, $0x38;
	[tilespmem:$0x3EA0] =	vst v63  }
0x17: {  	_ = 	snop  }
0x18: {  	[tilespmem:s13], [sflag:$0x1] =	stream.linear.gather [hbm4b:s7+s4], $0x2000, $0x38;
	[tilespmem:$0x3EA0] =	vst v63  }
0x19: {  	_ =	swait.ge [sflag:s14], $0x1800  }
0x1a: {  	[sflag:s14] =	ssyncset.done $0x0  }
0x1b: {  	[sflag:s14] =	ssyncadd.s32 $0xFFFFE800  }
0x1c: {  	_ =	swait.ge [sflag:s15], $0x300  }
0x1d: {  	[sflag:s15] =	ssyncset.done $0x0  }
0x1e: {  	[sflag:s15] =	ssyncadd.s32 $0xFFFFFD00  }
0x1f: {  	s23 =	simm.s32 $0x0;
	_ =	swait.ge [sflag:s16], $0x2  }
0x20: {  	s24 =	sand.u32 $0x70, s4;
	s23 =	sand.u32 $0x3FFFFC00, s23;
	[sflag:s16] =	ssyncset.done $0x0  }
0x21: {  	s23 =	sor.u32 s24, s23;
	[sflag:s16] =	ssyncadd.s32 $0xFFFFFFFE  }
0x22: {  	v41 =	vld [tilespmem:s23+$0xF80]  }
0x23: {  	s25 =	simm.s32 $0x0;
	v6 =	vld [tilespmem:s23+$0x380]  }
0x24: {  	s25 =	sand.u32 $0xFFFFFF00, s25;
	v5 =	vld [tilespmem:s23+$0x80]  }
0x25: {  	s24 =	sor.u32 s24, s25;
	v7 =	vld [tilespmem:s23+$0x0]  }
0x26: {  	v17 =	vimm.f32 $0.0e+00;
	v46 =	vimm.f32 $0.0e+00;
	v44 =	vimm.f32 $0.0e+00;
	v9 =	vld [tilespmem:s24+$0x1880]  }
0x27: {  	v42 =	vimm.f32 $0.0e+00;
	v43 =	vimm.f32 $0.0e+00;
	v39 =	vimm.f32 $0.0e+00;
	v13 =	vld [tilespmem:s24+$0x1800]  }
0x28: {  	v40 =	vimm.f32 $0.0e+00;
	v37 =	vimm.f32 $0.0e+00;
	v38 =	vimm.f32 $0.0e+00;
	v15 =	vld [tilespmem:s23+$0x180]  }
0x29: {  	v36 =	vimm.f32 $0.0e+00;
	v35 =	vimm.f32 $0.0e+00;
	v34 =	vimm.f32 $0.0e+00;
	v10 =	vld [tilespmem:s23+$0x100]  }
0x2a: {  	v32 =	vimm.f32 $0.0e+00;
	v33 =	vimm.f32 $0.0e+00;
	v31 =	vimm.f32 $0.0e+00;
	v19 =	vld [tilespmem:s23+$0x200]  }
0x2b: {  	v27 =	vimm.f32 $0.0e+00;
	v28 =	vimm.f32 $0.0e+00;
	v29 =	vimm.f32 $0.0e+00;
	v45 =	vld [tilespmem:s23+$0xD00]  }
0x2c: {  	v24 =	vimm.f32 $0.0e+00;
	v23 =	vimm.f32 $0.0e+00;
	v18 =	vld [tilespmem:s23+$0xF00];
	v8 =	vmul.f32 v7, v9  }
0x2d: {  	v21 =	vimm.f32 $0.0e+00;
	v16 =	vmul.f32 v5, v9;
	v53 =	vmul.f32 v7, v13  }
0x2e: {  	v25 =	vimm.f32 $0.0e+00;
	v54 =	vld [tilespmem:s23+$0x280];
	v7 =	vmul.f32 v41, v9;
	v11 =	vmul.f32 v5, v13  }
0x2f: {  	v22 =	vimm.f32 $0.0e+00;
	v48 =	vmul.f32 v6, v13;
	v12 =	vmul.f32 v10, v9  }
0x30: {  	v26 =	vimm.f32 $0.0e+00;
	v20 =	vmul.f32 v15, v9;
	v52 =	vmul.f32 v45, v13  }
0x31: {  	v50 =	vld [tilespmem:s23+$0xE80];
	v30 =	vmul.f32 v18, v9;
	v51 =	vmul.f32 v19, v9;
	v8 =	vadd.f32 v8, v17  }
0x32: {  	v47 =	vld [tilespmem:s23+$0x300];
	v5 =	vadd.f32 v7, v17;
	v7 =	vmul.f32 v19, v13;
	v14 =	vadd.f32 v11, v17  }
0x33: {  	v55 =	vld [tilespmem:s23+$0xC00];
	v56 =	vmul.f32 v54, v13;
	v12 =	vadd.f32 v12, v17;
	v11 =	vadd.f32 v20, v17  }
0x34: {  	s26 =	simm.s32 $0x1;
	v49 =	vld [tilespmem:s23+$0xC80];
	s24 =	simm.s32 $0x0;
	v19 =	vimm.f32 $0.0e+00;
	v20 =	vimm.f32 $0.0e+00;
	v7 =	vadd.f32 v7, v17  }
.LBB2_2:
0x35: {  	s25 =	smov.u32 s26  }
0x36: {  	s28 =	sshll.u32 s26, $0x7;
	v17 =	vadd.f32 v53, v17;
	v53 =	vmul.f32 v54, v9;
	v41 =	vmul.f32 v41, v13;
	s24 =	sadd.s32 $0x10, s24;
	s25 =	sadd.s32 $0x1, s26  }
0x37: {  	p0 =	sne.s32 s26, $0x17;
	v57 =	vmul.f32 v50, v9;
	s29 =	sshra.s32 s28, $0x2;
	s28 =	sand.u32 $0x3FFFFC00, s28;
	v46 =	vadd.f32 v56, v46;
	v54 =	vmul.f32 v47, v9;
	v56 =	vld [tilespmem:s23+$0xD80]  }
0x38: {  	s26 =	sand.u32 $0x70, s24;
	s29 =	sand.u32 $0xFFFFFF00, s29;
	v44 =	vadd.f32 v53, v44;
	v53 =	vmul.f32 v6, v9;
	v58 =	vmul.f32 v55, v13;
	v59 =	vld [tilespmem:s23+$0xE00]  }
0x39: {  	v15 =	vmul.f32 v15, v13;
	v55 =	vmul.f32 v55, v9;
	v42 =	vadd.f32 v41, v42;
	s29 =	sor.u32 s26, s29;
	s23 =	sor.u32 s26, s28  }
0x3a: {  	v43 =	vadd.f32 v54, v43;
	v54 =	vmul.f32 v49, v13;
	v49 =	vmul.f32 v49, v9;
	v41 =	vld [tilespmem:s23+$0xF80]  }
0x3b: {  	v45 =	vmul.f32 v45, v9;
	v39 =	vadd.f32 v15, v39;
	v40 =	vadd.f32 v55, v40;
	v6 =	vld [tilespmem:s23+$0x380]  }
0x3c: {  	v38 =	vadd.f32 v52, v38;
	v37 =	vadd.f32 v49, v37;
	v15 =	vld [tilespmem:s23+$0x180];
	v52 =	vmul.f32 v56, v9  }
0x3d: {  	v35 =	vadd.f32 v45, v35;
	v36 =	vadd.f32 v54, v36;
	v49 =	vld [tilespmem:s23+$0xC80];
	v45 =	vmul.f32 v59, v13  }
0x3e: {  	v34 =	vadd.f32 v48, v34;
	v48 =	vmul.f32 v56, v13;
	v54 =	vmul.f32 v59, v9;
	v55 =	vld [tilespmem:s23+$0x80]  }
0x3f: {  	v50 =	vmul.f32 v50, v13;
	v32 =	vadd.f32 v51, v32;
	v33 =	vadd.f32 v57, v33;
	v56 =	vld [tilespmem:s23+$0x0]  }
0x40: {  	v31 =	vadd.f32 v58, v31;
	v19 =	vadd.f32 v48, v19;
	v48 =	vmul.f32 v18, v13;
	v9 =	vld [tilespmem:s29+$0x1880]  }
0x41: {  	v57 =	vmul.f32 v10, v13;
	v28 =	vadd.f32 v50, v28;
	v27 =	vadd.f32 v45, v27;
	v51 =	vld [tilespmem:s29+$0x1800]  }
0x42: {  	v29 =	vadd.f32 v16, v29;
	v24 =	vadd.f32 v53, v24;
	v13 =	vmul.f32 v47, v13;
	v10 =	vld [tilespmem:s23+$0x100]  }
0x43: {  	v20 =	vadd.f32 v30, v20;
	v23 =	vadd.f32 v52, v23;
	v45 =	vld [tilespmem:s23+$0xD00]  }
0x44: {  	v25 =	vadd.f32 v54, v25;
	v21 =	vadd.f32 v13, v21;
	v58 =	vld [tilespmem:s23+$0x200]  }
0x45: {  	v22 =	vadd.f32 v48, v22;
	v30 =	vmul.f32 v56, v9;
	v16 =	vmul.f32 v55, v9;
	v18 =	vld [tilespmem:s23+$0xF00]  }
0x46: {  	v26 =	vadd.f32 v57, v26;
	v52 =	vmul.f32 v41, v9;
	v53 =	vmul.f32 v56, v51;
	v54 =	vld [tilespmem:s23+$0x280];
	v13 =	vmovc v51  }
.Ltmp0:
0x47: {  	v8 =	vadd.f32 v30, v8;
	v30 =	vmul.f32 v55, v13;
	v48 =	vmul.f32 v6, v13;
	v50 =	vld [tilespmem:s23+$0xE80];
	(pc) =	sbr.rel @p0 .LBB2_2-.Ltmp0, $4  }
0x48: {  	v56 =	vmul.f32 v15, v9;
	v51 =	vmul.f32 v10, v9;
	v5 =	vadd.f32 v52, v5;
	v47 =	vld [tilespmem:s23+$0x300]  }
0x49: {  	v52 =	vmul.f32 v45, v13;
	v14 =	vadd.f32 v30, v14;
	v57 =	vmul.f32 v58, v13;
	v55 =	vld [tilespmem:s23+$0xC00]  }
0x4a: {  	v11 =	vadd.f32 v56, v11;
	v12 =	vadd.f32 v51, v12;
	v30 =	vmul.f32 v18, v9  }
0x4b: {  	s26 =	smov.u32 s25;
	v51 =	vmul.f32 v58, v9;
	v7 =	vadd.f32 v57, v7;
	v56 =	vmul.f32 v54, v13  }
0x4c: {  	v54 =	vmul.f32 v54, v9  }
0x4d: {  	v41 =	vmul.f32 v41, v13;
	v57 =	vmul.f32 v6, v9  }
0x4e: {  	v17 =	vadd.f32 v53, v17;
	v15 =	vmul.f32 v15, v13;
	v53 =	vmul.f32 v49, v13  }
0x4f: {  	v60 =	vmul.f32 v49, v9;
	v61 =	vmul.f32 v45, v9;
	v34 =	vadd.f32 v48, v34  }
0x50: {  	v62 =	vmul.f32 v47, v9;
	v46 =	vadd.f32 v56, v46;
	v32 =	vadd.f32 v51, v32  }
0x51: {  	v56 =	vmul.f32 v50, v9;
	v44 =	vadd.f32 v54, v44;
	v6 =	vadd.f32 v41, v42  }
0x52: {  	v58 =	vld [tilespmem:s23+$0xD80];
	v54 =	vmul.f32 v55, v13;
	v49 =	vadd.f32 v15, v39;
	v37 =	vadd.f32 v60, v37  }
0x53: {  	v59 =	vld [tilespmem:s23+$0xE00];
	v63 =	vmul.f32 v55, v9;
	v15 =	vadd.f32 v52, v38;
	v36 =	vadd.f32 v53, v36  }
0x54: {  	v60 =	vmul.f32 v18, v13;
	v24 =	vadd.f32 v57, v24;
	v57 =	vperm.xlane v11, v0  }
0x55: {  	v41 =	vadd.f32 v62, v43;
	v62 =	vperm.xlane v17, v0;
	v39 =	vadd.f32 v63, v40  }
0x56: {  	v63 =	vperm.xlane v8, v0;
	v31 =	vadd.f32 v54, v31;
	v40 =	vmul.f32 v47, v13  }
0x57: {  	v11 =	vadd.f32 v57, v11;
	v57 =	vperm.xlane v32, v0;
	v43 =	vmul.f32 v58, v9  }
0x58: {  	v52 =	vadd.f32 v62, v17;
	v17 =	vadd.f32 v61, v35;
	v53 =	vmul.f32 v59, v13  }
0x59: {  	v55 =	vmul.f32 v58, v13;
	v58 =	vmul.f32 v59, v9;
	v62 =	vadd.f32 v16, v29  }
0x5a: {  	v59 =	vmul.f32 v50, v13;
	v38 =	vadd.f32 v63, v8;
	v8 =	vadd.f32 v56, v33  }
0x5b: {  	v21 =	vadd.f32 v40, v21;
	v45 =	vperm.xlane v52, v1;
	v19 =	vadd.f32 v55, v19  }
0x5c: {  	v18 =	vadd.f32 v53, v27;
	v9 =	vadd.f32 v59, v28;
	v56 =	vperm.xlane v38, v1  }
0x5d: {  	v16 =	vadd.f32 v43, v23;
	v53 =	vperm.xlane v62, v0;
	v55 =	vperm.xlane v12, v0  }
0x5e: {  	v42 =	vadd.f32 v45, v52;
	v52 =	vperm.xlane v14, v0;
	v33 =	vadd.f32 v56, v38  }
0x5f: {  	v12 =	vadd.f32 v55, v12;
	v56 =	vperm.xlane v49, v0;
	v38 =	vperm.xlane v11, v1  }
0x60: {  	v61 =	vperm.xlane v42, v2;
	v14 =	vadd.f32 v52, v14;
	v63 =	vperm.xlane v33, v2  }
0x61: {  	v59 =	vadd.f32 v56, v49;
	v11 =	vadd.f32 v38, v11;
	v56 =	vperm.xlane v7, v0  }
0x62: {  	v27 =	vadd.f32 v61, v42;
	v42 =	vmul.f32 v10, v13;
	v10 =	vadd.f32 v30, v20  }
0x63: {  	v20 =	vadd.f32 v58, v25;
	v13 =	vadd.f32 v60, v22;
	v58 =	vperm.xlane v14, v1  }
0x64: {  	v45 =	vadd.f32 v63, v33;
	v63 =	vperm.xlane v59, v1;
	v48 =	vperm.xlane v11, v2  }
0x65: {  	v7 =	vadd.f32 v56, v7;
	v56 =	vperm.xlane v31, v0;
	v47 =	vperm.xlane v27, v3  }
0x66: {  	v50 =	vadd.f32 v42, v26;
	v26 =	vadd.f32 v53, v62;
	v62 =	vperm.xlane v12, v1  }
0x67: {  	v14 =	vadd.f32 v58, v14;
	v58 =	vperm.xlane v46, v0;
	v51 =	vperm.xlane v45, v3  }
0x68: {  	v11 =	vadd.f32 v48, v11;
	v22 =	vadd.f32 v47, v27;
	v54 =	vperm.xlane v50, v0  }
0x69: {  	v60 =	vperm.xlane v26, v1;
	v40 =	vperm.xlane v14, v2;
	v12 =	vadd.f32 v62, v12  }
0x6a: {  	v27 =	vadd.f32 v63, v59;
	v59 =	vperm.xlane v44, v0;
	v23 =	vadd.f32 v51, v45  }
0x6b: {  	v62 =	vperm.xlane v7, v1;
	v25 =	vadd.f32 v54, v50;
	v26 =	vadd.f32 v60, v26  }
0x6c: {  	v14 =	vadd.f32 v40, v14;
	v45 =	vperm.xlane v12, v2;
	v47 =	vperm.xlane v27, v2  }
0x6d: {  	v54 =	vperm.xlane v11, v3;
	v60 =	vperm.xlane v21, v0;
	v7 =	vadd.f32 v62, v7  }
0x6e: {  	v61 =	vperm.xlane v25, v1;
	v42 =	vperm.xlane v26, v2;
	v12 =	vadd.f32 v45, v12  }
0x6f: {  	v49 =	vperm.xlane v14, v3;
	v27 =	vadd.f32 v47, v27;
	v11 =	vadd.f32 v54, v11  }
0x70: {  	v21 =	vadd.f32 v60, v21;
	v40 =	vperm.xlane v7, v2;
	v54 =	vperm.xlane v34, v0  }
0x71: {  	v25 =	vadd.f32 v61, v25;
	v26 =	vadd.f32 v42, v26;
	v52 =	vperm.xlane v12, v3  }
0x72: {  	v14 =	vadd.f32 v49, v14;
	v53 =	vperm.xlane v27, v3;
	v35 =	vperm.xlane v21, v1  }
0x73: {  	v7 =	vadd.f32 v40, v7;
	v43 =	vperm.xlane v25, v2;
	v50 =	vperm.xlane v26, v3  }
0x74: {  	v14 =	vsel vm0, v22, v14;
	v12 =	vadd.f32 v52, v12;
	v22 =	vadd.f32 v59, v44  }
0x75: {  	v61 =	vperm.xlane v41, v0;
	v21 =	vadd.f32 v35, v21;
	v25 =	vadd.f32 v43, v25  }
0x76: {  	v59 =	vperm.xlane v37, v0;
	v26 =	vadd.f32 v50, v26;
	v33 =	vperm.xlane v22, v1  }
0x77: {  	v55 =	vadd.f32 v53, v27;
	v44 =	vperm.xlane v21, v2;
	v51 =	vperm.xlane v25, v3  }
0x78: {  	v23 =	vsel vm0, v23, v26;
	v26 =	vadd.f32 v61, v41;
	v22 =	vadd.f32 v33, v22  }
0x79: {  	v21 =	vadd.f32 v44, v21;
	v12 =	vsel vm1, v23, v12;
	v23 =	vadd.f32 v58, v46  }
0x7a: {  	v46 =	vperm.xlane v7, v3;
	v58 =	vperm.xlane v36, v0;
	v25 =	vadd.f32 v51, v25  }
0x7b: {  	v11 =	vsel vm2, v12, v11;
	v38 =	vperm.xlane v26, v1;
	v43 =	vperm.xlane v22, v2  }
0x7c: {  	v12 =	vadd.f32 v57, v32;
	v50 =	vperm.xlane v21, v3;
	v57 =	vperm.xlane v39, v0  }
0x7d: {  	v32 =	vperm.xlane v23, v1;
	v7 =	vadd.f32 v46, v7;
	v14 =	vsel vm1, v14, v25  }
0x7e: {  	v63 =	vperm.xlane v12, v1;
	v25 =	vadd.f32 v38, v26;
	v22 =	vadd.f32 v43, v22  }
0x7f: {  	v21 =	vadd.f32 v50, v21;
	v50 =	vperm.xlane v17, v0;
	v14 =	vsel vm2, v14, v55  }
0x80: {  	v23 =	vadd.f32 v32, v23;
	v12 =	vadd.f32 v63, v12;
	v45 =	vperm.xlane v25, v2  }
0x81: {  	v49 =	vperm.xlane v22, v3;
	v7 =	vsel vm3, v14, v7;
	v14 =	vadd.f32 v54, v34  }
0x82: {  	v42 =	vperm.xlane v23, v2;
	v41 =	vperm.xlane v12, v2  }
0x83: {  	v25 =	vadd.f32 v45, v25;
	v52 =	vadd.f32 v49, v22;
	v60 =	vperm.xlane v14, v1  }
0x84: {  	v55 =	vperm.xlane v24, v0;
	v22 =	vadd.f32 v57, v39;
	v23 =	vadd.f32 v42, v23  }
0x85: {  	v12 =	vadd.f32 v41, v12;
	v51 =	vperm.xlane v25, v3;
	v14 =	vadd.f32 v60, v14  }
0x86: {  	v63 =	vperm.xlane v22, v1;
	v48 =	vperm.xlane v23, v3  }
0x87: {  	v47 =	vperm.xlane v12, v3;
	v53 =	vadd.f32 v51, v25;
	v34 =	vperm.xlane v14, v2  }
0x88: {  	v22 =	vadd.f32 v63, v22;
	v51 =	vperm.xlane v19, v0;
	v23 =	vadd.f32 v48, v23  }
0x89: {  	v49 =	vperm.xlane v15, v0;
	v12 =	vadd.f32 v47, v12;
	v14 =	vadd.f32 v34, v14  }
0x8a: {  	v54 =	vadd.f32 v51, v19;
	v7 =	vsel vm4, v7, v23;
	v23 =	vadd.f32 v58, v36  }
0x8b: {  	v11 =	vsel vm3, v11, v12;
	v7 =	vsel vm5, v7, v21;
	v12 =	vadd.f32 v55, v24  }
0x8c: {  	v24 =	vadd.f32 v59, v37;
	v37 =	vperm.xlane v22, v2;
	v40 =	vperm.xlane v14, v3  }
0x8d: {  	v21 =	vadd.f32 v56, v31;
	v55 =	vperm.xlane v20, v0;
	v59 =	vperm.xlane v54, v1  }
0x8e: {  	v11 =	vsel vm4, v11, v52;
	v32 =	vperm.xlane v23, v1;
	v52 =	vperm.xlane v16, v0  }
0x8f: {  	v11 =	vsel vm5, v11, v53;
	v61 =	vperm.xlane v12, v1;
	v62 =	vperm.xlane v21, v1  }
0x90: {  	v33 =	vperm.xlane v24, v1;
	v22 =	vadd.f32 v37, v22;
	v14 =	vadd.f32 v40, v14  }
0x91: {  	v53 =	vperm.xlane v18, v0;
	v19 =	vadd.f32 v55, v20;
	v23 =	vadd.f32 v32, v23  }
0x92: {  	v40 =	vperm.xlane v13, v0;
	v12 =	vadd.f32 v61, v12;
	v21 =	vadd.f32 v62, v21  }
0x93: {  	v24 =	vadd.f32 v33, v24;
	v43 =	vperm.xlane v22, v3;
	v7 =	vsel vm6, v7, v14  }
0x94: {  	v14 =	vadd.f32 v49, v15;
	v15 =	vadd.f32 v52, v16;
	v62 =	vperm.xlane v19, v1  }
0x95: {  	v57 =	vadd.f32 v53, v18;
	v38 =	vperm.xlane v23, v2;
	v35 =	vperm.xlane v12, v2  }
0x96: {  	v36 =	vperm.xlane v21, v2;
	v39 =	vperm.xlane v24, v2;
	v46 =	vadd.f32 v43, v22  }
0x97: {  	v56 =	vperm.xlane v14, v1;
	v60 =	vperm.xlane v15, v1;
	v18 =	vadd.f32 v62, v19  }
0x98: {  	v61 =	vperm.xlane v57, v1;
	v43 =	vadd.f32 v40, v13;
	v23 =	vadd.f32 v38, v23  }
0x99: {  	v38 =	vperm.xlane v9, v0;
	v12 =	vadd.f32 v35, v12;
	v21 =	vadd.f32 v36, v21  }
0x9a: {  	v24 =	vadd.f32 v39, v24;
	v14 =	vadd.f32 v56, v14;
	v28 =	vperm.xlane v18, v2  }
0x9b: {  	v15 =	vadd.f32 v60, v15;
	v39 =	vperm.xlane v8, v0;
	v44 =	vperm.xlane v23, v3  }
0x9c: {  	v16 =	vadd.f32 v61, v57;
	v41 =	vperm.xlane v12, v3;
	v42 =	vperm.xlane v21, v3  }
0x9d: {  	v9 =	vadd.f32 v38, v9;
	v45 =	vperm.xlane v24, v3;
	v63 =	vperm.xlane v14, v2  }
0x9e: {  	v26 =	vperm.xlane v15, v2;
	v18 =	vadd.f32 v28, v18;
	v8 =	vadd.f32 v39, v8  }
0x9f: {  	v27 =	vperm.xlane v16, v2;
	v47 =	vadd.f32 v44, v23;
	v12 =	vadd.f32 v41, v12  }
0xa0: {  	v44 =	vperm.xlane v5, v0;
	v21 =	vadd.f32 v42, v21;
	v48 =	vadd.f32 v45, v24  }
0xa1: {  	v14 =	vadd.f32 v63, v14;
	v15 =	vadd.f32 v26, v15;
	v34 =	vperm.xlane v18, v3  }
0xa2: {  	v16 =	vadd.f32 v27, v16;
	v41 =	vperm.xlane v10, v0;
	v42 =	vperm.xlane v6, v0  }
0xa3: {  	v45 =	vperm.xlane v9, v1;
	v11 =	vsel vm6, v11, v12;
	v12 =	vadd.f32 v50, v17  }
0xa4: {  	v5 =	vadd.f32 v44, v5;
	v7 =	vsel vm7, v7, v21;
	v29 =	vperm.xlane v14, v3  }
0xa5: {  	v17 =	vadd.f32 v59, v54;
	v32 =	vperm.xlane v15, v3;
	v58 =	vperm.xlane v12, v1  }
0xa6: {  	v33 =	vperm.xlane v16, v3;
	v37 =	vadd.f32 v34, v18;
	v10 =	vadd.f32 v41, v10  }
0xa7: {  	v6 =	vadd.f32 v42, v6;
	v11 =	vsel vm7, v11, v46;
	v12 =	vadd.f32 v58, v12  }
0xa8: {  	v7 =	vsel vm8, v7, v47;
	v46 =	vperm.xlane v8, v1;
	v47 =	vperm.xlane v43, v1  }
0xa9: {  	v9 =	vadd.f32 v45, v9;
	v50 =	vperm.xlane v5, v1;
	v24 =	vperm.xlane v12, v2  }
0xaa: {  	v11 =	vsel vm8, v11, v48;
	v14 =	vadd.f32 v29, v14;
	v35 =	vadd.f32 v32, v15  }
0xab: {  	v25 =	vperm.xlane v17, v2;
	v36 =	vadd.f32 v33, v16;
	v12 =	vadd.f32 v24, v12  }
0xac: {  	v48 =	vperm.xlane v10, v1;
	v49 =	vperm.xlane v6, v1;
	v8 =	vadd.f32 v46, v8  }
0xad: {  	v5 =	vadd.f32 v50, v5;
	v17 =	vadd.f32 v25, v17;
	v30 =	vperm.xlane v12, v3  }
0xae: {  	v51 =	vperm.xlane v9, v2;
	v10 =	vadd.f32 v48, v10;
	v6 =	vadd.f32 v49, v6  }
0xaf: {  	v52 =	vperm.xlane v8, v2;
	v56 =	vperm.xlane v5, v2;
	v12 =	vadd.f32 v30, v12  }
0xb0: {  	v9 =	vadd.f32 v51, v9;
	v31 =	vperm.xlane v17, v3;
	v54 =	vperm.xlane v10, v2  }
0xb1: {  	v55 =	vperm.xlane v6, v2;
	v11 =	vsel vm9, v11, v12;
	v12 =	vadd.f32 v47, v43  }
0xb2: {  	v57 =	vperm.xlane v9, v3;
	v8 =	vadd.f32 v52, v8;
	v5 =	vadd.f32 v56, v5  }
0xb3: {  	v17 =	vadd.f32 v31, v17;
	v10 =	vadd.f32 v54, v10;
	v53 =	vperm.xlane v12, v2  }
0xb4: {  	v7 =	vsel vm9, v7, v14;
	v6 =	vadd.f32 v55, v6;
	v9 =	vadd.f32 v57, v9  }
0xb5: {  	v58 =	vperm.xlane v8, v3;
	v62 =	vperm.xlane v5, v3;
	v12 =	vadd.f32 v53, v12  }
0xb6: {  	v7 =	vsel vm10, v7, v17;
	v60 =	vperm.xlane v10, v3;
	v61 =	vperm.xlane v6, v3  }
0xb7: {  	v8 =	vadd.f32 v58, v8;
	v11 =	vsel vm10, v11, v35;
	v59 =	vperm.xlane v12, v3  }
0xb8: {  	v7 =	vsel vm11, v7, v36;
	v63 =	vadd.f32 v60, v10;
	v11 =	vsel vm11, v11, v37  }
0xb9: {  	v5 =	vadd.f32 v62, v5;
	v8 =	vsel vm12, v11, v8;
	v12 =	vadd.f32 v59, v12  }
0xba: {  	v7 =	vsel vm12, v7, v9;
	v6 =	vadd.f32 v61, v6;
	v8 =	vsel vm13, v8, v63  }
0xbb: {  	v5 =	vsel vm14, v8, v5;
	v7 =	vsel vm13, v7, v12  }
0xbc: {  	[tilespmem:$0x3B90] =	vst v5;
	v6 =	vsel vm14, v7, v6  }
0xbd: {  	[tilespmem:$0x3B80] =	vst v6  }
0xbe: {  	[spmem:s8] =	stream.linear.scatter [tilespmem:s17], [sflag:$0x5], $0x20, $0x38;
	[tilespmem:$0x3EA0] =	vst v63  }
0xbf: {  	_ =	swait.ge [sflag:s18], $0x20  }
0xc0: {  	[sflag:s18] =	ssyncset.done $0x0  }
0xc1: {  	[sflag:s18] =	ssyncadd.s32 $0xFFFFFFE0  }
0xc2: {  	[bflag:$0x0] =	sbarrier.arrive $0xFFFF  }
0xc3: {  	[tilespmem:s19], [sflag:$0x5] =	stream.linear.gather [spmem:s3], $0x200, $0x38;
	[tilespmem:$0x3EA0] =	vst v63  }
0xc4: {  	_ =	swait.ge [sflag:s18], $0x200  }
0xc5: {  	[sflag:s18] =	ssyncset.done $0x0  }
0xc6: {  	[sflag:s18] =	ssyncadd.s32 $0xFFFFFE00  }
0xc7: {  	v5 =	vld [tilespmem:$0x1B00];
	_ =	sdelay $0x2  }
0xc8: {  	_ =	swait.ge [sflag:s20], $0x2000  }
0xc9: {  	[sflag:s20] =	ssyncset.done $0x0  }
0xca: {  	s23 =	simm.s32 $0x0;
	s24 =	simm.s32 $0x0;
	[sflag:s20] =	ssyncadd.s32 $0xFFFFE000;
	v5 =	vperm.xlane v5, v4  }
.LBB2_4:
0xcb: {  	s25 =	sshll.u32 s24, $0xB  }
0xcc: {  	s25 =	sand.u32 $0x3FFFF800, s25  }
0xcd: {  	s26 =	simm.s32 $0x0;
	s28 =	sand.u32 $0x400, s23;
	s25 =	sadd.s32 $0x1B80, s25  }
0xce: {  	s29 =	sand.u32 $0x70, s23;
	v7 =	vld [tilespmem:s26+$0x3C00];
	s28 =	sadd.s32 s28, s25  }
0xcf: {  	v8 =	vld [tilespmem:s26+$0x3C10];
	s31 =	sadd.s32 s29, s28  }
0xd0: {  	v6 =	vld [tilespmem:s31+$0x380]  }
0xd1: {  	v9 =	vld [tilespmem:s31+$0x300]  }
0xd2: {  	v19 =	vimm.f32 $0.0e+00;
	v17 =	vimm.f32 $0.0e+00;
	v21 =	vimm.f32 $0.0e+00;
	v18 =	vld [tilespmem:s31+$0x80]  }
0xd3: {  	v20 =	vimm.f32 $0.0e+00;
	v16 =	vimm.f32 $0.0e+00;
	v15 =	vimm.f32 $0.0e+00  }
0xd4: {  	v13 =	vimm.f32 $0.0e+00;
	v14 =	vimm.f32 $0.0e+00;
	v12 =	vimm.f32 $0.0e+00;
	v31 =	vld [tilespmem:s31+$0x280]  }
0xd5: {  	v11 =	vimm.f32 $0.0e+00;
	v29 =	vimm.f32 $0.0e+00;
	v26 =	vld [tilespmem:s31+$0x180];
	v10 =	vmul.f32 v6, v8  }
0xd6: {  	v25 =	vimm.f32 $0.0e+00;
	v28 =	vld [tilespmem:s31+$0x0];
	v27 =	vmul.f32 v9, v8;
	v33 =	vmul.f32 v6, v7  }
0xd7: {  	v24 =	vimm.f32 $0.0e+00;
	v23 =	vld [tilespmem:s31+$0x200];
	v30 =	vmul.f32 v18, v7;
	v32 =	vmul.f32 v9, v7  }
0xd8: {  	s26 =	simm.s32 $0x10;
	s28 =	simm.s32 $0x80;
	v22 =	vld [tilespmem:s31+$0x100];
	v9 =	vimm.f32 $0.0e+00;
	v6 =	vadd.f32 v10, v19;
	v10 =	vimm.f32 $0.0e+00  }
.LBB2_5:
0xd9: {  	s31 =	smov.u32 s28  }
0xda: {  	s29 =	sshra.s32 s28, $0x2;
	s30 =	sand.u32 $0x400, s28;
	v34 =	vmul.f32 v31, v7;
	v31 =	vmul.f32 v31, v8;
	v19 =	vadd.f32 v33, v19;
	s31 =	sadd.s32 $0x80, s28  }
0xdb: {  	s2 =	sand.u32 $0x70, s26;
	p0 =	sne.s32 s28, $0x780;
	s30 =	sadd.s32 s30, s25;
	v35 =	vmul.f32 v26, v7;
	v26 =	vmul.f32 v26, v8;
	v17 =	vadd.f32 v32, v17;
	v33 =	vld [tilespmem:s29+$0x3C00]  }
0xdc: {  	v20 =	vadd.f32 v27, v20;
	v21 =	vadd.f32 v30, v21;
	s2 =	sadd.s32 s2, s30;
	v36 =	vmul.f32 v28, v8;
	v32 =	vld [tilespmem:s29+$0x3C10]  }
0xdd: {  	v15 =	vadd.f32 v31, v15;
	v16 =	vadd.f32 v26, v16;
	v26 =	vmul.f32 v23, v7;
	v30 =	vld [tilespmem:s2+$0x380]  }
0xde: {  	v13 =	vadd.f32 v34, v13;
	v23 =	vmul.f32 v23, v8;
	v27 =	vmul.f32 v22, v7;
	v37 =	vld [tilespmem:s2+$0x300]  }
0xdf: {  	v34 =	vmul.f32 v18, v8;
	v38 =	vmul.f32 v22, v8;
	v14 =	vadd.f32 v26, v14;
	v18 =	vld [tilespmem:s2+$0x80]  }
.Ltmp1:
0xe0: {  	v10 =	vadd.f32 v35, v10;
	v22 =	vmul.f32 v28, v7;
	v12 =	vadd.f32 v27, v12;
	v31 =	vld [tilespmem:s2+$0x280];
	v7 =	vmovc v33;
	(pc) =	sbr.rel @p0 .LBB2_5-.Ltmp1, $4  }
0xe1: {  	v9 =	vadd.f32 v23, v9;
	v11 =	vadd.f32 v38, v11;
	v26 =	vld [tilespmem:s2+$0x180];
	v8 =	vmov v32  }
0xe2: {  	v25 =	vadd.f32 v36, v25;
	v29 =	vadd.f32 v22, v29;
	v28 =	vld [tilespmem:s2+$0x0];
	v35 =	vmul.f32 v30, v8  }
0xe3: {  	v24 =	vadd.f32 v34, v24;
	v33 =	vmul.f32 v30, v7;
	v23 =	vld [tilespmem:s2+$0x200];
	v27 =	vmul.f32 v37, v8  }
0xe4: {  	s26 =	sadd.s32 $0x10, s26;
	s28 =	smov.u32 s31;
	v32 =	vmul.f32 v37, v7;
	v30 =	vmul.f32 v18, v7;
	v22 =	vld [tilespmem:s2+$0x100];
	v6 =	vadd.f32 v35, v6  }
0xe5: {  	v59 =	vmul.f32 v31, v7  }
0xe6: {  	v60 =	vmul.f32 v31, v8;
	v18 =	vmul.f32 v18, v8;
	v19 =	vadd.f32 v33, v19  }
0xe7: {  	v20 =	vadd.f32 v27, v20;
	v61 =	vmul.f32 v26, v8;
	v21 =	vadd.f32 v30, v21  }
0xe8: {  	v17 =	vadd.f32 v32, v17;
	v35 =	vmul.f32 v26, v7;
	v34 =	vmul.f32 v28, v7  }
0xe9: {  	v58 =	vmul.f32 v28, v8;
	v18 =	vadd.f32 v18, v24;
	v15 =	vadd.f32 v60, v15  }
0xea: {  	v13 =	vadd.f32 v59, v13;
	v32 =	vperm.xlane v21, v0;
	v16 =	vadd.f32 v61, v16  }
0xeb: {  	v38 =	vmul.f32 v23, v7;
	v41 =	vmul.f32 v23, v8;
	v10 =	vadd.f32 v35, v10  }
0xec: {  	v29 =	vadd.f32 v34, v29;
	v33 =	vperm.xlane v18, v0;
	v7 =	vmul.f32 v22, v7  }
0xed: {  	v25 =	vadd.f32 v58, v25;
	v46 =	vmul.f32 v22, v8;
	v35 =	vperm.xlane v13, v0  }
0xee: {  	v21 =	vadd.f32 v32, v21;
	v14 =	vadd.f32 v38, v14;
	v54 =	vperm.xlane v10, v0  }
0xef: {  	v9 =	vadd.f32 v41, v9;
	v55 =	vperm.xlane v16, v0;
	v41 =	vperm.xlane v20, v0  }
0xf0: {  	v62 =	vperm.xlane v29, v0;
	v18 =	vadd.f32 v33, v18;
	v7 =	vadd.f32 v7, v12  }
0xf1: {  	v63 =	vperm.xlane v25, v0;
	v8 =	vadd.f32 v46, v11;
	v38 =	vadd.f32 v35, v13  }
0xf2: {  	v39 =	vperm.xlane v21, v1;
	v10 =	vadd.f32 v54, v10;
	v57 =	vperm.xlane v14, v0  }
0xf3: {  	v16 =	vadd.f32 v55, v16;
	v58 =	vperm.xlane v9, v0;
	v24 =	vadd.f32 v62, v29  }
0xf4: {  	v25 =	vadd.f32 v63, v25;
	v40 =	vperm.xlane v18, v1;
	v52 =	vperm.xlane v7, v0  }
0xf5: {  	v53 =	vperm.xlane v8, v0;
	v21 =	vadd.f32 v39, v21;
	v59 =	vperm.xlane v10, v1  }
0xf6: {  	v12 =	vadd.f32 v57, v14;
	v60 =	vperm.xlane v16, v1;
	v9 =	vadd.f32 v58, v9  }
0xf7: {  	v36 =	vperm.xlane v24, v1;
	v37 =	vperm.xlane v25, v1;
	v18 =	vadd.f32 v40, v18  }
0xf8: {  	v39 =	vperm.xlane v17, v0;
	v7 =	vadd.f32 v52, v7;
	v8 =	vadd.f32 v53, v8  }
0xf9: {  	v44 =	vperm.xlane v21, v2;
	v24 =	vadd.f32 v36, v24;
	v25 =	vadd.f32 v37, v25  }
0xfa: {  	v10 =	vadd.f32 v59, v10;
	v62 =	vperm.xlane v12, v1;
	v63 =	vperm.xlane v9, v1  }
0xfb: {  	v14 =	vadd.f32 v60, v16;
	v42 =	vperm.xlane v24, v2;
	v43 =	vperm.xlane v25, v2  }
0xfc: {  	v45 =	vperm.xlane v18, v2;
	v56 =	vperm.xlane v7, v1;
	v47 =	vadd.f32 v44, v21  }
0xfd: {  	v37 =	vperm.xlane v15, v0;
	v24 =	vadd.f32 v42, v24;
	v25 =	vadd.f32 v43, v25  }
0xfe: {  	v12 =	vadd.f32 v62, v12;
	v18 =	vadd.f32 v45, v18;
	v45 =	vperm.xlane v6, v0  }
0xff: {  	v9 =	vadd.f32 v63, v9;
	v48 =	vperm.xlane v24, v3;
	v49 =	vperm.xlane v25, v3  }
0x100: {  	v7 =	vadd.f32 v56, v7;
	v50 =	vperm.xlane v47, v3;
	v27 =	vperm.xlane v12, v2  }
0x101: {  	v28 =	vperm.xlane v9, v2;
	v21 =	vadd.f32 v48, v24;
	v22 =	vadd.f32 v49, v25  }
0x102: {  	v40 =	vadd.f32 v37, v15;
	v51 =	vperm.xlane v18, v3;
	v61 =	vperm.xlane v7, v2  }
0x103: {  	v42 =	vperm.xlane v38, v1;
	v21 =	vsel vm0, v21, v22;
	v22 =	vperm.xlane v8, v1  }
0x104: {  	v43 =	vperm.xlane v19, v0;
	v6 =	vadd.f32 v45, v6;
	v11 =	vadd.f32 v50, v47  }
0x105: {  	v44 =	vperm.xlane v40, v1;
	v12 =	vadd.f32 v27, v12;
	v8 =	vadd.f32 v22, v8  }
0x106: {  	v9 =	vadd.f32 v28, v9;
	v18 =	vadd.f32 v51, v18;
	v51 =	vperm.xlane v6, v1  }
0x107: {  	v7 =	vadd.f32 v61, v7;
	v31 =	vperm.xlane v12, v3;
	v22 =	vperm.xlane v8, v2  }
0x108: {  	v13 =	vadd.f32 v43, v19;
	v33 =	vperm.xlane v9, v3;
	v24 =	vperm.xlane v10, v2  }
0x109: {  	v25 =	vperm.xlane v14, v2;
	v26 =	vperm.xlane v7, v3;
	v8 =	vadd.f32 v22, v8  }
0x10a: {  	v49 =	vperm.xlane v13, v1;
	v6 =	vadd.f32 v51, v6;
	v10 =	vadd.f32 v24, v10  }
0x10b: {  	v34 =	vadd.f32 v31, v12;
	v36 =	vadd.f32 v33, v9;
	v22 =	vperm.xlane v8, v3  }
0x10c: {  	v7 =	vadd.f32 v26, v7;
	v11 =	vsel vm1, v21, v11;
	v29 =	vperm.xlane v10, v3  }
0x10d: {  	v9 =	vadd.f32 v41, v20;
	v11 =	vsel vm2, v11, v18;
	v8 =	vadd.f32 v22, v8  }
0x10e: {  	v7 =	vsel vm3, v11, v7;
	v11 =	vadd.f32 v39, v17;
	v10 =	vadd.f32 v29, v10  }
0x10f: {  	v14 =	vadd.f32 v25, v14;
	v12 =	vadd.f32 v49, v13;
	v7 =	vsel vm4, v7, v8  }
0x110: {  	v46 =	vperm.xlane v11, v1;
	v7 =	vsel vm5, v7, v10;
	v10 =	vadd.f32 v42, v38  }
0x111: {  	v56 =	vperm.xlane v6, v2;
	v47 =	vperm.xlane v9, v1;
	v8 =	vadd.f32 v44, v40  }
0x112: {  	v30 =	vperm.xlane v14, v3;
	v11 =	vadd.f32 v46, v11;
	v48 =	vperm.xlane v10, v2  }
0x113: {  	v55 =	vperm.xlane v12, v2;
	v9 =	vadd.f32 v47, v9;
	v50 =	vperm.xlane v8, v2  }
0x114: {  	v6 =	vadd.f32 v56, v6;
	v52 =	vperm.xlane v11, v2;
	v10 =	vadd.f32 v48, v10  }
0x115: {  	v32 =	vadd.f32 v30, v14;
	v53 =	vperm.xlane v9, v2;
	v8 =	vadd.f32 v50, v8  }
0x116: {  	v12 =	vadd.f32 v55, v12;
	v11 =	vadd.f32 v52, v11;
	v54 =	vperm.xlane v10, v3  }
0x117: {  	v9 =	vadd.f32 v53, v9;
	v7 =	vsel vm6, v7, v32;
	v16 =	vperm.xlane v8, v3  }
0x118: {  	v57 =	vperm.xlane v11, v3;
	v7 =	vsel vm7, v7, v34;
	v10 =	vadd.f32 v54, v10  }
0x119: {  	v58 =	vperm.xlane v9, v3;
	v7 =	vsel vm8, v7, v36;
	v8 =	vadd.f32 v16, v8  }
0x11a: {  	v60 =	vperm.xlane v12, v3;
	v59 =	vadd.f32 v57, v11;
	v7 =	vsel vm9, v7, v10  }
0x11b: {  	v62 =	vperm.xlane v6, v3;
	v61 =	vadd.f32 v58, v9;
	v7 =	vsel vm10, v7, v8  }
0x11c: {  	s2 =	sshll.u32 s24, $0x4;
	s24 =	sadd.s32 $0x1, s24;
	v63 =	vadd.f32 v60, v12;
	v7 =	vsel vm11, v7, v59  }
0x11d: {  	p0 =	sne.s32 s24, $0x4;
	v6 =	vadd.f32 v62, v6;
	v7 =	vsel vm12, v7, v61  }
.Ltmp2:
0x11e: {  	v7 =	vsel vm13, v7, v63;
	(pc) =	sbr.rel @p0 .LBB2_4-.Ltmp2, $4  }
0x11f: {  	v6 =	vsel vm14, v7, v6  }
0x120: {  	v6 =	vadd.f32 v6, v5  }
0x121: {  	s2 =	sand.u32 $0x3FFFFFF0, s2  }
0x122: {  	[tilespmem:s2+$0x3E00] =	vst v6  }
0x123: {  	s22 =	sadd.s32 $0x1, s22  }
0x124: {  	p0 =	sne.s32 s22, s10  }
.Ltmp3:
0x125: {  	_ = 	snop;
	(pc) =	sbr.rel @p0 .LBB2_1-.Ltmp3, $4  }
0x126: {  	[hbm4b:s9+s4] =	stream.linear.scatter [tilespmem:s21], [sflag:$0x5], $0x40, $0x38;
	[tilespmem:$0x3EA0] =	vst v63  }
0x127: {  	_ =	swait.ge [sflag:s18], $0x40  }
0x128: {  	[sflag:s18] =	ssyncset.done $0x0  }
0x129: {  	[sflag:s18] =	ssyncadd.s32 $0xFFFFFFC0  }
0x12a: {  	_ =	sfence.sel $0x180000  }
0x12b: {  	[bflag:$0x0] =	sbarrier.arrive $0xFFFF  }
0x12c: {  	_ =	strace $0x90000047  }
0x12d: {  	[bflag:$0x2] =	sbarrier.arrive $0xFFFF  }
0x12e: {  	p0 =	sne.s32 s5, $0x0;
	s0 =	rddreg [dreg:$0x6]  }
0x12f: {  	s0 =	sadd.s32 @!p0 $0x100000, s0  }
0x130: {  	[sflag:s0] =	ssyncadd.tile.s32 @!p0 $0x1;
	_ =	shalt  }
.Lfunc_end2:
_tile_overlayer_lowered:
.L_overlay_start_2:
0x131: {  	(tag) =	ssettag $0x2  }
0x132: {  	s0 =	rddreg [dreg:$0x0];
	s2 =	stileid.u32  }
0x133: {  	s1 =	rddreg [dreg:$0x1];
	p0 =	sne.s32 s2, $0x0  }
0x134: {  	s3 =	rddreg [dreg:$0x2];
	[bflag:$0x3] =	sbarrier.arrive $0xFFFF;
	s2 =	simm.s32 @!p0 $0x1C05  }
0x135: {  	[timem:s3], [sflag:s2] =	dma.local @!p0 [hbm:s0], s1  }
0x136: {  	s0 =	simm.s32 @!p0 $0x5  }
0x137: {  	_ =	swait.ge @!p0 [sflag:s0], s1  }
0x138: {  	s1 =	ssub.s32 @!p0 $0x0, s1;
	[sflag:s0] =	ssyncset.done @!p0 $0x0  }
0x139: {  	[sflag:s0] =	ssyncadd.s32 @!p0 s1  }
0x13a: {  	[bflag:$0x3] =	sbarrier.arrive $0xFFFF  }
0x13b: {  	_ =	shalt  }

</sc_bundles>
